<compile_context>
chip_gen: v7x
topology: tpu7x:2x2x1
jax: 0.10.2.dev20260603
libtpu: 0.0.44.dev20260713+nightly
codegen_flags: <defaults>
</compile_context>

<pallas_src>
import jax
import jax.numpy as jnp
from jax import lax
from jax.experimental import pallas as pl
from jax.experimental.pallas import tpu as pltpu
from jax.experimental.pallas import tpu_sc as plsc

L = 16
NB = 4096
CAP = 320
NCAND = CAP // L
CHUNK = 25024
NCHUNK = CHUNK // L
NFLAT = 4 * CHUNK
TOPK = 200
NGRP = 13
NW = NGRP * L
CATN = 4 * NW + L
BIG = 1 << 30
IMG = 512.0


def _sc_body(conf_hbm, params_hbm, out_hbm,
             conf_v, hist_v, hist2_v, cand_v, cidx_v,
             wv_v, wi_v, catv_v, catf_v, fwv_v, fwi_v,
             params_v, out_v, stage_v,
             hist_sh, winv_sh, wini_sh, thr_sh, psem):
    c = lax.axis_index("c")
    s = lax.axis_index("s")
    bl = s // 4
    shard = s % 4
    b = c * 4 + bl
    slot = bl * 4 + shard
    lanes = lax.iota(jnp.int32, L)
    zero16i = jnp.zeros((L,), jnp.int32)

    pltpu.sync_copy(conf_hbm.at[pl.ds(b * NFLAT + shard * CHUNK, CHUNK)],
                    conf_v)

    @plsc.parallel_loop(0, NB, step=L, unroll=8)
    def _zero_hist(i):
        hist_v[pl.ds(i, L)] = zero16i

    @pl.when(shard == 0)
    def _():
        pltpu.async_copy(params_hbm.at[pl.ds(b * 60000, 60000)], params_v,
                         psem)

    ones16 = jnp.ones((L,), jnp.int32)

    @plsc.parallel_loop(0, CHUNK, step=L, unroll=8)
    def _hist_step(i):
        v = conf_v[pl.ds(i, L)]
        bkt = jnp.maximum((v * float(NB)).astype(jnp.int32), 0)
        plsc.addupdate_scatter(hist_v, [bkt], ones16)

    pltpu.sync_copy(hist_v, hist_sh.at[pl.ds(slot * NB, NB)])
    plsc.subcore_barrier()

    @pl.when(shard == 0)
    def _():
        for g in range(1, 4):
            pltpu.sync_copy(hist_sh.at[pl.ds((bl * 4 + g) * NB, NB)],
                            hist2_v)

            @plsc.parallel_loop(0, NB, step=L, unroll=8)
            def _acc(i):
                hist_v[pl.ds(i, L)] = (hist_v[pl.ds(i, L)]
                                       + hist2_v[pl.ds(i, L)])

        def _scan(j, carry):
            total, kstar, found = carry
            jj = (NB // L - 1) - j
            h16 = hist_v[pl.ds(jj * L, L)]
            suf = lax.rev(plsc.cumsum(lax.rev(h16, (0,))), (0,)) + total
            cond = suf >= TOPK
            m = jnp.max(jnp.where(cond, lanes, -1))
            hit = m >= 0
            kstar = jnp.where(jnp.logical_and(hit, jnp.logical_not(found)),
                              jj * L + m, kstar)
            found = jnp.logical_or(found, hit)
            total = total + jnp.sum(h16)
            return total, kstar, found
        _, kstar, _ = lax.fori_loop(
            0, NB // L, _scan,
            (jnp.int32(0), jnp.int32(0), jnp.bool_(False)))
        thr = kstar.astype(jnp.float32) * (1.0 / float(NB))
        stage_v[...] = jnp.zeros((L,), jnp.float32) + thr
        pltpu.sync_copy(stage_v, thr_sh.at[pl.ds(bl * L, L)])

    plsc.subcore_barrier()

    pltpu.sync_copy(thr_sh.at[pl.ds(bl * L, L)], stage_v)
    thrv = stage_v[...]

    @plsc.parallel_loop(0, CAP, step=L, unroll=4)
    def _zero_cand(i):
        cand_v[pl.ds(i, L)] = jnp.full((L,), -1.0, jnp.float32)
        cidx_v[pl.ds(i, L)] = zero16i + BIG

    @plsc.parallel_loop(0, CHUNK, step=L, unroll=4, carry=zero16i)
    def _compact(i, off):
        v = conf_v[pl.ds(i, L)]
        msk = v >= thrv
        mi = msk.astype(jnp.int32)
        pos = jnp.minimum(plsc.cumsum(mi) - 1 + off, CAP - 1)
        fidx = shard * CHUNK + i + lanes
        plsc.store_scatter(cand_v, [pos], v, mask=msk)
        plsc.store_scatter(cidx_v, [pos], fidx, mask=msk)
        return off + plsc.all_reduce_population_count(msk)

    def _group(g, _):
        def _step(j, carry):
            accv, acci = carry
            m16 = cand_v[pl.ds(0, L)]
            for r in range(1, NCAND):
                m16 = jnp.maximum(m16, cand_v[pl.ds(r * L, L)])
            mval = jnp.max(m16)
            p16 = zero16i + BIG
            for r in range(NCAND):
                v = cand_v[pl.ds(r * L, L)]
                p16 = jnp.minimum(
                    p16, jnp.where(v == mval, r * L + lanes, BIG))
            pslot = jnp.min(p16)
            i16 = plsc.load_gather(cidx_v, [zero16i + pslot])
            plsc.store_scatter(cand_v, [zero16i + pslot],
                               jnp.full((L,), -2.0, jnp.float32),
                               mask=lanes == 0)
            accv = jnp.where(lanes == j, mval, accv)
            acci = jnp.where(lanes == j, i16, acci)
            return accv, acci
        accv, acci = lax.fori_loop(
            0, L, _step, (jnp.zeros((L,), jnp.float32), zero16i))
        wv_v[pl.ds(g * L, L)] = accv
        wi_v[pl.ds(g * L, L)] = acci
        return 0
    lax.fori_loop(0, NGRP, _group, 0)

    pltpu.sync_copy(wv_v, winv_sh.at[pl.ds(slot * NW, NW)])
    pltpu.sync_copy(wi_v, wini_sh.at[pl.ds(slot * NW, NW)])
    plsc.subcore_barrier()

    @pl.when(shard == 0)
    def _():
        for g in range(4):
            pltpu.sync_copy(winv_sh.at[pl.ds((bl * 4 + g) * NW, NW)],
                            catv_v.at[pl.ds(g * NW, NW)])
            pltpu.sync_copy(wini_sh.at[pl.ds((bl * 4 + g) * NW, NW)],
                            catf_v.at[pl.ds(g * NW, NW)])
        catv_v[pl.ds(4 * NW, L)] = jnp.full((L,), -3.0, jnp.float32)
        catf_v[pl.ds(4 * NW, L)] = zero16i + BIG

        base16 = jnp.where(lanes < 4, lanes * NW, 4 * NW)

        def _mgroup(g, hp16):
            def _mstep(j, carry):
                accv, acci, hp = carry
                idx = base16 + hp
                hv = plsc.load_gather(catv_v, [idx])
                hf = plsc.load_gather(catf_v, [idx])
                mval = jnp.max(hv)
                tie = hv == mval
                mf = jnp.min(jnp.where(tie, hf, BIG))
                win = jnp.logical_and(tie, hf == mf)
                hp = hp + win.astype(jnp.int32)
                accv = jnp.where(lanes == j, mval, accv)
                acci = jnp.where(lanes == j, mf, acci)
                return accv, acci, hp
            accv, acci, hp16 = lax.fori_loop(
                0, L, _mstep,
                (jnp.zeros((L,), jnp.float32), zero16i, hp16))
            fwv_v[pl.ds(g * L, L)] = accv
            fwi_v[pl.ds(g * L, L)] = acci
            return hp16
        lax.fori_loop(0, NGRP, _mgroup, zero16i)

        pltpu.make_async_copy(params_hbm.at[pl.ds(b * 60000, 60000)],
                              params_v, psem).wait()

        @plsc.parallel_loop(0, NGRP * L, step=L, unroll=2)
        def _decode(gl):
            f = fwi_v[pl.ds(gl, L)]
            conf = fwv_v[pl.ds(gl, L)]
            cls = f // 5000 + 1
            box = lax.rem(f, jnp.int32(5000))
            pbase = box * 12
            p = []
            for col in range(12):
                p.append(plsc.load_gather(params_v, [pbase + col]))
            cx = p[0] * p[8] * p[6] + p[4]
            cy = p[1] * p[9] * p[7] + p[5]
            w = jnp.exp(p[2] * p[10]) * p[6]
            h = jnp.exp(p[3] * p[11]) * p[7]
            xmin = (cx - 0.5 * w) * IMG
            ymin = (cy - 0.5 * h) * IMG
            xmax = (cx + 0.5 * w) * IMG
            ymax = (cy + 0.5 * h) * IMG
            rows = gl + lanes
            valid = rows < TOPK
            vals = [cls.astype(jnp.float32), conf, xmin, ymin, xmax, ymax]
            obase = rows * 6
            for col in range(6):
                plsc.store_scatter(out_v, [obase + col], vals[col],
                                   mask=valid)

        pltpu.sync_copy(out_v, out_hbm.at[pl.ds(b * TOPK * 6, TOPK * 6)])


@jax.jit
def kernel(y_pred):
    conf = y_pred[:, :, 1:21]
    conf_t = conf.transpose(0, 2, 1).reshape(8, 100000)
    conf_t = jnp.pad(conf_t, ((0, 0), (0, NFLAT - 100000)),
                     constant_values=-1.0).reshape(-1)
    params = y_pred[:, :, 21:33]

    run = pl.kernel(
        _sc_body,
        out_type=jax.ShapeDtypeStruct((8 * TOPK * 6,), jnp.float32),
        mesh=plsc.VectorSubcoreMesh(core_axis_name="c", subcore_axis_name="s",
                                    num_cores=2, num_subcores=16),
        scratch_types=[
            pltpu.VMEM((CHUNK,), jnp.float32),
            pltpu.VMEM((NB,), jnp.int32),
            pltpu.VMEM((NB,), jnp.int32),
            pltpu.VMEM((CAP,), jnp.float32),
            pltpu.VMEM((CAP,), jnp.int32),
            pltpu.VMEM((NW,), jnp.float32),
            pltpu.VMEM((NW,), jnp.int32),
            pltpu.VMEM((CATN,), jnp.float32),
            pltpu.VMEM((CATN,), jnp.int32),
            pltpu.VMEM((NW,), jnp.float32),
            pltpu.VMEM((NW,), jnp.int32),
            pltpu.VMEM((60000,), jnp.float32),
            pltpu.VMEM((TOPK * 6,), jnp.float32),
            pltpu.VMEM((L,), jnp.float32),
            pltpu.VMEM_SHARED((4 * 4 * NB,), jnp.int32),
            pltpu.VMEM_SHARED((4 * 4 * NW,), jnp.float32),
            pltpu.VMEM_SHARED((4 * 4 * NW,), jnp.int32),
            pltpu.VMEM_SHARED((4 * L,), jnp.float32),
            pltpu.SemaphoreType.DMA,
        ],
        compiler_params=pltpu.CompilerParams(needs_layout_passes=False,
                                             use_tc_tiling_on_sc=False),
    )
    return run(conf_t, params.reshape(-1)).reshape(8, TOPK, 6)

# --- scband reference (transcript-rebuilt; emitter-appended) ---
"""Pipeline reference for scband-decode-detections-64931315581189 (READ-ONLY COPY).

The authoritative reference and input builder live on the scoring server;
editing this copy changes nothing except your own understanding.
"""

import jax, jax.numpy as jnp
import numpy as np

IMG_H = 512.0
IMG_W = 512.0
TOP_K = 200
NMS_MAX = 5000


def setup_inputs(seed: int = 0) -> dict:
    key = jax.random.key(seed)
    y_pred = jax.random.uniform(key, (8, 5000, 33), dtype=jnp.float32)
    return {"y_pred": y_pred}


def reference(y_pred):
    # decode centroid offsets -> corner coords (faithful to the TF layer)
    cx = y_pred[..., -12] * y_pred[..., -4] * y_pred[..., -6] + y_pred[..., -8]
    cy = y_pred[..., -11] * y_pred[..., -3] * y_pred[..., -5] + y_pred[..., -7]
    w = jnp.exp(y_pred[..., -10] * y_pred[..., -2]) * y_pred[..., -6]
    h = jnp.exp(y_pred[..., -9] * y_pred[..., -1]) * y_pred[..., -5]
    xmin = (cx - 0.5 * w) * IMG_W   # tf.cond(True) always takes normalized_coords branch
    ymin = (cy - 0.5 * h) * IMG_H
    xmax = (cx + 0.5 * w) * IMG_W
    ymax = (cy + 0.5 * h) * IMG_H
    y = jnp.concatenate(
        [y_pred[..., :-12], xmin[..., None], ymin[..., None], xmax[..., None], ymax[..., None]],
        axis=-1,
    )
    n_classes = y.shape[2] - 4
    n_boxes = y.shape[1]

    def filter_predictions(batch_item):
        box_coordinates = batch_item[:, -4:]

        def filter_single_class(i):
            confidences = batch_item[:, i][:, None]
            class_id = jnp.ones_like(confidences) * i.astype(jnp.float32)
            single_class = jnp.concatenate([class_id, confidences, box_coordinates], axis=-1)
            padded = jnp.pad(single_class, ((0, NMS_MAX - n_boxes), (0, 0)), mode="constant", constant_values=0.0)
            return padded

        filtered_single_classes = jax.vmap(filter_single_class)(jnp.arange(1, n_classes))
        filtered_predictions = filtered_single_classes.reshape(-1, 6)
        # (n_classes-1)*NMS_MAX >= top_k, so the TF cond takes the plain top_k branch
        _, idx = jax.lax.top_k(filtered_predictions[:, 1], TOP_K)
        return jnp.take(filtered_predictions, idx, axis=0)

    return jax.vmap(filter_predictions)(y)

if __name__ == "__main__":
    import jax
    _d = setup_inputs()
    print(jax.jit(kernel)(*tuple(_d.values())))

</pallas_src>

<mosaic_0001>
#map = affine_map<(d0, d1) -> (0)>
module attributes {stable_mosaic.version = 14 : i64} {
  func.func @_sc_body(%arg0: i32, %arg1: i32, %arg2: memref<800768xf32, #tpu.memory_space<hbm>>, %arg3: memref<480000xf32, #tpu.memory_space<hbm>>, %arg4: memref<9600xf32, #tpu.memory_space<hbm>>, %arg5: memref<25024xf32, #tpu.memory_space<vmem>>, %arg6: memref<4096xi32, #tpu.memory_space<vmem>>, %arg7: memref<4096xi32, #tpu.memory_space<vmem>>, %arg8: memref<320xf32, #tpu.memory_space<vmem>>, %arg9: memref<320xi32, #tpu.memory_space<vmem>>, %arg10: memref<208xf32, #tpu.memory_space<vmem>>, %arg11: memref<208xi32, #tpu.memory_space<vmem>>, %arg12: memref<848xf32, #tpu.memory_space<vmem>>, %arg13: memref<848xi32, #tpu.memory_space<vmem>>, %arg14: memref<208xf32, #tpu.memory_space<vmem>>, %arg15: memref<208xi32, #tpu.memory_space<vmem>>, %arg16: memref<60000xf32, #tpu.memory_space<vmem>>, %arg17: memref<1200xf32, #tpu.memory_space<vmem>>, %arg18: memref<16xf32, #tpu.memory_space<vmem>>, %arg19: memref<65536xi32, #tpu.memory_space<vmem_shared>>, %arg20: memref<3328xf32, #tpu.memory_space<vmem_shared>>, %arg21: memref<3328xi32, #tpu.memory_space<vmem_shared>>, %arg22: memref<64xf32, #tpu.memory_space<vmem_shared>>, %arg23: memref<!tpu.dma_semaphore, #tpu.memory_space<semaphore_mem>>) attributes {dimension_semantics = [#tpu.dimension_semantics<core_parallel>, #tpu.dimension_semantics<subcore_parallel>], iteration_bounds = array<i64: 2, 16>, scalar_prefetch = 0 : i64, scratch_operands = 19 : i64, tpu.core_type = #tpu.core_type<sc_vector_subcore>, window_params = [{transform_indices = #map}, {transform_indices = #map}, {transform_indices = #map}]} {
    %jit3A = arith.constant 4 : i32
    %div3A = arith.divsi %arg1, %jit3A : i32
    %sign3A = arith.constant 0 : i32
    %sign3A_0 = arith.cmpi sgt, %arg1, %sign3A : i32
    %sign3A_1 = arith.extui %sign3A_0 : i1 to i32
    %sign3A_2 = arith.constant 0 : i32
    %sign3A_3 = arith.cmpi slt, %arg1, %sign3A_2 : i32
    %sign3A_4 = arith.extui %sign3A_3 : i1 to i32
    %sign3A_5 = arith.subi %sign3A_1, %sign3A_4 : i32
    %sign3A_6 = arith.constant 0 : i32
    %sign3A_7 = arith.cmpi sgt, %jit3A, %sign3A_6 : i32
    %sign3A_8 = arith.extui %sign3A_7 : i1 to i32
    %sign3A_9 = arith.constant 0 : i32
    %sign3A_10 = arith.cmpi slt, %jit3A, %sign3A_9 : i32
    %sign3A_11 = arith.extui %sign3A_10 : i1 to i32
    %sign3A_12 = arith.subi %sign3A_8, %sign3A_11 : i32
    %ne3A = arith.cmpi ne, %sign3A_5, %sign3A_12 : i32
    %rem3A = arith.remsi %arg1, %jit3A : i32
    %ne3A_13 = arith.constant 0 : i32
    %ne3A_14 = arith.cmpi ne, %rem3A, %ne3A_13 : i32
    %and3A = arith.andi %ne3A, %ne3A_14 : i1
    %sub3A = arith.constant 1 : i32
    %sub3A_15 = arith.subi %div3A, %sub3A : i32
    %select_n3A = arith.select %and3A, %sub3A_15, %div3A : i32
    %jit3A_16 = arith.constant 4 : i32
    %eq3A = arith.constant 0 : i32
    %eq3A_17 = arith.cmpi eq, %jit3A_16, %eq3A : i32
    %jit3A_18 = arith.constant 1 : i32
    %select_n3A_19 = arith.select %eq3A_17, %jit3A_18, %jit3A_16 : i32
    %rem3A_20 = arith.remsi %arg1, %select_n3A_19 : i32
    %ne3A_21 = arith.constant 0 : i32
    %ne3A_22 = arith.cmpi ne, %rem3A_20, %ne3A_21 : i32
    %lt3A = arith.constant 0 : i32
    %lt3A_23 = arith.cmpi slt, %rem3A_20, %lt3A : i32
    %lt3A_24 = arith.constant 0 : i32
    %lt3A_25 = arith.cmpi slt, %select_n3A_19, %lt3A_24 : i32
    %ne3A_26 = arith.xori %lt3A_23, %lt3A_25 : i1
    %and3A_27 = arith.andi %ne3A_26, %ne3A_22 : i1
    %add3A = arith.addi %rem3A_20, %select_n3A_19 : i32
    %select_n3A_28 = arith.select %and3A_27, %add3A, %rem3A_20 : i32
    %mul3A = arith.constant 4 : i32
    %mul3A_29 = arith.muli %arg0, %mul3A : i32
    %add3A_30 = arith.addi %mul3A_29, %select_n3A : i32
    %mul3A_31 = arith.constant 4 : i32
    %mul3A_32 = arith.muli %select_n3A, %mul3A_31 : i32
    %add3A_33 = arith.addi %mul3A_32, %select_n3A_28 : i32
    %iota3A = tpu.iota {dimensions = array<i32: 0>} : vector<16xi32>
    %broadcast_in_dim3A = arith.constant 0 : i32
    %broadcast_in_dim3A_34 = vector.broadcast %broadcast_in_dim3A : i32 to vector<16xi32>
    %mul3A_35 = arith.constant 100096 : i32
    %mul3A_36 = arith.muli %add3A_30, %mul3A_35 : i32
    %mul3A_37 = arith.constant 25024 : i32
    %mul3A_38 = arith.muli %select_n3A_28, %mul3A_37 : i32
    %add3A_39 = arith.addi %mul3A_36, %mul3A_38 : i32
    "tpu.region"() ({
      %run_scoped3A = tpu.sem_alloc : memref<!tpu.dma_semaphore, #tpu.memory_space<semaphore_mem>>
      %dma_start3A = tpu.memref_slice %arg2[%add3A_39] : memref<800768xf32, #tpu.memory_space<hbm>> -> memref<25024xf32, #tpu.memory_space<hbm>>
      %dma_start3A_84 = tpu.memref_slice %arg2[%add3A_39] : memref<800768xf32, #tpu.memory_space<hbm>> -> memref<25024xf32, #tpu.memory_space<hbm>>
      tpu.enqueue_dma source(%dma_start3A_84 : memref<25024xf32, #tpu.memory_space<hbm>>) target(%arg5 : memref<25024xf32, #tpu.memory_space<vmem>>) target_semaphore(%run_scoped3A : memref<!tpu.dma_semaphore, #tpu.memory_space<semaphore_mem>>)
      %dma_wait3A = tpu.memref_slice %arg2[%add3A_39] : memref<800768xf32, #tpu.memory_space<hbm>> -> memref<25024xf32, #tpu.memory_space<hbm>>
      %dma_wait3A_85 = tpu.memref_slice %arg2[%add3A_39] : memref<800768xf32, #tpu.memory_space<hbm>> -> memref<25024xf32, #tpu.memory_space<hbm>>
      tpu.wait_dma2 semaphore(%run_scoped3A : memref<!tpu.dma_semaphore, #tpu.memory_space<semaphore_mem>>) src(%dma_wait3A_85 : memref<25024xf32, #tpu.memory_space<hbm>>) dst(%arg5 : memref<25024xf32, #tpu.memory_space<vmem>>)
      tpu.yield
    }) : () -> ()
    %parallel_loop3A = arith.constant 0 : i32
    %parallel_loop3A_40 = arith.constant 4096 : i32
    %parallel_loop3A_41 = arith.constant 16 : i32
    scf.for %parallel_loop3A_84 = %parallel_loop3A to %parallel_loop3A_40 step %parallel_loop3A_41  : i32 {
      %parallel_loop3A_85 = arith.index_cast %parallel_loop3A_84 : i32 to index
      %parallel_loop3A_86 = tpu.vector_load %arg6[%parallel_loop3A_85] {strides = array<i32>} : memref<4096xi32, #tpu.memory_space<vmem>>, vector<16xi32>,
      tpu.vector_store %arg6[%parallel_loop3A_85], %broadcast_in_dim3A_34 {strides = array<i32>} : memref<4096xi32, #tpu.memory_space<vmem>>, vector<16xi32>,
    } {sc.loop_unroll_factor = 8 : i64, sc.parallel_access}
    %eq3A_42 = arith.constant 0 : i32
    %eq3A_43 = arith.cmpi eq, %select_n3A_28, %eq3A_42 : i32
    %convert_element_type3A = arith.extui %eq3A_43 : i1 to i32
    %cond3A = arith.constant 0 : i32
    %cond3A_44 = arith.cmpi ne, %convert_element_type3A, %cond3A : i32
    scf.if %cond3A_44 {
      %mul3A_84 = arith.constant 60000 : i32
      %mul3A_85 = arith.muli %add3A_30, %mul3A_84 : i32
      %dma_start3A = tpu.memref_slice %arg3[%mul3A_85] : memref<480000xf32, #tpu.memory_space<hbm>> -> memref<60000xf32, #tpu.memory_space<hbm>>
      %dma_start3A_86 = tpu.memref_slice %arg3[%mul3A_85] : memref<480000xf32, #tpu.memory_space<hbm>> -> memref<60000xf32, #tpu.memory_space<hbm>>
      tpu.enqueue_dma source(%dma_start3A_86 : memref<60000xf32, #tpu.memory_space<hbm>>) target(%arg16 : memref<60000xf32, #tpu.memory_space<vmem>>) target_semaphore(%arg23 : memref<!tpu.dma_semaphore, #tpu.memory_space<semaphore_mem>>)
    } else {
    }
    %broadcast_in_dim3A_45 = arith.constant 1 : i32
    %broadcast_in_dim3A_46 = vector.broadcast %broadcast_in_dim3A_45 : i32 to vector<16xi32>
    %parallel_loop3A_47 = arith.constant 0 : i32
    %parallel_loop3A_48 = arith.constant 25024 : i32
    %parallel_loop3A_49 = arith.constant 16 : i32
    scf.for %parallel_loop3A_84 = %parallel_loop3A_47 to %parallel_loop3A_48 step %parallel_loop3A_49  : i32 {
      %parallel_loop3A_85 = arith.index_cast %parallel_loop3A_84 : i32 to index
      %parallel_loop3A_86 = tpu.vector_load %arg5[%parallel_loop3A_85] {strides = array<i32>} : memref<25024xf32, #tpu.memory_space<vmem>>, vector<16xf32>,
      %parallel_loop3A_87 = arith.constant 4.096000e+03 : f32
      %parallel_loop3A_88 = vector.broadcast %parallel_loop3A_87 : f32 to vector<16xf32>
      %parallel_loop3A_89 = arith.mulf %parallel_loop3A_86, %parallel_loop3A_88 : vector<16xf32>
      %parallel_loop3A_90 = arith.fptosi %parallel_loop3A_89 : vector<16xf32> to vector<16xi32>
      %parallel_loop3A_91 = arith.constant 0 : i32
      %parallel_loop3A_92 = vector.broadcast %parallel_loop3A_91 : i32 to vector<16xi32>
      %parallel_loop3A_93 = arith.maxsi %parallel_loop3A_90, %parallel_loop3A_92 : vector<16xi32>
      tpu.vector_store_idx %arg6[%parallel_loop3A_93], %broadcast_in_dim3A_46 {add = true} : memref<4096xi32, #tpu.memory_space<vmem>>[vector<16xi32>], vector<16xi32>,
    } {sc.loop_unroll_factor = 8 : i64, sc.parallel_access}
    %mul3A_50 = arith.constant 4096 : i32
    %mul3A_51 = arith.muli %add3A_33, %mul3A_50 : i32
    "tpu.region"() ({
      %run_scoped3A = tpu.sem_alloc : memref<!tpu.dma_semaphore, #tpu.memory_space<semaphore_mem>>
      %dma_start3A = tpu.memref_slice %arg19[%mul3A_51] : memref<65536xi32, #tpu.memory_space<vmem_shared>> -> memref<4096xi32, #tpu.memory_space<vmem_shared>>
      %dma_start3A_84 = tpu.memref_slice %arg19[%mul3A_51] : memref<65536xi32, #tpu.memory_space<vmem_shared>> -> memref<4096xi32, #tpu.memory_space<vmem_shared>>
      tpu.enqueue_dma source(%arg6 : memref<4096xi32, #tpu.memory_space<vmem>>) target(%dma_start3A_84 : memref<4096xi32, #tpu.memory_space<vmem_shared>>) target_semaphore(%run_scoped3A : memref<!tpu.dma_semaphore, #tpu.memory_space<semaphore_mem>>)
      %dma_wait3A = tpu.memref_slice %arg19[%mul3A_51] : memref<65536xi32, #tpu.memory_space<vmem_shared>> -> memref<4096xi32, #tpu.memory_space<vmem_shared>>
      %dma_wait3A_85 = tpu.memref_slice %arg19[%mul3A_51] : memref<65536xi32, #tpu.memory_space<vmem_shared>> -> memref<4096xi32, #tpu.memory_space<vmem_shared>>
      tpu.wait_dma2 semaphore(%run_scoped3A : memref<!tpu.dma_semaphore, #tpu.memory_space<semaphore_mem>>) src(%arg6 : memref<4096xi32, #tpu.memory_space<vmem>>) dst(%dma_wait3A_85 : memref<4096xi32, #tpu.memory_space<vmem_shared>>)
      tpu.yield
    }) : () -> ()
    %barrier3A = arith.constant 0 : index
    tpu.barrier barrier_id(%barrier3A)
    %eq3A_52 = arith.constant 0 : i32
    %eq3A_53 = arith.cmpi eq, %select_n3A_28, %eq3A_52 : i32
    %convert_element_type3A_54 = arith.extui %eq3A_53 : i1 to i32
    %cond3A_55 = arith.constant 0 : i32
    %cond3A_56 = arith.cmpi ne, %convert_element_type3A_54, %cond3A_55 : i32
    scf.if %cond3A_56 {
      %mul3A_84 = arith.constant 4 : i32
      %mul3A_85 = arith.muli %select_n3A, %mul3A_84 : i32
      %add3A_86 = arith.constant 1 : i32
      %add3A_87 = arith.addi %mul3A_85, %add3A_86 : i32
      %mul3A_88 = arith.constant 4096 : i32
      %mul3A_89 = arith.muli %add3A_87, %mul3A_88 : i32
      "tpu.region"() ({
        %run_scoped3A = tpu.sem_alloc : memref<!tpu.dma_semaphore, #tpu.memory_space<semaphore_mem>>
        %dma_start3A = tpu.memref_slice %arg19[%mul3A_89] : memref<65536xi32, #tpu.memory_space<vmem_shared>> -> memref<4096xi32, #tpu.memory_space<vmem_shared>>
        %dma_start3A_130 = tpu.memref_slice %arg19[%mul3A_89] : memref<65536xi32, #tpu.memory_space<vmem_shared>> -> memref<4096xi32, #tpu.memory_space<vmem_shared>>
        tpu.enqueue_dma source(%dma_start3A_130 : memref<4096xi32, #tpu.memory_space<vmem_shared>>) target(%arg7 : memref<4096xi32, #tpu.memory_space<vmem>>) target_semaphore(%run_scoped3A : memref<!tpu.dma_semaphore, #tpu.memory_space<semaphore_mem>>)
        %dma_wait3A = tpu.memref_slice %arg19[%mul3A_89] : memref<65536xi32, #tpu.memory_space<vmem_shared>> -> memref<4096xi32, #tpu.memory_space<vmem_shared>>
        %dma_wait3A_131 = tpu.memref_slice %arg19[%mul3A_89] : memref<65536xi32, #tpu.memory_space<vmem_shared>> -> memref<4096xi32, #tpu.memory_space<vmem_shared>>
        tpu.wait_dma2 semaphore(%run_scoped3A : memref<!tpu.dma_semaphore, #tpu.memory_space<semaphore_mem>>) src(%dma_wait3A_131 : memref<4096xi32, #tpu.memory_space<vmem_shared>>) dst(%arg7 : memref<4096xi32, #tpu.memory_space<vmem>>)
        tpu.yield
      }) : () -> ()
      %parallel_loop3A_90 = arith.constant 0 : i32
      %parallel_loop3A_91 = arith.constant 4096 : i32
      %parallel_loop3A_92 = arith.constant 16 : i32
      scf.for %parallel_loop3A_130 = %parallel_loop3A_90 to %parallel_loop3A_91 step %parallel_loop3A_92  : i32 {
        %parallel_loop3A_131 = arith.index_cast %parallel_loop3A_130 : i32 to index
        %parallel_loop3A_132 = tpu.vector_load %arg6[%parallel_loop3A_131] {strides = array<i32>} : memref<4096xi32, #tpu.memory_space<vmem>>, vector<16xi32>,
        %parallel_loop3A_133 = arith.index_cast %parallel_loop3A_130 : i32 to index
        %parallel_loop3A_134 = tpu.vector_load %arg7[%parallel_loop3A_133] {strides = array<i32>} : memref<4096xi32, #tpu.memory_space<vmem>>, vector<16xi32>,
        %parallel_loop3A_135 = arith.addi %parallel_loop3A_132, %parallel_loop3A_134 : vector<16xi32>
        %parallel_loop3A_136 = arith.index_cast %parallel_loop3A_130 : i32 to index
        %parallel_loop3A_137 = tpu.vector_load %arg6[%parallel_loop3A_136] {strides = array<i32>} : memref<4096xi32, #tpu.memory_space<vmem>>, vector<16xi32>,
        tpu.vector_store %arg6[%parallel_loop3A_136], %parallel_loop3A_135 {strides = array<i32>} : memref<4096xi32, #tpu.memory_space<vmem>>, vector<16xi32>,
      } {sc.loop_unroll_factor = 8 : i64, sc.parallel_access}
      %mul3A_93 = arith.constant 4 : i32
      %mul3A_94 = arith.muli %select_n3A, %mul3A_93 : i32
      %add3A_95 = arith.constant 2 : i32
      %add3A_96 = arith.addi %mul3A_94, %add3A_95 : i32
      %mul3A_97 = arith.constant 4096 : i32
      %mul3A_98 = arith.muli %add3A_96, %mul3A_97 : i32
      "tpu.region"() ({
        %run_scoped3A = tpu.sem_alloc : memref<!tpu.dma_semaphore, #tpu.memory_space<semaphore_mem>>
        %dma_start3A = tpu.memref_slice %arg19[%mul3A_98] : memref<65536xi32, #tpu.memory_space<vmem_shared>> -> memref<4096xi32, #tpu.memory_space<vmem_shared>>
        %dma_start3A_130 = tpu.memref_slice %arg19[%mul3A_98] : memref<65536xi32, #tpu.memory_space<vmem_shared>> -> memref<4096xi32, #tpu.memory_space<vmem_shared>>
        tpu.enqueue_dma source(%dma_start3A_130 : memref<4096xi32, #tpu.memory_space<vmem_shared>>) target(%arg7 : memref<4096xi32, #tpu.memory_space<vmem>>) target_semaphore(%run_scoped3A : memref<!tpu.dma_semaphore, #tpu.memory_space<semaphore_mem>>)
        %dma_wait3A = tpu.memref_slice %arg19[%mul3A_98] : memref<65536xi32, #tpu.memory_space<vmem_shared>> -> memref<4096xi32, #tpu.memory_space<vmem_shared>>
        %dma_wait3A_131 = tpu.memref_slice %arg19[%mul3A_98] : memref<65536xi32, #tpu.memory_space<vmem_shared>> -> memref<4096xi32, #tpu.memory_space<vmem_shared>>
        tpu.wait_dma2 semaphore(%run_scoped3A : memref<!tpu.dma_semaphore, #tpu.memory_space<semaphore_mem>>) src(%dma_wait3A_131 : memref<4096xi32, #tpu.memory_space<vmem_shared>>) dst(%arg7 : memref<4096xi32, #tpu.memory_space<vmem>>)
        tpu.yield
      }) : () -> ()
      %parallel_loop3A_99 = arith.constant 0 : i32
      %parallel_loop3A_100 = arith.constant 4096 : i32
      %parallel_loop3A_101 = arith.constant 16 : i32
      scf.for %parallel_loop3A_130 = %parallel_loop3A_99 to %parallel_loop3A_100 step %parallel_loop3A_101  : i32 {
        %parallel_loop3A_131 = arith.index_cast %parallel_loop3A_130 : i32 to index
        %parallel_loop3A_132 = tpu.vector_load %arg6[%parallel_loop3A_131] {strides = array<i32>} : memref<4096xi32, #tpu.memory_space<vmem>>, vector<16xi32>,
        %parallel_loop3A_133 = arith.index_cast %parallel_loop3A_130 : i32 to index
        %parallel_loop3A_134 = tpu.vector_load %arg7[%parallel_loop3A_133] {strides = array<i32>} : memref<4096xi32, #tpu.memory_space<vmem>>, vector<16xi32>,
        %parallel_loop3A_135 = arith.addi %parallel_loop3A_132, %parallel_loop3A_134 : vector<16xi32>
        %parallel_loop3A_136 = arith.index_cast %parallel_loop3A_130 : i32 to index
        %parallel_loop3A_137 = tpu.vector_load %arg6[%parallel_loop3A_136] {strides = array<i32>} : memref<4096xi32, #tpu.memory_space<vmem>>, vector<16xi32>,
        tpu.vector_store %arg6[%parallel_loop3A_136], %parallel_loop3A_135 {strides = array<i32>} : memref<4096xi32, #tpu.memory_space<vmem>>, vector<16xi32>,
      } {sc.loop_unroll_factor = 8 : i64, sc.parallel_access}
      %mul3A_102 = arith.constant 4 : i32
      %mul3A_103 = arith.muli %select_n3A, %mul3A_102 : i32
      %add3A_104 = arith.constant 3 : i32
      %add3A_105 = arith.addi %mul3A_103, %add3A_104 : i32
      %mul3A_106 = arith.constant 4096 : i32
      %mul3A_107 = arith.muli %add3A_105, %mul3A_106 : i32
      "tpu.region"() ({
        %run_scoped3A = tpu.sem_alloc : memref<!tpu.dma_semaphore, #tpu.memory_space<semaphore_mem>>
        %dma_start3A = tpu.memref_slice %arg19[%mul3A_107] : memref<65536xi32, #tpu.memory_space<vmem_shared>> -> memref<4096xi32, #tpu.memory_space<vmem_shared>>
        %dma_start3A_130 = tpu.memref_slice %arg19[%mul3A_107] : memref<65536xi32, #tpu.memory_space<vmem_shared>> -> memref<4096xi32, #tpu.memory_space<vmem_shared>>
        tpu.enqueue_dma source(%dma_start3A_130 : memref<4096xi32, #tpu.memory_space<vmem_shared>>) target(%arg7 : memref<4096xi32, #tpu.memory_space<vmem>>) target_semaphore(%run_scoped3A : memref<!tpu.dma_semaphore, #tpu.memory_space<semaphore_mem>>)
        %dma_wait3A = tpu.memref_slice %arg19[%mul3A_107] : memref<65536xi32, #tpu.memory_space<vmem_shared>> -> memref<4096xi32, #tpu.memory_space<vmem_shared>>
        %dma_wait3A_131 = tpu.memref_slice %arg19[%mul3A_107] : memref<65536xi32, #tpu.memory_space<vmem_shared>> -> memref<4096xi32, #tpu.memory_space<vmem_shared>>
        tpu.wait_dma2 semaphore(%run_scoped3A : memref<!tpu.dma_semaphore, #tpu.memory_space<semaphore_mem>>) src(%dma_wait3A_131 : memref<4096xi32, #tpu.memory_space<vmem_shared>>) dst(%arg7 : memref<4096xi32, #tpu.memory_space<vmem>>)
        tpu.yield
      }) : () -> ()
      %parallel_loop3A_108 = arith.constant 0 : i32
      %parallel_loop3A_109 = arith.constant 4096 : i32
      %parallel_loop3A_110 = arith.constant 16 : i32
      scf.for %parallel_loop3A_130 = %parallel_loop3A_108 to %parallel_loop3A_109 step %parallel_loop3A_110  : i32 {
        %parallel_loop3A_131 = arith.index_cast %parallel_loop3A_130 : i32 to index
        %parallel_loop3A_132 = tpu.vector_load %arg6[%parallel_loop3A_131] {strides = array<i32>} : memref<4096xi32, #tpu.memory_space<vmem>>, vector<16xi32>,
        %parallel_loop3A_133 = arith.index_cast %parallel_loop3A_130 : i32 to index
        %parallel_loop3A_134 = tpu.vector_load %arg7[%parallel_loop3A_133] {strides = array<i32>} : memref<4096xi32, #tpu.memory_space<vmem>>, vector<16xi32>,
        %parallel_loop3A_135 = arith.addi %parallel_loop3A_132, %parallel_loop3A_134 : vector<16xi32>
        %parallel_loop3A_136 = arith.index_cast %parallel_loop3A_130 : i32 to index
        %parallel_loop3A_137 = tpu.vector_load %arg6[%parallel_loop3A_136] {strides = array<i32>} : memref<4096xi32, #tpu.memory_space<vmem>>, vector<16xi32>,
        tpu.vector_store %arg6[%parallel_loop3A_136], %parallel_loop3A_135 {strides = array<i32>} : memref<4096xi32, #tpu.memory_space<vmem>>, vector<16xi32>,
      } {sc.loop_unroll_factor = 8 : i64, sc.parallel_access}
      %scan3A_111 = arith.constant 0 : i32
      %scan3A_112 = arith.constant 0 : i32
      %scan3A_113 = arith.constant false
      %scan3A_114 = arith.constant 0 : i32
      %scan3A_115 = arith.constant 256 : i32
      %scan3A_116 = arith.addi %scan3A_114, %scan3A_115 : i32
      %scan3A_117 = arith.constant 1 : i32
      %scan3A_118:3 = scf.for %scan3A_130 = %scan3A_114 to %scan3A_116 step %scan3A_117 iter_args(%scan3A_131 = %scan3A_111, %scan3A_132 = %scan3A_112, %scan3A_133 = %scan3A_113) -> (i32, i32, i1)  : i32 {
        %sub3A_134 = arith.constant 255 : i32
        %sub3A_135 = arith.subi %sub3A_134, %scan3A_130 : i32
        %mul3A_136 = arith.constant 16 : i32
        %mul3A_137 = arith.muli %sub3A_135, %mul3A_136 : i32
        %get3A_138 = arith.index_cast %mul3A_137 : i32 to index
        %get3A_139 = tpu.vector_load %arg6[%get3A_138] {strides = array<i32>} : memref<4096xi32, #tpu.memory_space<vmem>>, vector<16xi32>,
        %rev3A = arith.constant 15 : i32
        %rev3A_140 = vector.broadcast %rev3A : i32 to vector<16xi32>
        %rev3A_141 = tpu.iota {dimensions = array<i32: 0>} : vector<16xi32>
        %rev3A_142 = arith.subi %rev3A_140, %rev3A_141 : vector<16xi32>
        %rev3A_143 = tpu.dynamic_gather %get3A_139[%rev3A_142] in [0] : vector<16xi32>, vector<16xi32> -> vector<16xi32>
        %broadcast_in_dim3A_144 = arith.constant true
        %broadcast_in_dim3A_145 = vector.broadcast %broadcast_in_dim3A_144 : i1 to vector<16xi1>
        %masked_cumsum3A = tpu.scan <sum>, %rev3A_143 masked %broadcast_in_dim3A_145 : vector<16xi32>, vector<16xi1> -> vector<16xi32>
        %rev3A_146 = arith.constant 15 : i32
        %rev3A_147 = vector.broadcast %rev3A_146 : i32 to vector<16xi32>
        %rev3A_148 = tpu.iota {dimensions = array<i32: 0>} : vector<16xi32>
        %rev3A_149 = arith.subi %rev3A_147, %rev3A_148 : vector<16xi32>
        %rev3A_150 = tpu.dynamic_gather %masked_cumsum3A[%rev3A_149] in [0] : vector<16xi32>, vector<16xi32> -> vector<16xi32>
        %add3A_151 = vector.broadcast %scan3A_131 : i32 to vector<16xi32>
        %add3A_152 = arith.addi %rev3A_150, %add3A_151 : vector<16xi32>
        %ge3A = arith.constant 200 : i32
        %ge3A_153 = vector.broadcast %ge3A : i32 to vector<16xi32>
        %ge3A_154 = arith.cmpi sge, %add3A_152, %ge3A_153 : vector<16xi32>
        %jit3A_155 = arith.constant -1 : i32
        %broadcast_in_dim3A_156 = vector.broadcast %jit3A_155 : i32 to vector<16xi32>
        %select_n3A_157 = arith.select %ge3A_154, %iota3A, %broadcast_in_dim3A_156 : vector<16xi1>, vector<16xi32>
        %reduce_max3A = arith.constant true
        %reduce_max3A_158 = vector.broadcast %reduce_max3A : i1 to vector<16xi1>
        %reduce_max3A_159 = arith.constant -2147483648 : i32
        %reduce_max3A_160 = vector.broadcast %reduce_max3A_159 : i32 to vector<16xi32>
        %reduce_max3A_161 = arith.xori %select_n3A_157, %reduce_max3A_160 : vector<16xi32>
        %reduce_max3A_162 = tpu.scan <max>, %reduce_max3A_161 masked %reduce_max3A_158 : vector<16xi32>, vector<16xi1> -> vector<16xi32>
        %reduce_max3A_163 = arith.xori %reduce_max3A_162, %reduce_max3A_160 : vector<16xi32>
        %reduce_max3A_164 = vector.extract %reduce_max3A_163[15] : i32 from vector<16xi32>
        %ge3A_165 = arith.constant 0 : i32
        %ge3A_166 = arith.cmpi sge, %reduce_max3A_164, %ge3A_165 : i32
        %not3A = arith.constant true
        %not3A_167 = arith.xori %scan3A_133, %not3A : i1
        %and3A_168 = arith.andi %ge3A_166, %not3A_167 : i1
        %mul3A_169 = arith.constant 16 : i32
        %mul3A_170 = arith.muli %sub3A_135, %mul3A_169 : i32
        %add3A_171 = arith.addi %mul3A_170, %reduce_max3A_164 : i32
        %select_n3A_172 = arith.select %and3A_168, %add3A_171, %scan3A_132 : i32
        %or3A = arith.ori %scan3A_133, %ge3A_166 : i1
        %reduce_sum3A = arith.constant true
        %reduce_sum3A_173 = vector.broadcast %reduce_sum3A : i1 to vector<16xi1>
        %reduce_sum3A_174 = tpu.scan <sum>, %get3A_139 masked %reduce_sum3A_173 : vector<16xi32>, vector<16xi1> -> vector<16xi32>
        %reduce_sum3A_175 = vector.extract %reduce_sum3A_174[15] : i32 from vector<16xi32>
        %add3A_176 = arith.addi %scan3A_131, %reduce_sum3A_175 : i32
        scf.yield %add3A_176, %select_n3A_172, %or3A : i32, i32, i1
      }
      %scan3A_119 = arith.constant 256 : i32
      %convert_element_type3A_120 = arith.sitofp %scan3A_118#1 : i32 to f32
      %mul3A_121 = arith.constant 2.44140625E-4 : f32
      %mul3A_122 = arith.mulf %convert_element_type3A_120, %mul3A_121 : f32
      %broadcast_in_dim3A_123 = arith.constant 0.000000e+00 : f32
      %broadcast_in_dim3A_124 = vector.broadcast %broadcast_in_dim3A_123 : f32 to vector<16xf32>
      %add3A_125 = vector.broadcast %mul3A_122 : f32 to vector<16xf32>
      %add3A_126 = arith.addf %broadcast_in_dim3A_124, %add3A_125 : vector<16xf32>
      %swap3A = arith.constant 0 : index
      %swap3A_127 = tpu.vector_load %arg18[%swap3A] {strides = array<i32>} : memref<16xf32, #tpu.memory_space<vmem>>, vector<16xf32>,
      tpu.vector_store %arg18[%swap3A], %add3A_126 {strides = array<i32>} : memref<16xf32, #tpu.memory_space<vmem>>, vector<16xf32>,
      %mul3A_128 = arith.constant 16 : i32
      %mul3A_129 = arith.muli %select_n3A, %mul3A_128 : i32
      "tpu.region"() ({
        %run_scoped3A = tpu.sem_alloc : memref<!tpu.dma_semaphore, #tpu.memory_space<semaphore_mem>>
        %dma_start3A = tpu.memref_slice %arg22[%mul3A_129] : memref<64xf32, #tpu.memory_space<vmem_shared>> -> memref<16xf32, #tpu.memory_space<vmem_shared>>
        %dma_start3A_130 = tpu.memref_slice %arg22[%mul3A_129] : memref<64xf32, #tpu.memory_space<vmem_shared>> -> memref<16xf32, #tpu.memory_space<vmem_shared>>
        tpu.enqueue_dma source(%arg18 : memref<16xf32, #tpu.memory_space<vmem>>) target(%dma_start3A_130 : memref<16xf32, #tpu.memory_space<vmem_shared>>) target_semaphore(%run_scoped3A : memref<!tpu.dma_semaphore, #tpu.memory_space<semaphore_mem>>)
        %dma_wait3A = tpu.memref_slice %arg22[%mul3A_129] : memref<64xf32, #tpu.memory_space<vmem_shared>> -> memref<16xf32, #tpu.memory_space<vmem_shared>>
        %dma_wait3A_131 = tpu.memref_slice %arg22[%mul3A_129] : memref<64xf32, #tpu.memory_space<vmem_shared>> -> memref<16xf32, #tpu.memory_space<vmem_shared>>
        tpu.wait_dma2 semaphore(%run_scoped3A : memref<!tpu.dma_semaphore, #tpu.memory_space<semaphore_mem>>) src(%arg18 : memref<16xf32, #tpu.memory_space<vmem>>) dst(%dma_wait3A_131 : memref<16xf32, #tpu.memory_space<vmem_shared>>)
        tpu.yield
      }) : () -> ()
    } else {
    }
    %barrier3A_57 = arith.constant 0 : index
    tpu.barrier barrier_id(%barrier3A_57)
    %mul3A_58 = arith.constant 16 : i32
    %mul3A_59 = arith.muli %select_n3A, %mul3A_58 : i32
    "tpu.region"() ({
      %run_scoped3A = tpu.sem_alloc : memref<!tpu.dma_semaphore, #tpu.memory_space<semaphore_mem>>
      %dma_start3A = tpu.memref_slice %arg22[%mul3A_59] : memref<64xf32, #tpu.memory_space<vmem_shared>> -> memref<16xf32, #tpu.memory_space<vmem_shared>>
      %dma_start3A_84 = tpu.memref_slice %arg22[%mul3A_59] : memref<64xf32, #tpu.memory_space<vmem_shared>> -> memref<16xf32, #tpu.memory_space<vmem_shared>>
      tpu.enqueue_dma source(%dma_start3A_84 : memref<16xf32, #tpu.memory_space<vmem_shared>>) target(%arg18 : memref<16xf32, #tpu.memory_space<vmem>>) target_semaphore(%run_scoped3A : memref<!tpu.dma_semaphore, #tpu.memory_space<semaphore_mem>>)
      %dma_wait3A = tpu.memref_slice %arg22[%mul3A_59] : memref<64xf32, #tpu.memory_space<vmem_shared>> -> memref<16xf32, #tpu.memory_space<vmem_shared>>
      %dma_wait3A_85 = tpu.memref_slice %arg22[%mul3A_59] : memref<64xf32, #tpu.memory_space<vmem_shared>> -> memref<16xf32, #tpu.memory_space<vmem_shared>>
      tpu.wait_dma2 semaphore(%run_scoped3A : memref<!tpu.dma_semaphore, #tpu.memory_space<semaphore_mem>>) src(%dma_wait3A_85 : memref<16xf32, #tpu.memory_space<vmem_shared>>) dst(%arg18 : memref<16xf32, #tpu.memory_space<vmem>>)
      tpu.yield
    }) : () -> ()
    %get3A = arith.constant 0 : index
    %get3A_60 = tpu.vector_load %arg18[%get3A] {strides = array<i32>} : memref<16xf32, #tpu.memory_space<vmem>>, vector<16xf32>,
    %parallel_loop3A_61 = arith.constant 0 : i32
    %parallel_loop3A_62 = arith.constant 320 : i32
    %parallel_loop3A_63 = arith.constant 16 : i32
    scf.for %parallel_loop3A_84 = %parallel_loop3A_61 to %parallel_loop3A_62 step %parallel_loop3A_63  : i32 {
      %parallel_loop3A_85 = arith.constant -1.000000e+00 : f32
      %parallel_loop3A_86 = vector.broadcast %parallel_loop3A_85 : f32 to vector<16xf32>
      %parallel_loop3A_87 = arith.index_cast %parallel_loop3A_84 : i32 to index
      %parallel_loop3A_88 = tpu.vector_load %arg8[%parallel_loop3A_87] {strides = array<i32>} : memref<320xf32, #tpu.memory_space<vmem>>, vector<16xf32>,
      tpu.vector_store %arg8[%parallel_loop3A_87], %parallel_loop3A_86 {strides = array<i32>} : memref<320xf32, #tpu.memory_space<vmem>>, vector<16xf32>,
      %parallel_loop3A_89 = arith.constant 1073741824 : i32
      %parallel_loop3A_90 = vector.broadcast %parallel_loop3A_89 : i32 to vector<16xi32>
      %parallel_loop3A_91 = arith.addi %broadcast_in_dim3A_34, %parallel_loop3A_90 : vector<16xi32>
      %parallel_loop3A_92 = arith.index_cast %parallel_loop3A_84 : i32 to index
      %parallel_loop3A_93 = tpu.vector_load %arg9[%parallel_loop3A_92] {strides = array<i32>} : memref<320xi32, #tpu.memory_space<vmem>>, vector<16xi32>,
      tpu.vector_store %arg9[%parallel_loop3A_92], %parallel_loop3A_91 {strides = array<i32>} : memref<320xi32, #tpu.memory_space<vmem>>, vector<16xi32>,
    } {sc.loop_unroll_factor = 4 : i64, sc.parallel_access}
    %parallel_loop3A_64 = arith.constant 0 : i32
    %parallel_loop3A_65 = arith.constant 25024 : i32
    %parallel_loop3A_66 = arith.constant 16 : i32
    %parallel_loop3A_67 = scf.for %parallel_loop3A_84 = %parallel_loop3A_64 to %parallel_loop3A_65 step %parallel_loop3A_66 iter_args(%parallel_loop3A_85 = %broadcast_in_dim3A_34) -> (vector<16xi32>)  : i32 {
      %parallel_loop3A_86 = arith.index_cast %parallel_loop3A_84 : i32 to index
      %parallel_loop3A_87 = tpu.vector_load %arg5[%parallel_loop3A_86] {strides = array<i32>} : memref<25024xf32, #tpu.memory_space<vmem>>, vector<16xf32>,
      %parallel_loop3A_88 = arith.cmpf oge, %parallel_loop3A_87, %get3A_60 : vector<16xf32>
      %parallel_loop3A_89 = arith.extui %parallel_loop3A_88 : vector<16xi1> to vector<16xi32>
      %parallel_loop3A_90 = arith.constant true
      %parallel_loop3A_91 = vector.broadcast %parallel_loop3A_90 : i1 to vector<16xi1>
      %parallel_loop3A_92 = tpu.scan <sum>, %parallel_loop3A_89 masked %parallel_loop3A_91 : vector<16xi32>, vector<16xi1> -> vector<16xi32>
      %parallel_loop3A_93 = arith.constant 1 : i32
      %parallel_loop3A_94 = vector.broadcast %parallel_loop3A_93 : i32 to vector<16xi32>
      %parallel_loop3A_95 = arith.subi %parallel_loop3A_92, %parallel_loop3A_94 : vector<16xi32>
      %parallel_loop3A_96 = arith.addi %parallel_loop3A_95, %parallel_loop3A_85 : vector<16xi32>
      %parallel_loop3A_97 = arith.constant 319 : i32
      %parallel_loop3A_98 = vector.broadcast %parallel_loop3A_97 : i32 to vector<16xi32>
      %parallel_loop3A_99 = arith.minsi %parallel_loop3A_96, %parallel_loop3A_98 : vector<16xi32>
      %parallel_loop3A_100 = arith.constant 25024 : i32
      %parallel_loop3A_101 = arith.muli %select_n3A_28, %parallel_loop3A_100 : i32
      %parallel_loop3A_102 = arith.addi %parallel_loop3A_101, %parallel_loop3A_84 : i32
      %parallel_loop3A_103 = vector.broadcast %parallel_loop3A_102 : i32 to vector<16xi32>
      %parallel_loop3A_104 = arith.addi %parallel_loop3A_103, %iota3A : vector<16xi32>
      tpu.vector_store_idx %arg8[%parallel_loop3A_99], %parallel_loop3A_87 masked %parallel_loop3A_88 : memref<320xf32, #tpu.memory_space<vmem>>[vector<16xi32>], vector<16xf32>, vector<16xi1>
      tpu.vector_store_idx %arg9[%parallel_loop3A_99], %parallel_loop3A_104 masked %parallel_loop3A_88 : memref<320xi32, #tpu.memory_space<vmem>>[vector<16xi32>], vector<16xi32>, vector<16xi1>
      %parallel_loop3A_105 = tpu.all_reduce %parallel_loop3A_88 {dim = 0 : i64, kind = #tpu.reduction_kind<sum>} : vector<16xi1> -> vector<16xi32>
      %parallel_loop3A_106 = arith.addi %parallel_loop3A_85, %parallel_loop3A_105 : vector<16xi32>
      scf.yield %parallel_loop3A_106 : vector<16xi32>
    } {sc.loop_unroll_factor = 4 : i64, sc.parallel_access}
    %scan3A = arith.constant 0 : i32
    %scan3A_68 = arith.constant 0 : i32
    %scan3A_69 = arith.constant 13 : i32
    %scan3A_70 = arith.addi %scan3A_68, %scan3A_69 : i32
    %scan3A_71 = arith.constant 1 : i32
    %scan3A_72 = scf.for %scan3A_84 = %scan3A_68 to %scan3A_70 step %scan3A_71 iter_args(%scan3A_85 = %scan3A) -> (i32)  : i32 {
      %broadcast_in_dim3A_86 = arith.constant 0.000000e+00 : f32
      %broadcast_in_dim3A_87 = vector.broadcast %broadcast_in_dim3A_86 : f32 to vector<16xf32>
      %scan3A_88 = arith.constant 0 : i32
      %scan3A_89 = arith.constant 16 : i32
      %scan3A_90 = arith.addi %scan3A_88, %scan3A_89 : i32
      %scan3A_91 = arith.constant 1 : i32
      %scan3A_92:2 = scf.for %scan3A_102 = %scan3A_88 to %scan3A_90 step %scan3A_91 iter_args(%scan3A_103 = %broadcast_in_dim3A_87, %scan3A_104 = %broadcast_in_dim3A_34) -> (vector<16xf32>, vector<16xi32>)  : i32 {
        %get3A_105 = arith.constant 0 : index
        %get3A_106 = tpu.vector_load %arg8[%get3A_105] {strides = array<i32>} : memref<320xf32, #tpu.memory_space<vmem>>, vector<16xf32>,
        %get3A_107 = arith.constant 16 : index
        %get3A_108 = tpu.vector_load %arg8[%get3A_107] {strides = array<i32>} : memref<320xf32, #tpu.memory_space<vmem>>, vector<16xf32>,
        %max3A = arith.maximumf %get3A_106, %get3A_108 : vector<16xf32>
        %get3A_109 = arith.constant 32 : index
        %get3A_110 = tpu.vector_load %arg8[%get3A_109] {strides = array<i32>} : memref<320xf32, #tpu.memory_space<vmem>>, vector<16xf32>,
        %max3A_111 = arith.maximumf %max3A, %get3A_110 : vector<16xf32>
        %get3A_112 = arith.constant 48 : index
        %get3A_113 = tpu.vector_load %arg8[%get3A_112] {strides = array<i32>} : memref<320xf32, #tpu.memory_space<vmem>>, vector<16xf32>,
        %max3A_114 = arith.maximumf %max3A_111, %get3A_113 : vector<16xf32>
        %get3A_115 = arith.constant 64 : index
        %get3A_116 = tpu.vector_load %arg8[%get3A_115] {strides = array<i32>} : memref<320xf32, #tpu.memory_space<vmem>>, vector<16xf32>,
        %max3A_117 = arith.maximumf %max3A_114, %get3A_116 : vector<16xf32>
        %get3A_118 = arith.constant 80 : index
        %get3A_119 = tpu.vector_load %arg8[%get3A_118] {strides = array<i32>} : memref<320xf32, #tpu.memory_space<vmem>>, vector<16xf32>,
        %max3A_120 = arith.maximumf %max3A_117, %get3A_119 : vector<16xf32>
        %get3A_121 = arith.constant 96 : index
        %get3A_122 = tpu.vector_load %arg8[%get3A_121] {strides = array<i32>} : memref<320xf32, #tpu.memory_space<vmem>>, vector<16xf32>,
        %max3A_123 = arith.maximumf %max3A_120, %get3A_122 : vector<16xf32>
        %get3A_124 = arith.constant 112 : index
        %get3A_125 = tpu.vector_load %arg8[%get3A_124] {strides = array<i32>} : memref<320xf32, #tpu.memory_space<vmem>>, vector<16xf32>,
        %max3A_126 = arith.maximumf %max3A_123, %get3A_125 : vector<16xf32>
        %get3A_127 = arith.constant 128 : index
        %get3A_128 = tpu.vector_load %arg8[%get3A_127] {strides = array<i32>} : memref<320xf32, #tpu.memory_space<vmem>>, vector<16xf32>,
        %max3A_129 = arith.maximumf %max3A_126, %get3A_128 : vector<16xf32>
        %get3A_130 = arith.constant 144 : index
        %get3A_131 = tpu.vector_load %arg8[%get3A_130] {strides = array<i32>} : memref<320xf32, #tpu.memory_space<vmem>>, vector<16xf32>,
        %max3A_132 = arith.maximumf %max3A_129, %get3A_131 : vector<16xf32>
        %get3A_133 = arith.constant 160 : index
        %get3A_134 = tpu.vector_load %arg8[%get3A_133] {strides = array<i32>} : memref<320xf32, #tpu.memory_space<vmem>>, vector<16xf32>,
        %max3A_135 = arith.maximumf %max3A_132, %get3A_134 : vector<16xf32>
        %get3A_136 = arith.constant 176 : index
        %get3A_137 = tpu.vector_load %arg8[%get3A_136] {strides = array<i32>} : memref<320xf32, #tpu.memory_space<vmem>>, vector<16xf32>,
        %max3A_138 = arith.maximumf %max3A_135, %get3A_137 : vector<16xf32>
        %get3A_139 = arith.constant 192 : index
        %get3A_140 = tpu.vector_load %arg8[%get3A_139] {strides = array<i32>} : memref<320xf32, #tpu.memory_space<vmem>>, vector<16xf32>,
        %max3A_141 = arith.maximumf %max3A_138, %get3A_140 : vector<16xf32>
        %get3A_142 = arith.constant 208 : index
        %get3A_143 = tpu.vector_load %arg8[%get3A_142] {strides = array<i32>} : memref<320xf32, #tpu.memory_space<vmem>>, vector<16xf32>,
        %max3A_144 = arith.maximumf %max3A_141, %get3A_143 : vector<16xf32>
        %get3A_145 = arith.constant 224 : index
        %get3A_146 = tpu.vector_load %arg8[%get3A_145] {strides = array<i32>} : memref<320xf32, #tpu.memory_space<vmem>>, vector<16xf32>,
        %max3A_147 = arith.maximumf %max3A_144, %get3A_146 : vector<16xf32>
        %get3A_148 = arith.constant 240 : index
        %get3A_149 = tpu.vector_load %arg8[%get3A_148] {strides = array<i32>} : memref<320xf32, #tpu.memory_space<vmem>>, vector<16xf32>,
        %max3A_150 = arith.maximumf %max3A_147, %get3A_149 : vector<16xf32>
        %get3A_151 = arith.constant 256 : index
        %get3A_152 = tpu.vector_load %arg8[%get3A_151] {strides = array<i32>} : memref<320xf32, #tpu.memory_space<vmem>>, vector<16xf32>,
        %max3A_153 = arith.maximumf %max3A_150, %get3A_152 : vector<16xf32>
        %get3A_154 = arith.constant 272 : index
        %get3A_155 = tpu.vector_load %arg8[%get3A_154] {strides = array<i32>} : memref<320xf32, #tpu.memory_space<vmem>>, vector<16xf32>,
        %max3A_156 = arith.maximumf %max3A_153, %get3A_155 : vector<16xf32>
        %get3A_157 = arith.constant 288 : index
        %get3A_158 = tpu.vector_load %arg8[%get3A_157] {strides = array<i32>} : memref<320xf32, #tpu.memory_space<vmem>>, vector<16xf32>,
        %max3A_159 = arith.maximumf %max3A_156, %get3A_158 : vector<16xf32>
        %get3A_160 = arith.constant 304 : index
        %get3A_161 = tpu.vector_load %arg8[%get3A_160] {strides = array<i32>} : memref<320xf32, #tpu.memory_space<vmem>>, vector<16xf32>,
        %max3A_162 = arith.maximumf %max3A_159, %get3A_161 : vector<16xf32>
        %reduce_max3A = arith.constant true
        %reduce_max3A_163 = vector.broadcast %reduce_max3A : i1 to vector<16xi1>
        %reduce_max3A_164 = tpu.scan <max>, %max3A_162 masked %reduce_max3A_163 : vector<16xf32>, vector<16xi1> -> vector<16xf32>
        %reduce_max3A_165 = vector.extract %reduce_max3A_164[15] : f32 from vector<16xf32>
        %add3A_166 = arith.constant 1073741824 : i32
        %add3A_167 = vector.broadcast %add3A_166 : i32 to vector<16xi32>
        %add3A_168 = arith.addi %broadcast_in_dim3A_34, %add3A_167 : vector<16xi32>
        %get3A_169 = arith.constant 0 : index
        %get3A_170 = tpu.vector_load %arg8[%get3A_169] {strides = array<i32>} : memref<320xf32, #tpu.memory_space<vmem>>, vector<16xf32>,
        %eq3A_171 = vector.broadcast %reduce_max3A_165 : f32 to vector<16xf32>
        %eq3A_172 = arith.cmpf oeq, %get3A_170, %eq3A_171 : vector<16xf32>
        %add3A_173 = arith.constant 0 : i32
        %add3A_174 = vector.broadcast %add3A_173 : i32 to vector<16xi32>
        %add3A_175 = arith.addi %add3A_174, %iota3A : vector<16xi32>
        %jit3A_176 = arith.constant 1073741824 : i32
        %broadcast_in_dim3A_177 = vector.broadcast %jit3A_176 : i32 to vector<16xi32>
        %select_n3A_178 = arith.select %eq3A_172, %add3A_175, %broadcast_in_dim3A_177 : vector<16xi1>, vector<16xi32>
        %min3A = arith.minsi %add3A_168, %select_n3A_178 : vector<16xi32>
        %get3A_179 = arith.constant 16 : index
        %get3A_180 = tpu.vector_load %arg8[%get3A_179] {strides = array<i32>} : memref<320xf32, #tpu.memory_space<vmem>>, vector<16xf32>,
        %eq3A_181 = vector.broadcast %reduce_max3A_165 : f32 to vector<16xf32>
        %eq3A_182 = arith.cmpf oeq, %get3A_180, %eq3A_181 : vector<16xf32>
        %add3A_183 = arith.constant 16 : i32
        %add3A_184 = vector.broadcast %add3A_183 : i32 to vector<16xi32>
        %add3A_185 = arith.addi %add3A_184, %iota3A : vector<16xi32>
        %jit3A_186 = arith.constant 1073741824 : i32
        %broadcast_in_dim3A_187 = vector.broadcast %jit3A_186 : i32 to vector<16xi32>
        %select_n3A_188 = arith.select %eq3A_182, %add3A_185, %broadcast_in_dim3A_187 : vector<16xi1>, vector<16xi32>
        %min3A_189 = arith.minsi %min3A, %select_n3A_188 : vector<16xi32>
        %get3A_190 = arith.constant 32 : index
        %get3A_191 = tpu.vector_load %arg8[%get3A_190] {strides = array<i32>} : memref<320xf32, #tpu.memory_space<vmem>>, vector<16xf32>,
        %eq3A_192 = vector.broadcast %reduce_max3A_165 : f32 to vector<16xf32>
        %eq3A_193 = arith.cmpf oeq, %get3A_191, %eq3A_192 : vector<16xf32>
        %add3A_194 = arith.constant 32 : i32
        %add3A_195 = vector.broadcast %add3A_194 : i32 to vector<16xi32>
        %add3A_196 = arith.addi %add3A_195, %iota3A : vector<16xi32>
        %jit3A_197 = arith.constant 1073741824 : i32
        %broadcast_in_dim3A_198 = vector.broadcast %jit3A_197 : i32 to vector<16xi32>
        %select_n3A_199 = arith.select %eq3A_193, %add3A_196, %broadcast_in_dim3A_198 : vector<16xi1>, vector<16xi32>
        %min3A_200 = arith.minsi %min3A_189, %select_n3A_199 : vector<16xi32>
        %get3A_201 = arith.constant 48 : index
        %get3A_202 = tpu.vector_load %arg8[%get3A_201] {strides = array<i32>} : memref<320xf32, #tpu.memory_space<vmem>>, vector<16xf32>,
        %eq3A_203 = vector.broadcast %reduce_max3A_165 : f32 to vector<16xf32>
        %eq3A_204 = arith.cmpf oeq, %get3A_202, %eq3A_203 : vector<16xf32>
        %add3A_205 = arith.constant 48 : i32
        %add3A_206 = vector.broadcast %add3A_205 : i32 to vector<16xi32>
        %add3A_207 = arith.addi %add3A_206, %iota3A : vector<16xi32>
        %jit3A_208 = arith.constant 1073741824 : i32
        %broadcast_in_dim3A_209 = vector.broadcast %jit3A_208 : i32 to vector<16xi32>
        %select_n3A_210 = arith.select %eq3A_204, %add3A_207, %broadcast_in_dim3A_209 : vector<16xi1>, vector<16xi32>
        %min3A_211 = arith.minsi %min3A_200, %select_n3A_210 : vector<16xi32>
        %get3A_212 = arith.constant 64 : index
        %get3A_213 = tpu.vector_load %arg8[%get3A_212] {strides = array<i32>} : memref<320xf32, #tpu.memory_space<vmem>>, vector<16xf32>,
        %eq3A_214 = vector.broadcast %reduce_max3A_165 : f32 to vector<16xf32>
        %eq3A_215 = arith.cmpf oeq, %get3A_213, %eq3A_214 : vector<16xf32>
        %add3A_216 = arith.constant 64 : i32
        %add3A_217 = vector.broadcast %add3A_216 : i32 to vector<16xi32>
        %add3A_218 = arith.addi %add3A_217, %iota3A : vector<16xi32>
        %jit3A_219 = arith.constant 1073741824 : i32
        %broadcast_in_dim3A_220 = vector.broadcast %jit3A_219 : i32 to vector<16xi32>
        %select_n3A_221 = arith.select %eq3A_215, %add3A_218, %broadcast_in_dim3A_220 : vector<16xi1>, vector<16xi32>
        %min3A_222 = arith.minsi %min3A_211, %select_n3A_221 : vector<16xi32>
        %get3A_223 = arith.constant 80 : index
        %get3A_224 = tpu.vector_load %arg8[%get3A_223] {strides = array<i32>} : memref<320xf32, #tpu.memory_space<vmem>>, vector<16xf32>,
        %eq3A_225 = vector.broadcast %reduce_max3A_165 : f32 to vector<16xf32>
        %eq3A_226 = arith.cmpf oeq, %get3A_224, %eq3A_225 : vector<16xf32>
        %add3A_227 = arith.constant 80 : i32
        %add3A_228 = vector.broadcast %add3A_227 : i32 to vector<16xi32>
        %add3A_229 = arith.addi %add3A_228, %iota3A : vector<16xi32>
        %jit3A_230 = arith.constant 1073741824 : i32
        %broadcast_in_dim3A_231 = vector.broadcast %jit3A_230 : i32 to vector<16xi32>
        %select_n3A_232 = arith.select %eq3A_226, %add3A_229, %broadcast_in_dim3A_231 : vector<16xi1>, vector<16xi32>
        %min3A_233 = arith.minsi %min3A_222, %select_n3A_232 : vector<16xi32>
        %get3A_234 = arith.constant 96 : index
        %get3A_235 = tpu.vector_load %arg8[%get3A_234] {strides = array<i32>} : memref<320xf32, #tpu.memory_space<vmem>>, vector<16xf32>,
        %eq3A_236 = vector.broadcast %reduce_max3A_165 : f32 to vector<16xf32>
        %eq3A_237 = arith.cmpf oeq, %get3A_235, %eq3A_236 : vector<16xf32>
        %add3A_238 = arith.constant 96 : i32
        %add3A_239 = vector.broadcast %add3A_238 : i32 to vector<16xi32>
        %add3A_240 = arith.addi %add3A_239, %iota3A : vector<16xi32>
        %jit3A_241 = arith.constant 1073741824 : i32
        %broadcast_in_dim3A_242 = vector.broadcast %jit3A_241 : i32 to vector<16xi32>
        %select_n3A_243 = arith.select %eq3A_237, %add3A_240, %broadcast_in_dim3A_242 : vector<16xi1>, vector<16xi32>
        %min3A_244 = arith.minsi %min3A_233, %select_n3A_243 : vector<16xi32>
        %get3A_245 = arith.constant 112 : index
        %get3A_246 = tpu.vector_load %arg8[%get3A_245] {strides = array<i32>} : memref<320xf32, #tpu.memory_space<vmem>>, vector<16xf32>,
        %eq3A_247 = vector.broadcast %reduce_max3A_165 : f32 to vector<16xf32>
        %eq3A_248 = arith.cmpf oeq, %get3A_246, %eq3A_247 : vector<16xf32>
        %add3A_249 = arith.constant 112 : i32
        %add3A_250 = vector.broadcast %add3A_249 : i32 to vector<16xi32>
        %add3A_251 = arith.addi %add3A_250, %iota3A : vector<16xi32>
        %jit3A_252 = arith.constant 1073741824 : i32
        %broadcast_in_dim3A_253 = vector.broadcast %jit3A_252 : i32 to vector<16xi32>
        %select_n3A_254 = arith.select %eq3A_248, %add3A_251, %broadcast_in_dim3A_253 : vector<16xi1>, vector<16xi32>
        %min3A_255 = arith.minsi %min3A_244, %select_n3A_254 : vector<16xi32>
        %get3A_256 = arith.constant 128 : index
        %get3A_257 = tpu.vector_load %arg8[%get3A_256] {strides = array<i32>} : memref<320xf32, #tpu.memory_space<vmem>>, vector<16xf32>,
        %eq3A_258 = vector.broadcast %reduce_max3A_165 : f32 to vector<16xf32>
        %eq3A_259 = arith.cmpf oeq, %get3A_257, %eq3A_258 : vector<16xf32>
        %add3A_260 = arith.constant 128 : i32
        %add3A_261 = vector.broadcast %add3A_260 : i32 to vector<16xi32>
        %add3A_262 = arith.addi %add3A_261, %iota3A : vector<16xi32>
        %jit3A_263 = arith.constant 1073741824 : i32
        %broadcast_in_dim3A_264 = vector.broadcast %jit3A_263 : i32 to vector<16xi32>
        %select_n3A_265 = arith.select %eq3A_259, %add3A_262, %broadcast_in_dim3A_264 : vector<16xi1>, vector<16xi32>
        %min3A_266 = arith.minsi %min3A_255, %select_n3A_265 : vector<16xi32>
        %get3A_267 = arith.constant 144 : index
        %get3A_268 = tpu.vector_load %arg8[%get3A_267] {strides = array<i32>} : memref<320xf32, #tpu.memory_space<vmem>>, vector<16xf32>,
        %eq3A_269 = vector.broadcast %reduce_max3A_165 : f32 to vector<16xf32>
        %eq3A_270 = arith.cmpf oeq, %get3A_268, %eq3A_269 : vector<16xf32>
        %add3A_271 = arith.constant 144 : i32
        %add3A_272 = vector.broadcast %add3A_271 : i32 to vector<16xi32>
        %add3A_273 = arith.addi %add3A_272, %iota3A : vector<16xi32>
        %jit3A_274 = arith.constant 1073741824 : i32
        %broadcast_in_dim3A_275 = vector.broadcast %jit3A_274 : i32 to vector<16xi32>
        %select_n3A_276 = arith.select %eq3A_270, %add3A_273, %broadcast_in_dim3A_275 : vector<16xi1>, vector<16xi32>
        %min3A_277 = arith.minsi %min3A_266, %select_n3A_276 : vector<16xi32>
        %get3A_278 = arith.constant 160 : index
        %get3A_279 = tpu.vector_load %arg8[%get3A_278] {strides = array<i32>} : memref<320xf32, #tpu.memory_space<vmem>>, vector<16xf32>,
        %eq3A_280 = vector.broadcast %reduce_max3A_165 : f32 to vector<16xf32>
        %eq3A_281 = arith.cmpf oeq, %get3A_279, %eq3A_280 : vector<16xf32>
        %add3A_282 = arith.constant 160 : i32
        %add3A_283 = vector.broadcast %add3A_282 : i32 to vector<16xi32>
        %add3A_284 = arith.addi %add3A_283, %iota3A : vector<16xi32>
        %jit3A_285 = arith.constant 1073741824 : i32
        %broadcast_in_dim3A_286 = vector.broadcast %jit3A_285 : i32 to vector<16xi32>
        %select_n3A_287 = arith.select %eq3A_281, %add3A_284, %broadcast_in_dim3A_286 : vector<16xi1>, vector<16xi32>
        %min3A_288 = arith.minsi %min3A_277, %select_n3A_287 : vector<16xi32>
        %get3A_289 = arith.constant 176 : index
        %get3A_290 = tpu.vector_load %arg8[%get3A_289] {strides = array<i32>} : memref<320xf32, #tpu.memory_space<vmem>>, vector<16xf32>,
        %eq3A_291 = vector.broadcast %reduce_max3A_165 : f32 to vector<16xf32>
        %eq3A_292 = arith.cmpf oeq, %get3A_290, %eq3A_291 : vector<16xf32>
        %add3A_293 = arith.constant 176 : i32
        %add3A_294 = vector.broadcast %add3A_293 : i32 to vector<16xi32>
        %add3A_295 = arith.addi %add3A_294, %iota3A : vector<16xi32>
        %jit3A_296 = arith.constant 1073741824 : i32
        %broadcast_in_dim3A_297 = vector.broadcast %jit3A_296 : i32 to vector<16xi32>
        %select_n3A_298 = arith.select %eq3A_292, %add3A_295, %broadcast_in_dim3A_297 : vector<16xi1>, vector<16xi32>
        %min3A_299 = arith.minsi %min3A_288, %select_n3A_298 : vector<16xi32>
        %get3A_300 = arith.constant 192 : index
        %get3A_301 = tpu.vector_load %arg8[%get3A_300] {strides = array<i32>} : memref<320xf32, #tpu.memory_space<vmem>>, vector<16xf32>,
        %eq3A_302 = vector.broadcast %reduce_max3A_165 : f32 to vector<16xf32>
        %eq3A_303 = arith.cmpf oeq, %get3A_301, %eq3A_302 : vector<16xf32>
        %add3A_304 = arith.constant 192 : i32
        %add3A_305 = vector.broadcast %add3A_304 : i32 to vector<16xi32>
        %add3A_306 = arith.addi %add3A_305, %iota3A : vector<16xi32>
        %jit3A_307 = arith.constant 1073741824 : i32
        %broadcast_in_dim3A_308 = vector.broadcast %jit3A_307 : i32 to vector<16xi32>
        %select_n3A_309 = arith.select %eq3A_303, %add3A_306, %broadcast_in_dim3A_308 : vector<16xi1>, vector<16xi32>
        %min3A_310 = arith.minsi %min3A_299, %select_n3A_309 : vector<16xi32>
        %get3A_311 = arith.constant 208 : index
        %get3A_312 = tpu.vector_load %arg8[%get3A_311] {strides = array<i32>} : memref<320xf32, #tpu.memory_space<vmem>>, vector<16xf32>,
        %eq3A_313 = vector.broadcast %reduce_max3A_165 : f32 to vector<16xf32>
        %eq3A_314 = arith.cmpf oeq, %get3A_312, %eq3A_313 : vector<16xf32>
        %add3A_315 = arith.constant 208 : i32
        %add3A_316 = vector.broadcast %add3A_315 : i32 to vector<16xi32>
        %add3A_317 = arith.addi %add3A_316, %iota3A : vector<16xi32>
        %jit3A_318 = arith.constant 1073741824 : i32
        %broadcast_in_dim3A_319 = vector.broadcast %jit3A_318 : i32 to vector<16xi32>
        %select_n3A_320 = arith.select %eq3A_314, %add3A_317, %broadcast_in_dim3A_319 : vector<16xi1>, vector<16xi32>
        %min3A_321 = arith.minsi %min3A_310, %select_n3A_320 : vector<16xi32>
        %get3A_322 = arith.constant 224 : index
        %get3A_323 = tpu.vector_load %arg8[%get3A_322] {strides = array<i32>} : memref<320xf32, #tpu.memory_space<vmem>>, vector<16xf32>,
        %eq3A_324 = vector.broadcast %reduce_max3A_165 : f32 to vector<16xf32>
        %eq3A_325 = arith.cmpf oeq, %get3A_323, %eq3A_324 : vector<16xf32>
        %add3A_326 = arith.constant 224 : i32
        %add3A_327 = vector.broadcast %add3A_326 : i32 to vector<16xi32>
        %add3A_328 = arith.addi %add3A_327, %iota3A : vector<16xi32>
        %jit3A_329 = arith.constant 1073741824 : i32
        %broadcast_in_dim3A_330 = vector.broadcast %jit3A_329 : i32 to vector<16xi32>
        %select_n3A_331 = arith.select %eq3A_325, %add3A_328, %broadcast_in_dim3A_330 : vector<16xi1>, vector<16xi32>
        %min3A_332 = arith.minsi %min3A_321, %select_n3A_331 : vector<16xi32>
        %get3A_333 = arith.constant 240 : index
        %get3A_334 = tpu.vector_load %arg8[%get3A_333] {strides = array<i32>} : memref<320xf32, #tpu.memory_space<vmem>>, vector<16xf32>,
        %eq3A_335 = vector.broadcast %reduce_max3A_165 : f32 to vector<16xf32>
        %eq3A_336 = arith.cmpf oeq, %get3A_334, %eq3A_335 : vector<16xf32>
        %add3A_337 = arith.constant 240 : i32
        %add3A_338 = vector.broadcast %add3A_337 : i32 to vector<16xi32>
        %add3A_339 = arith.addi %add3A_338, %iota3A : vector<16xi32>
        %jit3A_340 = arith.constant 1073741824 : i32
        %broadcast_in_dim3A_341 = vector.broadcast %jit3A_340 : i32 to vector<16xi32>
        %select_n3A_342 = arith.select %eq3A_336, %add3A_339, %broadcast_in_dim3A_341 : vector<16xi1>, vector<16xi32>
        %min3A_343 = arith.minsi %min3A_332, %select_n3A_342 : vector<16xi32>
        %get3A_344 = arith.constant 256 : index
        %get3A_345 = tpu.vector_load %arg8[%get3A_344] {strides = array<i32>} : memref<320xf32, #tpu.memory_space<vmem>>, vector<16xf32>,
        %eq3A_346 = vector.broadcast %reduce_max3A_165 : f32 to vector<16xf32>
        %eq3A_347 = arith.cmpf oeq, %get3A_345, %eq3A_346 : vector<16xf32>
        %add3A_348 = arith.constant 256 : i32
        %add3A_349 = vector.broadcast %add3A_348 : i32 to vector<16xi32>
        %add3A_350 = arith.addi %add3A_349, %iota3A : vector<16xi32>
        %jit3A_351 = arith.constant 1073741824 : i32
        %broadcast_in_dim3A_352 = vector.broadcast %jit3A_351 : i32 to vector<16xi32>
        %select_n3A_353 = arith.select %eq3A_347, %add3A_350, %broadcast_in_dim3A_352 : vector<16xi1>, vector<16xi32>
        %min3A_354 = arith.minsi %min3A_343, %select_n3A_353 : vector<16xi32>
        %get3A_355 = arith.constant 272 : index
        %get3A_356 = tpu.vector_load %arg8[%get3A_355] {strides = array<i32>} : memref<320xf32, #tpu.memory_space<vmem>>, vector<16xf32>,
        %eq3A_357 = vector.broadcast %reduce_max3A_165 : f32 to vector<16xf32>
        %eq3A_358 = arith.cmpf oeq, %get3A_356, %eq3A_357 : vector<16xf32>
        %add3A_359 = arith.constant 272 : i32
        %add3A_360 = vector.broadcast %add3A_359 : i32 to vector<16xi32>
        %add3A_361 = arith.addi %add3A_360, %iota3A : vector<16xi32>
        %jit3A_362 = arith.constant 1073741824 : i32
        %broadcast_in_dim3A_363 = vector.broadcast %jit3A_362 : i32 to vector<16xi32>
        %select_n3A_364 = arith.select %eq3A_358, %add3A_361, %broadcast_in_dim3A_363 : vector<16xi1>, vector<16xi32>
        %min3A_365 = arith.minsi %min3A_354, %select_n3A_364 : vector<16xi32>
        %get3A_366 = arith.constant 288 : index
        %get3A_367 = tpu.vector_load %arg8[%get3A_366] {strides = array<i32>} : memref<320xf32, #tpu.memory_space<vmem>>, vector<16xf32>,
        %eq3A_368 = vector.broadcast %reduce_max3A_165 : f32 to vector<16xf32>
        %eq3A_369 = arith.cmpf oeq, %get3A_367, %eq3A_368 : vector<16xf32>
        %add3A_370 = arith.constant 288 : i32
        %add3A_371 = vector.broadcast %add3A_370 : i32 to vector<16xi32>
        %add3A_372 = arith.addi %add3A_371, %iota3A : vector<16xi32>
        %jit3A_373 = arith.constant 1073741824 : i32
        %broadcast_in_dim3A_374 = vector.broadcast %jit3A_373 : i32 to vector<16xi32>
        %select_n3A_375 = arith.select %eq3A_369, %add3A_372, %broadcast_in_dim3A_374 : vector<16xi1>, vector<16xi32>
        %min3A_376 = arith.minsi %min3A_365, %select_n3A_375 : vector<16xi32>
        %get3A_377 = arith.constant 304 : index
        %get3A_378 = tpu.vector_load %arg8[%get3A_377] {strides = array<i32>} : memref<320xf32, #tpu.memory_space<vmem>>, vector<16xf32>,
        %eq3A_379 = vector.broadcast %reduce_max3A_165 : f32 to vector<16xf32>
        %eq3A_380 = arith.cmpf oeq, %get3A_378, %eq3A_379 : vector<16xf32>
        %add3A_381 = arith.constant 304 : i32
        %add3A_382 = vector.broadcast %add3A_381 : i32 to vector<16xi32>
        %add3A_383 = arith.addi %add3A_382, %iota3A : vector<16xi32>
        %jit3A_384 = arith.constant 1073741824 : i32
        %broadcast_in_dim3A_385 = vector.broadcast %jit3A_384 : i32 to vector<16xi32>
        %select_n3A_386 = arith.select %eq3A_380, %add3A_383, %broadcast_in_dim3A_385 : vector<16xi1>, vector<16xi32>
        %min3A_387 = arith.minsi %min3A_376, %select_n3A_386 : vector<16xi32>
        %reduce_min3A = arith.constant true
        %reduce_min3A_388 = vector.broadcast %reduce_min3A : i1 to vector<16xi1>
        %reduce_min3A_389 = arith.constant -2147483648 : i32
        %reduce_min3A_390 = vector.broadcast %reduce_min3A_389 : i32 to vector<16xi32>
        %reduce_min3A_391 = arith.xori %min3A_387, %reduce_min3A_390 : vector<16xi32>
        %reduce_min3A_392 = tpu.scan <min>, %reduce_min3A_391 masked %reduce_min3A_388 : vector<16xi32>, vector<16xi1> -> vector<16xi32>
        %reduce_min3A_393 = arith.xori %reduce_min3A_392, %reduce_min3A_390 : vector<16xi32>
        %reduce_min3A_394 = vector.extract %reduce_min3A_393[15] : i32 from vector<16xi32>
        %add3A_395 = vector.broadcast %reduce_min3A_394 : i32 to vector<16xi32>
        %add3A_396 = arith.addi %broadcast_in_dim3A_34, %add3A_395 : vector<16xi32>
        %gather3A = tpu.vector_load_idx %arg9[%add3A_396] : memref<320xi32, #tpu.memory_space<vmem>>[vector<16xi32>], vector<16xi32>,
        %add3A_397 = vector.broadcast %reduce_min3A_394 : i32 to vector<16xi32>
        %add3A_398 = arith.addi %broadcast_in_dim3A_34, %add3A_397 : vector<16xi32>
        %broadcast_in_dim3A_399 = arith.constant -2.000000e+00 : f32
        %broadcast_in_dim3A_400 = vector.broadcast %broadcast_in_dim3A_399 : f32 to vector<16xf32>
        %eq3A_401 = arith.constant 0 : i32
        %eq3A_402 = vector.broadcast %eq3A_401 : i32 to vector<16xi32>
        %eq3A_403 = arith.cmpi eq, %iota3A, %eq3A_402 : vector<16xi32>
        tpu.vector_store_idx %arg8[%add3A_398], %broadcast_in_dim3A_400 masked %eq3A_403 : memref<320xf32, #tpu.memory_space<vmem>>[vector<16xi32>], vector<16xf32>, vector<16xi1>
        %eq3A_404 = vector.broadcast %scan3A_102 : i32 to vector<16xi32>
        %eq3A_405 = arith.cmpi eq, %iota3A, %eq3A_404 : vector<16xi32>
        %broadcast_in_dim3A_406 = vector.broadcast %reduce_max3A_165 : f32 to vector<16xf32>
        %select_n3A_407 = arith.select %eq3A_405, %broadcast_in_dim3A_406, %scan3A_103 : vector<16xi1>, vector<16xf32>
        %eq3A_408 = vector.broadcast %scan3A_102 : i32 to vector<16xi32>
        %eq3A_409 = arith.cmpi eq, %iota3A, %eq3A_408 : vector<16xi32>
        %select_n3A_410 = arith.select %eq3A_409, %gather3A, %scan3A_104 : vector<16xi1>, vector<16xi32>
        scf.yield %select_n3A_407, %select_n3A_410 : vector<16xf32>, vector<16xi32>
      }
      %scan3A_93 = arith.constant 16 : i32
      %mul3A_94 = arith.constant 16 : i32
      %mul3A_95 = arith.muli %scan3A_84, %mul3A_94 : i32
      %swap3A = arith.index_cast %mul3A_95 : i32 to index
      %swap3A_96 = tpu.vector_load %arg10[%swap3A] {strides = array<i32>} : memref<208xf32, #tpu.memory_space<vmem>>, vector<16xf32>,
      tpu.vector_store %arg10[%swap3A], %scan3A_92#0 {strides = array<i32>} : memref<208xf32, #tpu.memory_space<vmem>>, vector<16xf32>,
      %mul3A_97 = arith.constant 16 : i32
      %mul3A_98 = arith.muli %scan3A_84, %mul3A_97 : i32
      %swap3A_99 = arith.index_cast %mul3A_98 : i32 to index
      %swap3A_100 = tpu.vector_load %arg11[%swap3A_99] {strides = array<i32>} : memref<208xi32, #tpu.memory_space<vmem>>, vector<16xi32>,
      tpu.vector_store %arg11[%swap3A_99], %scan3A_92#1 {strides = array<i32>} : memref<208xi32, #tpu.memory_space<vmem>>, vector<16xi32>,
      %scan3A_101 = arith.constant 0 : i32
      scf.yield %scan3A_101 : i32
    }
    %scan3A_73 = arith.constant 13 : i32
    %mul3A_74 = arith.constant 208 : i32
    %mul3A_75 = arith.muli %add3A_33, %mul3A_74 : i32
    "tpu.region"() ({
      %run_scoped3A = tpu.sem_alloc : memref<!tpu.dma_semaphore, #tpu.memory_space<semaphore_mem>>
      %dma_start3A = tpu.memref_slice %arg20[%mul3A_75] : memref<3328xf32, #tpu.memory_space<vmem_shared>> -> memref<208xf32, #tpu.memory_space<vmem_shared>>
      %dma_start3A_84 = tpu.memref_slice %arg20[%mul3A_75] : memref<3328xf32, #tpu.memory_space<vmem_shared>> -> memref<208xf32, #tpu.memory_space<vmem_shared>>
      tpu.enqueue_dma source(%arg10 : memref<208xf32, #tpu.memory_space<vmem>>) target(%dma_start3A_84 : memref<208xf32, #tpu.memory_space<vmem_shared>>) target_semaphore(%run_scoped3A : memref<!tpu.dma_semaphore, #tpu.memory_space<semaphore_mem>>)
      %dma_wait3A = tpu.memref_slice %arg20[%mul3A_75] : memref<3328xf32, #tpu.memory_space<vmem_shared>> -> memref<208xf32, #tpu.memory_space<vmem_shared>>
      %dma_wait3A_85 = tpu.memref_slice %arg20[%mul3A_75] : memref<3328xf32, #tpu.memory_space<vmem_shared>> -> memref<208xf32, #tpu.memory_space<vmem_shared>>
      tpu.wait_dma2 semaphore(%run_scoped3A : memref<!tpu.dma_semaphore, #tpu.memory_space<semaphore_mem>>) src(%arg10 : memref<208xf32, #tpu.memory_space<vmem>>) dst(%dma_wait3A_85 : memref<208xf32, #tpu.memory_space<vmem_shared>>)
      tpu.yield
    }) : () -> ()
    %mul3A_76 = arith.constant 208 : i32
    %mul3A_77 = arith.muli %add3A_33, %mul3A_76 : i32
    "tpu.region"() ({
      %run_scoped3A = tpu.sem_alloc : memref<!tpu.dma_semaphore, #tpu.memory_space<semaphore_mem>>
      %dma_start3A = tpu.memref_slice %arg21[%mul3A_77] : memref<3328xi32, #tpu.memory_space<vmem_shared>> -> memref<208xi32, #tpu.memory_space<vmem_shared>>
      %dma_start3A_84 = tpu.memref_slice %arg21[%mul3A_77] : memref<3328xi32, #tpu.memory_space<vmem_shared>> -> memref<208xi32, #tpu.memory_space<vmem_shared>>
      tpu.enqueue_dma source(%arg11 : memref<208xi32, #tpu.memory_space<vmem>>) target(%dma_start3A_84 : memref<208xi32, #tpu.memory_space<vmem_shared>>) target_semaphore(%run_scoped3A : memref<!tpu.dma_semaphore, #tpu.memory_space<semaphore_mem>>)
      %dma_wait3A = tpu.memref_slice %arg21[%mul3A_77] : memref<3328xi32, #tpu.memory_space<vmem_shared>> -> memref<208xi32, #tpu.memory_space<vmem_shared>>
      %dma_wait3A_85 = tpu.memref_slice %arg21[%mul3A_77] : memref<3328xi32, #tpu.memory_space<vmem_shared>> -> memref<208xi32, #tpu.memory_space<vmem_shared>>
      tpu.wait_dma2 semaphore(%run_scoped3A : memref<!tpu.dma_semaphore, #tpu.memory_space<semaphore_mem>>) src(%arg11 : memref<208xi32, #tpu.memory_space<vmem>>) dst(%dma_wait3A_85 : memref<208xi32, #tpu.memory_space<vmem_shared>>)
      tpu.yield
    }) : () -> ()
    %barrier3A_78 = arith.constant 0 : index
    tpu.barrier barrier_id(%barrier3A_78)
    %eq3A_79 = arith.constant 0 : i32
    %eq3A_80 = arith.cmpi eq, %select_n3A_28, %eq3A_79 : i32
    %convert_element_type3A_81 = arith.extui %eq3A_80 : i1 to i32
    %cond3A_82 = arith.constant 0 : i32
    %cond3A_83 = arith.cmpi ne, %convert_element_type3A_81, %cond3A_82 : i32
    scf.if %cond3A_83 {
      %mul3A_84 = arith.constant 4 : i32
      %mul3A_85 = arith.muli %select_n3A, %mul3A_84 : i32
      %add3A_86 = arith.constant 0 : i32
      %add3A_87 = arith.addi %mul3A_85, %add3A_86 : i32
      %mul3A_88 = arith.constant 208 : i32
      %mul3A_89 = arith.muli %add3A_87, %mul3A_88 : i32
      "tpu.region"() ({
        %run_scoped3A = tpu.sem_alloc : memref<!tpu.dma_semaphore, #tpu.memory_space<semaphore_mem>>
        %dma_start3A = arith.constant 0 : i32
        %dma_start3A_165 = tpu.memref_slice %arg12[%dma_start3A] : memref<848xf32, #tpu.memory_space<vmem>> -> memref<208xf32, #tpu.memory_space<vmem>>
        %dma_start3A_166 = tpu.memref_slice %arg20[%mul3A_89] : memref<3328xf32, #tpu.memory_space<vmem_shared>> -> memref<208xf32, #tpu.memory_space<vmem_shared>>
        %dma_start3A_167 = arith.constant 0 : i32
        %dma_start3A_168 = tpu.memref_slice %arg12[%dma_start3A_167] : memref<848xf32, #tpu.memory_space<vmem>> -> memref<208xf32, #tpu.memory_space<vmem>>
        %dma_start3A_169 = tpu.memref_slice %arg20[%mul3A_89] : memref<3328xf32, #tpu.memory_space<vmem_shared>> -> memref<208xf32, #tpu.memory_space<vmem_shared>>
        tpu.enqueue_dma source(%dma_start3A_169 : memref<208xf32, #tpu.memory_space<vmem_shared>>) target(%dma_start3A_168 : memref<208xf32, #tpu.memory_space<vmem>>) target_semaphore(%run_scoped3A : memref<!tpu.dma_semaphore, #tpu.memory_space<semaphore_mem>>)
        %dma_wait3A_170 = arith.constant 0 : i32
        %dma_wait3A_171 = tpu.memref_slice %arg12[%dma_wait3A_170] : memref<848xf32, #tpu.memory_space<vmem>> -> memref<208xf32, #tpu.memory_space<vmem>>
        %dma_wait3A_172 = tpu.memref_slice %arg20[%mul3A_89] : memref<3328xf32, #tpu.memory_space<vmem_shared>> -> memref<208xf32, #tpu.memory_space<vmem_shared>>
        %dma_wait3A_173 = arith.constant 0 : i32
        %dma_wait3A_174 = tpu.memref_slice %arg12[%dma_wait3A_173] : memref<848xf32, #tpu.memory_space<vmem>> -> memref<208xf32, #tpu.memory_space<vmem>>
        %dma_wait3A_175 = tpu.memref_slice %arg20[%mul3A_89] : memref<3328xf32, #tpu.memory_space<vmem_shared>> -> memref<208xf32, #tpu.memory_space<vmem_shared>>
        tpu.wait_dma2 semaphore(%run_scoped3A : memref<!tpu.dma_semaphore, #tpu.memory_space<semaphore_mem>>) src(%dma_wait3A_175 : memref<208xf32, #tpu.memory_space<vmem_shared>>) dst(%dma_wait3A_174 : memref<208xf32, #tpu.memory_space<vmem>>)
        tpu.yield
      }) : () -> ()
      %mul3A_90 = arith.constant 4 : i32
      %mul3A_91 = arith.muli %select_n3A, %mul3A_90 : i32
      %add3A_92 = arith.constant 0 : i32
      %add3A_93 = arith.addi %mul3A_91, %add3A_92 : i32
      %mul3A_94 = arith.constant 208 : i32
      %mul3A_95 = arith.muli %add3A_93, %mul3A_94 : i32
      "tpu.region"() ({
        %run_scoped3A = tpu.sem_alloc : memref<!tpu.dma_semaphore, #tpu.memory_space<semaphore_mem>>
        %dma_start3A = arith.constant 0 : i32
        %dma_start3A_165 = tpu.memref_slice %arg13[%dma_start3A] : memref<848xi32, #tpu.memory_space<vmem>> -> memref<208xi32, #tpu.memory_space<vmem>>
        %dma_start3A_166 = tpu.memref_slice %arg21[%mul3A_95] : memref<3328xi32, #tpu.memory_space<vmem_shared>> -> memref<208xi32, #tpu.memory_space<vmem_shared>>
        %dma_start3A_167 = arith.constant 0 : i32
        %dma_start3A_168 = tpu.memref_slice %arg13[%dma_start3A_167] : memref<848xi32, #tpu.memory_space<vmem>> -> memref<208xi32, #tpu.memory_space<vmem>>
        %dma_start3A_169 = tpu.memref_slice %arg21[%mul3A_95] : memref<3328xi32, #tpu.memory_space<vmem_shared>> -> memref<208xi32, #tpu.memory_space<vmem_shared>>
        tpu.enqueue_dma source(%dma_start3A_169 : memref<208xi32, #tpu.memory_space<vmem_shared>>) target(%dma_start3A_168 : memref<208xi32, #tpu.memory_space<vmem>>) target_semaphore(%run_scoped3A : memref<!tpu.dma_semaphore, #tpu.memory_space<semaphore_mem>>)
        %dma_wait3A_170 = arith.constant 0 : i32
        %dma_wait3A_171 = tpu.memref_slice %arg13[%dma_wait3A_170] : memref<848xi32, #tpu.memory_space<vmem>> -> memref<208xi32, #tpu.memory_space<vmem>>
        %dma_wait3A_172 = tpu.memref_slice %arg21[%mul3A_95] : memref<3328xi32, #tpu.memory_space<vmem_shared>> -> memref<208xi32, #tpu.memory_space<vmem_shared>>
        %dma_wait3A_173 = arith.constant 0 : i32
        %dma_wait3A_174 = tpu.memref_slice %arg13[%dma_wait3A_173] : memref<848xi32, #tpu.memory_space<vmem>> -> memref<208xi32, #tpu.memory_space<vmem>>
        %dma_wait3A_175 = tpu.memref_slice %arg21[%mul3A_95] : memref<3328xi32, #tpu.memory_space<vmem_shared>> -> memref<208xi32, #tpu.memory_space<vmem_shared>>
        tpu.wait_dma2 semaphore(%run_scoped3A : memref<!tpu.dma_semaphore, #tpu.memory_space<semaphore_mem>>) src(%dma_wait3A_175 : memref<208xi32, #tpu.memory_space<vmem_shared>>) dst(%dma_wait3A_174 : memref<208xi32, #tpu.memory_space<vmem>>)
        tpu.yield
      }) : () -> ()
      %mul3A_96 = arith.constant 4 : i32
      %mul3A_97 = arith.muli %select_n3A, %mul3A_96 : i32
      %add3A_98 = arith.constant 1 : i32
      %add3A_99 = arith.addi %mul3A_97, %add3A_98 : i32
      %mul3A_100 = arith.constant 208 : i32
      %mul3A_101 = arith.muli %add3A_99, %mul3A_100 : i32
      "tpu.region"() ({
        %run_scoped3A = tpu.sem_alloc : memref<!tpu.dma_semaphore, #tpu.memory_space<semaphore_mem>>
        %dma_start3A = arith.constant 208 : i32
        %dma_start3A_165 = tpu.memref_slice %arg12[%dma_start3A] : memref<848xf32, #tpu.memory_space<vmem>> -> memref<208xf32, #tpu.memory_space<vmem>>
        %dma_start3A_166 = tpu.memref_slice %arg20[%mul3A_101] : memref<3328xf32, #tpu.memory_space<vmem_shared>> -> memref<208xf32, #tpu.memory_space<vmem_shared>>
        %dma_start3A_167 = arith.constant 208 : i32
        %dma_start3A_168 = tpu.memref_slice %arg12[%dma_start3A_167] : memref<848xf32, #tpu.memory_space<vmem>> -> memref<208xf32, #tpu.memory_space<vmem>>
        %dma_start3A_169 = tpu.memref_slice %arg20[%mul3A_101] : memref<3328xf32, #tpu.memory_space<vmem_shared>> -> memref<208xf32, #tpu.memory_space<vmem_shared>>
        tpu.enqueue_dma source(%dma_start3A_169 : memref<208xf32, #tpu.memory_space<vmem_shared>>) target(%dma_start3A_168 : memref<208xf32, #tpu.memory_space<vmem>>) target_semaphore(%run_scoped3A : memref<!tpu.dma_semaphore, #tpu.memory_space<semaphore_mem>>)
        %dma_wait3A_170 = arith.constant 208 : i32
        %dma_wait3A_171 = tpu.memref_slice %arg12[%dma_wait3A_170] : memref<848xf32, #tpu.memory_space<vmem>> -> memref<208xf32, #tpu.memory_space<vmem>>
        %dma_wait3A_172 = tpu.memref_slice %arg20[%mul3A_101] : memref<3328xf32, #tpu.memory_space<vmem_shared>> -> memref<208xf32, #tpu.memory_space<vmem_shared>>
        %dma_wait3A_173 = arith.constant 208 : i32
        %dma_wait3A_174 = tpu.memref_slice %arg12[%dma_wait3A_173] : memref<848xf32, #tpu.memory_space<vmem>> -> memref<208xf32, #tpu.memory_space<vmem>>
        %dma_wait3A_175 = tpu.memref_slice %arg20[%mul3A_101] : memref<3328xf32, #tpu.memory_space<vmem_shared>> -> memref<208xf32, #tpu.memory_space<vmem_shared>>
        tpu.wait_dma2 semaphore(%run_scoped3A : memref<!tpu.dma_semaphore, #tpu.memory_space<semaphore_mem>>) src(%dma_wait3A_175 : memref<208xf32, #tpu.memory_space<vmem_shared>>) dst(%dma_wait3A_174 : memref<208xf32, #tpu.memory_space<vmem>>)
        tpu.yield
      }) : () -> ()
      %mul3A_102 = arith.constant 4 : i32
      %mul3A_103 = arith.muli %select_n3A, %mul3A_102 : i32
      %add3A_104 = arith.constant 1 : i32
      %add3A_105 = arith.addi %mul3A_103, %add3A_104 : i32
      %mul3A_106 = arith.constant 208 : i32
      %mul3A_107 = arith.muli %add3A_105, %mul3A_106 : i32
      "tpu.region"() ({
        %run_scoped3A = tpu.sem_alloc : memref<!tpu.dma_semaphore, #tpu.memory_space<semaphore_mem>>
        %dma_start3A = arith.constant 208 : i32
        %dma_start3A_165 = tpu.memref_slice %arg13[%dma_start3A] : memref<848xi32, #tpu.memory_space<vmem>> -> memref<208xi32, #tpu.memory_space<vmem>>
        %dma_start3A_166 = tpu.memref_slice %arg21[%mul3A_107] : memref<3328xi32, #tpu.memory_space<vmem_shared>> -> memref<208xi32, #tpu.memory_space<vmem_shared>>
        %dma_start3A_167 = arith.constant 208 : i32
        %dma_start3A_168 = tpu.memref_slice %arg13[%dma_start3A_167] : memref<848xi32, #tpu.memory_space<vmem>> -> memref<208xi32, #tpu.memory_space<vmem>>
        %dma_start3A_169 = tpu.memref_slice %arg21[%mul3A_107] : memref<3328xi32, #tpu.memory_space<vmem_shared>> -> memref<208xi32, #tpu.memory_space<vmem_shared>>
        tpu.enqueue_dma source(%dma_start3A_169 : memref<208xi32, #tpu.memory_space<vmem_shared>>) target(%dma_start3A_168 : memref<208xi32, #tpu.memory_space<vmem>>) target_semaphore(%run_scoped3A : memref<!tpu.dma_semaphore, #tpu.memory_space<semaphore_mem>>)
        %dma_wait3A_170 = arith.constant 208 : i32
        %dma_wait3A_171 = tpu.memref_slice %arg13[%dma_wait3A_170] : memref<848xi32, #tpu.memory_space<vmem>> -> memref<208xi32, #tpu.memory_space<vmem>>
        %dma_wait3A_172 = tpu.memref_slice %arg21[%mul3A_107] : memref<3328xi32, #tpu.memory_space<vmem_shared>> -> memref<208xi32, #tpu.memory_space<vmem_shared>>
        %dma_wait3A_173 = arith.constant 208 : i32
        %dma_wait3A_174 = tpu.memref_slice %arg13[%dma_wait3A_173] : memref<848xi32, #tpu.memory_space<vmem>> -> memref<208xi32, #tpu.memory_space<vmem>>
        %dma_wait3A_175 = tpu.memref_slice %arg21[%mul3A_107] : memref<3328xi32, #tpu.memory_space<vmem_shared>> -> memref<208xi32, #tpu.memory_space<vmem_shared>>
        tpu.wait_dma2 semaphore(%run_scoped3A : memref<!tpu.dma_semaphore, #tpu.memory_space<semaphore_mem>>) src(%dma_wait3A_175 : memref<208xi32, #tpu.memory_space<vmem_shared>>) dst(%dma_wait3A_174 : memref<208xi32, #tpu.memory_space<vmem>>)
        tpu.yield
      }) : () -> ()
      %mul3A_108 = arith.constant 4 : i32
      %mul3A_109 = arith.muli %select_n3A, %mul3A_108 : i32
      %add3A_110 = arith.constant 2 : i32
      %add3A_111 = arith.addi %mul3A_109, %add3A_110 : i32
      %mul3A_112 = arith.constant 208 : i32
      %mul3A_113 = arith.muli %add3A_111, %mul3A_112 : i32
      "tpu.region"() ({
        %run_scoped3A = tpu.sem_alloc : memref<!tpu.dma_semaphore, #tpu.memory_space<semaphore_mem>>
        %dma_start3A = arith.constant 416 : i32
        %dma_start3A_165 = tpu.memref_slice %arg12[%dma_start3A] : memref<848xf32, #tpu.memory_space<vmem>> -> memref<208xf32, #tpu.memory_space<vmem>>
        %dma_start3A_166 = tpu.memref_slice %arg20[%mul3A_113] : memref<3328xf32, #tpu.memory_space<vmem_shared>> -> memref<208xf32, #tpu.memory_space<vmem_shared>>
        %dma_start3A_167 = arith.constant 416 : i32
        %dma_start3A_168 = tpu.memref_slice %arg12[%dma_start3A_167] : memref<848xf32, #tpu.memory_space<vmem>> -> memref<208xf32, #tpu.memory_space<vmem>>
        %dma_start3A_169 = tpu.memref_slice %arg20[%mul3A_113] : memref<3328xf32, #tpu.memory_space<vmem_shared>> -> memref<208xf32, #tpu.memory_space<vmem_shared>>
        tpu.enqueue_dma source(%dma_start3A_169 : memref<208xf32, #tpu.memory_space<vmem_shared>>) target(%dma_start3A_168 : memref<208xf32, #tpu.memory_space<vmem>>) target_semaphore(%run_scoped3A : memref<!tpu.dma_semaphore, #tpu.memory_space<semaphore_mem>>)
        %dma_wait3A_170 = arith.constant 416 : i32
        %dma_wait3A_171 = tpu.memref_slice %arg12[%dma_wait3A_170] : memref<848xf32, #tpu.memory_space<vmem>> -> memref<208xf32, #tpu.memory_space<vmem>>
        %dma_wait3A_172 = tpu.memref_slice %arg20[%mul3A_113] : memref<3328xf32, #tpu.memory_space<vmem_shared>> -> memref<208xf32, #tpu.memory_space<vmem_shared>>
        %dma_wait3A_173 = arith.constant 416 : i32
        %dma_wait3A_174 = tpu.memref_slice %arg12[%dma_wait3A_173] : memref<848xf32, #tpu.memory_space<vmem>> -> memref<208xf32, #tpu.memory_space<vmem>>
        %dma_wait3A_175 = tpu.memref_slice %arg20[%mul3A_113] : memref<3328xf32, #tpu.memory_space<vmem_shared>> -> memref<208xf32, #tpu.memory_space<vmem_shared>>
        tpu.wait_dma2 semaphore(%run_scoped3A : memref<!tpu.dma_semaphore, #tpu.memory_space<semaphore_mem>>) src(%dma_wait3A_175 : memref<208xf32, #tpu.memory_space<vmem_shared>>) dst(%dma_wait3A_174 : memref<208xf32, #tpu.memory_space<vmem>>)
        tpu.yield
      }) : () -> ()
      %mul3A_114 = arith.constant 4 : i32
      %mul3A_115 = arith.muli %select_n3A, %mul3A_114 : i32
      %add3A_116 = arith.constant 2 : i32
      %add3A_117 = arith.addi %mul3A_115, %add3A_116 : i32
      %mul3A_118 = arith.constant 208 : i32
      %mul3A_119 = arith.muli %add3A_117, %mul3A_118 : i32
      "tpu.region"() ({
        %run_scoped3A = tpu.sem_alloc : memref<!tpu.dma_semaphore, #tpu.memory_space<semaphore_mem>>
        %dma_start3A = arith.constant 416 : i32
        %dma_start3A_165 = tpu.memref_slice %arg13[%dma_start3A] : memref<848xi32, #tpu.memory_space<vmem>> -> memref<208xi32, #tpu.memory_space<vmem>>
        %dma_start3A_166 = tpu.memref_slice %arg21[%mul3A_119] : memref<3328xi32, #tpu.memory_space<vmem_shared>> -> memref<208xi32, #tpu.memory_space<vmem_shared>>
        %dma_start3A_167 = arith.constant 416 : i32
        %dma_start3A_168 = tpu.memref_slice %arg13[%dma_start3A_167] : memref<848xi32, #tpu.memory_space<vmem>> -> memref<208xi32, #tpu.memory_space<vmem>>
        %dma_start3A_169 = tpu.memref_slice %arg21[%mul3A_119] : memref<3328xi32, #tpu.memory_space<vmem_shared>> -> memref<208xi32, #tpu.memory_space<vmem_shared>>
        tpu.enqueue_dma source(%dma_start3A_169 : memref<208xi32, #tpu.memory_space<vmem_shared>>) target(%dma_start3A_168 : memref<208xi32, #tpu.memory_space<vmem>>) target_semaphore(%run_scoped3A : memref<!tpu.dma_semaphore, #tpu.memory_space<semaphore_mem>>)
        %dma_wait3A_170 = arith.constant 416 : i32
        %dma_wait3A_171 = tpu.memref_slice %arg13[%dma_wait3A_170] : memref<848xi32, #tpu.memory_space<vmem>> -> memref<208xi32, #tpu.memory_space<vmem>>
        %dma_wait3A_172 = tpu.memref_slice %arg21[%mul3A_119] : memref<3328xi32, #tpu.memory_space<vmem_shared>> -> memref<208xi32, #tpu.memory_space<vmem_shared>>
        %dma_wait3A_173 = arith.constant 416 : i32
        %dma_wait3A_174 = tpu.memref_slice %arg13[%dma_wait3A_173] : memref<848xi32, #tpu.memory_space<vmem>> -> memref<208xi32, #tpu.memory_space<vmem>>
        %dma_wait3A_175 = tpu.memref_slice %arg21[%mul3A_119] : memref<3328xi32, #tpu.memory_space<vmem_shared>> -> memref<208xi32, #tpu.memory_space<vmem_shared>>
        tpu.wait_dma2 semaphore(%run_scoped3A : memref<!tpu.dma_semaphore, #tpu.memory_space<semaphore_mem>>) src(%dma_wait3A_175 : memref<208xi32, #tpu.memory_space<vmem_shared>>) dst(%dma_wait3A_174 : memref<208xi32, #tpu.memory_space<vmem>>)
        tpu.yield
      }) : () -> ()
      %mul3A_120 = arith.constant 4 : i32
      %mul3A_121 = arith.muli %select_n3A, %mul3A_120 : i32
      %add3A_122 = arith.constant 3 : i32
      %add3A_123 = arith.addi %mul3A_121, %add3A_122 : i32
      %mul3A_124 = arith.constant 208 : i32
      %mul3A_125 = arith.muli %add3A_123, %mul3A_124 : i32
      "tpu.region"() ({
        %run_scoped3A = tpu.sem_alloc : memref<!tpu.dma_semaphore, #tpu.memory_space<semaphore_mem>>
        %dma_start3A = arith.constant 624 : i32
        %dma_start3A_165 = tpu.memref_slice %arg12[%dma_start3A] : memref<848xf32, #tpu.memory_space<vmem>> -> memref<208xf32, #tpu.memory_space<vmem>>
        %dma_start3A_166 = tpu.memref_slice %arg20[%mul3A_125] : memref<3328xf32, #tpu.memory_space<vmem_shared>> -> memref<208xf32, #tpu.memory_space<vmem_shared>>
        %dma_start3A_167 = arith.constant 624 : i32
        %dma_start3A_168 = tpu.memref_slice %arg12[%dma_start3A_167] : memref<848xf32, #tpu.memory_space<vmem>> -> memref<208xf32, #tpu.memory_space<vmem>>
        %dma_start3A_169 = tpu.memref_slice %arg20[%mul3A_125] : memref<3328xf32, #tpu.memory_space<vmem_shared>> -> memref<208xf32, #tpu.memory_space<vmem_shared>>
        tpu.enqueue_dma source(%dma_start3A_169 : memref<208xf32, #tpu.memory_space<vmem_shared>>) target(%dma_start3A_168 : memref<208xf32, #tpu.memory_space<vmem>>) target_semaphore(%run_scoped3A : memref<!tpu.dma_semaphore, #tpu.memory_space<semaphore_mem>>)
        %dma_wait3A_170 = arith.constant 624 : i32
        %dma_wait3A_171 = tpu.memref_slice %arg12[%dma_wait3A_170] : memref<848xf32, #tpu.memory_space<vmem>> -> memref<208xf32, #tpu.memory_space<vmem>>
        %dma_wait3A_172 = tpu.memref_slice %arg20[%mul3A_125] : memref<3328xf32, #tpu.memory_space<vmem_shared>> -> memref<208xf32, #tpu.memory_space<vmem_shared>>
        %dma_wait3A_173 = arith.constant 624 : i32
        %dma_wait3A_174 = tpu.memref_slice %arg12[%dma_wait3A_173] : memref<848xf32, #tpu.memory_space<vmem>> -> memref<208xf32, #tpu.memory_space<vmem>>
        %dma_wait3A_175 = tpu.memref_slice %arg20[%mul3A_125] : memref<3328xf32, #tpu.memory_space<vmem_shared>> -> memref<208xf32, #tpu.memory_space<vmem_shared>>
        tpu.wait_dma2 semaphore(%run_scoped3A : memref<!tpu.dma_semaphore, #tpu.memory_space<semaphore_mem>>) src(%dma_wait3A_175 : memref<208xf32, #tpu.memory_space<vmem_shared>>) dst(%dma_wait3A_174 : memref<208xf32, #tpu.memory_space<vmem>>)
        tpu.yield
      }) : () -> ()
      %mul3A_126 = arith.constant 4 : i32
      %mul3A_127 = arith.muli %select_n3A, %mul3A_126 : i32
      %add3A_128 = arith.constant 3 : i32
      %add3A_129 = arith.addi %mul3A_127, %add3A_128 : i32
      %mul3A_130 = arith.constant 208 : i32
      %mul3A_131 = arith.muli %add3A_129, %mul3A_130 : i32
      "tpu.region"() ({
        %run_scoped3A = tpu.sem_alloc : memref<!tpu.dma_semaphore, #tpu.memory_space<semaphore_mem>>
        %dma_start3A = arith.constant 624 : i32
        %dma_start3A_165 = tpu.memref_slice %arg13[%dma_start3A] : memref<848xi32, #tpu.memory_space<vmem>> -> memref<208xi32, #tpu.memory_space<vmem>>
        %dma_start3A_166 = tpu.memref_slice %arg21[%mul3A_131] : memref<3328xi32, #tpu.memory_space<vmem_shared>> -> memref<208xi32, #tpu.memory_space<vmem_shared>>
        %dma_start3A_167 = arith.constant 624 : i32
        %dma_start3A_168 = tpu.memref_slice %arg13[%dma_start3A_167] : memref<848xi32, #tpu.memory_space<vmem>> -> memref<208xi32, #tpu.memory_space<vmem>>
        %dma_start3A_169 = tpu.memref_slice %arg21[%mul3A_131] : memref<3328xi32, #tpu.memory_space<vmem_shared>> -> memref<208xi32, #tpu.memory_space<vmem_shared>>
        tpu.enqueue_dma source(%dma_start3A_169 : memref<208xi32, #tpu.memory_space<vmem_shared>>) target(%dma_start3A_168 : memref<208xi32, #tpu.memory_space<vmem>>) target_semaphore(%run_scoped3A : memref<!tpu.dma_semaphore, #tpu.memory_space<semaphore_mem>>)
        %dma_wait3A_170 = arith.constant 624 : i32
        %dma_wait3A_171 = tpu.memref_slice %arg13[%dma_wait3A_170] : memref<848xi32, #tpu.memory_space<vmem>> -> memref<208xi32, #tpu.memory_space<vmem>>
        %dma_wait3A_172 = tpu.memref_slice %arg21[%mul3A_131] : memref<3328xi32, #tpu.memory_space<vmem_shared>> -> memref<208xi32, #tpu.memory_space<vmem_shared>>
        %dma_wait3A_173 = arith.constant 624 : i32
        %dma_wait3A_174 = tpu.memref_slice %arg13[%dma_wait3A_173] : memref<848xi32, #tpu.memory_space<vmem>> -> memref<208xi32, #tpu.memory_space<vmem>>
        %dma_wait3A_175 = tpu.memref_slice %arg21[%mul3A_131] : memref<3328xi32, #tpu.memory_space<vmem_shared>> -> memref<208xi32, #tpu.memory_space<vmem_shared>>
        tpu.wait_dma2 semaphore(%run_scoped3A : memref<!tpu.dma_semaphore, #tpu.memory_space<semaphore_mem>>) src(%dma_wait3A_175 : memref<208xi32, #tpu.memory_space<vmem_shared>>) dst(%dma_wait3A_174 : memref<208xi32, #tpu.memory_space<vmem>>)
        tpu.yield
      }) : () -> ()
      %broadcast_in_dim3A_132 = arith.constant -3.000000e+00 : f32
      %broadcast_in_dim3A_133 = vector.broadcast %broadcast_in_dim3A_132 : f32 to vector<16xf32>
      %swap3A = arith.constant 832 : index
      %swap3A_134 = tpu.vector_load %arg12[%swap3A] {strides = array<i32>} : memref<848xf32, #tpu.memory_space<vmem>>, vector<16xf32>,
      tpu.vector_store %arg12[%swap3A], %broadcast_in_dim3A_133 {strides = array<i32>} : memref<848xf32, #tpu.memory_space<vmem>>, vector<16xf32>,
      %add3A_135 = arith.constant 1073741824 : i32
      %add3A_136 = vector.broadcast %add3A_135 : i32 to vector<16xi32>
      %add3A_137 = arith.addi %broadcast_in_dim3A_34, %add3A_136 : vector<16xi32>
      %swap3A_138 = arith.constant 832 : index
      %swap3A_139 = tpu.vector_load %arg13[%swap3A_138] {strides = array<i32>} : memref<848xi32, #tpu.memory_space<vmem>>, vector<16xi32>,
      tpu.vector_store %arg13[%swap3A_138], %add3A_137 {strides = array<i32>} : memref<848xi32, #tpu.memory_space<vmem>>, vector<16xi32>,
      %lt3A_140 = arith.constant 4 : i32
      %lt3A_141 = vector.broadcast %lt3A_140 : i32 to vector<16xi32>
      %lt3A_142 = arith.cmpi slt, %iota3A, %lt3A_141 : vector<16xi32>
      %mul3A_143 = arith.constant 208 : i32
      %mul3A_144 = vector.broadcast %mul3A_143 : i32 to vector<16xi32>
      %mul3A_145 = arith.muli %iota3A, %mul3A_144 : vector<16xi32>
      %jit3A_146 = arith.constant 832 : i32
      %broadcast_in_dim3A_147 = vector.broadcast %jit3A_146 : i32 to vector<16xi32>
      %select_n3A_148 = arith.select %lt3A_142, %mul3A_145, %broadcast_in_dim3A_147 : vector<16xi1>, vector<16xi32>
      %scan3A_149 = arith.constant 0 : i32
      %scan3A_150 = arith.constant 13 : i32
      %scan3A_151 = arith.addi %scan3A_149, %scan3A_150 : i32
      %scan3A_152 = arith.constant 1 : i32
      %scan3A_153 = scf.for %scan3A_165 = %scan3A_149 to %scan3A_151 step %scan3A_152 iter_args(%scan3A_166 = %broadcast_in_dim3A_34) -> (vector<16xi32>)  : i32 {
        %broadcast_in_dim3A_167 = arith.constant 0.000000e+00 : f32
        %broadcast_in_dim3A_168 = vector.broadcast %broadcast_in_dim3A_167 : f32 to vector<16xf32>
        %scan3A_169 = arith.constant 0 : i32
        %scan3A_170 = arith.constant 16 : i32
        %scan3A_171 = arith.addi %scan3A_169, %scan3A_170 : i32
        %scan3A_172 = arith.constant 1 : i32
        %scan3A_173:3 = scf.for %scan3A_183 = %scan3A_169 to %scan3A_171 step %scan3A_172 iter_args(%scan3A_184 = %broadcast_in_dim3A_168, %scan3A_185 = %broadcast_in_dim3A_34, %scan3A_186 = %scan3A_166) -> (vector<16xf32>, vector<16xi32>, vector<16xi32>)  : i32 {
          %add3A_187 = arith.addi %select_n3A_148, %scan3A_186 : vector<16xi32>
          %gather3A = tpu.vector_load_idx %arg12[%add3A_187] : memref<848xf32, #tpu.memory_space<vmem>>[vector<16xi32>], vector<16xf32>,
          %gather3A_188 = tpu.vector_load_idx %arg13[%add3A_187] : memref<848xi32, #tpu.memory_space<vmem>>[vector<16xi32>], vector<16xi32>,
          %reduce_max3A = arith.constant true
          %reduce_max3A_189 = vector.broadcast %reduce_max3A : i1 to vector<16xi1>
          %reduce_max3A_190 = tpu.scan <max>, %gather3A masked %reduce_max3A_189 : vector<16xf32>, vector<16xi1> -> vector<16xf32>
          %reduce_max3A_191 = vector.extract %reduce_max3A_190[15] : f32 from vector<16xf32>
          %eq3A_192 = vector.broadcast %reduce_max3A_191 : f32 to vector<16xf32>
          %eq3A_193 = arith.cmpf oeq, %gather3A, %eq3A_192 : vector<16xf32>
          %jit3A_194 = arith.constant 1073741824 : i32
          %broadcast_in_dim3A_195 = vector.broadcast %jit3A_194 : i32 to vector<16xi32>
          %select_n3A_196 = arith.select %eq3A_193, %gather3A_188, %broadcast_in_dim3A_195 : vector<16xi1>, vector<16xi32>
          %reduce_min3A = arith.constant true
          %reduce_min3A_197 = vector.broadcast %reduce_min3A : i1 to vector<16xi1>
          %reduce_min3A_198 = arith.constant -2147483648 : i32
          %reduce_min3A_199 = vector.broadcast %reduce_min3A_198 : i32 to vector<16xi32>
          %reduce_min3A_200 = arith.xori %select_n3A_196, %reduce_min3A_199 : vector<16xi32>
          %reduce_min3A_201 = tpu.scan <min>, %reduce_min3A_200 masked %reduce_min3A_197 : vector<16xi32>, vector<16xi1> -> vector<16xi32>
          %reduce_min3A_202 = arith.xori %reduce_min3A_201, %reduce_min3A_199 : vector<16xi32>
          %reduce_min3A_203 = vector.extract %reduce_min3A_202[15] : i32 from vector<16xi32>
          %eq3A_204 = vector.broadcast %reduce_min3A_203 : i32 to vector<16xi32>
          %eq3A_205 = arith.cmpi eq, %gather3A_188, %eq3A_204 : vector<16xi32>
          %and3A_206 = arith.andi %eq3A_193, %eq3A_205 : vector<16xi1>
          %convert_element_type3A_207 = arith.extui %and3A_206 : vector<16xi1> to vector<16xi32>
          %add3A_208 = arith.addi %scan3A_186, %convert_element_type3A_207 : vector<16xi32>
          %eq3A_209 = vector.broadcast %scan3A_183 : i32 to vector<16xi32>
          %eq3A_210 = arith.cmpi eq, %iota3A, %eq3A_209 : vector<16xi32>
          %broadcast_in_dim3A_211 = vector.broadcast %reduce_max3A_191 : f32 to vector<16xf32>
          %select_n3A_212 = arith.select %eq3A_210, %broadcast_in_dim3A_211, %scan3A_184 : vector<16xi1>, vector<16xf32>
          %eq3A_213 = vector.broadcast %scan3A_183 : i32 to vector<16xi32>
          %eq3A_214 = arith.cmpi eq, %iota3A, %eq3A_213 : vector<16xi32>
          %broadcast_in_dim3A_215 = vector.broadcast %reduce_min3A_203 : i32 to vector<16xi32>
          %select_n3A_216 = arith.select %eq3A_214, %broadcast_in_dim3A_215, %scan3A_185 : vector<16xi1>, vector<16xi32>
          scf.yield %select_n3A_212, %select_n3A_216, %add3A_208 : vector<16xf32>, vector<16xi32>, vector<16xi32>
        }
        %scan3A_174 = arith.constant 16 : i32
        %mul3A_175 = arith.constant 16 : i32
        %mul3A_176 = arith.muli %scan3A_165, %mul3A_175 : i32
        %swap3A_177 = arith.index_cast %mul3A_176 : i32 to index
        %swap3A_178 = tpu.vector_load %arg14[%swap3A_177] {strides = array<i32>} : memref<208xf32, #tpu.memory_space<vmem>>, vector<16xf32>,
        tpu.vector_store %arg14[%swap3A_177], %scan3A_173#0 {strides = array<i32>} : memref<208xf32, #tpu.memory_space<vmem>>, vector<16xf32>,
        %mul3A_179 = arith.constant 16 : i32
        %mul3A_180 = arith.muli %scan3A_165, %mul3A_179 : i32
        %swap3A_181 = arith.index_cast %mul3A_180 : i32 to index
        %swap3A_182 = tpu.vector_load %arg15[%swap3A_181] {strides = array<i32>} : memref<208xi32, #tpu.memory_space<vmem>>, vector<16xi32>,
        tpu.vector_store %arg15[%swap3A_181], %scan3A_173#1 {strides = array<i32>} : memref<208xi32, #tpu.memory_space<vmem>>, vector<16xi32>,
        scf.yield %scan3A_173#2 : vector<16xi32>
      }
      %scan3A_154 = arith.constant 13 : i32
      %mul3A_155 = arith.constant 60000 : i32
      %mul3A_156 = arith.muli %add3A_30, %mul3A_155 : i32
      %dma_wait3A = tpu.memref_slice %arg3[%mul3A_156] : memref<480000xf32, #tpu.memory_space<hbm>> -> memref<60000xf32, #tpu.memory_space<hbm>>
      %dma_wait3A_157 = tpu.memref_slice %arg3[%mul3A_156] : memref<480000xf32, #tpu.memory_space<hbm>> -> memref<60000xf32, #tpu.memory_space<hbm>>
      tpu.wait_dma2 semaphore(%arg23 : memref<!tpu.dma_semaphore, #tpu.memory_space<semaphore_mem>>) src(%dma_wait3A_157 : memref<60000xf32, #tpu.memory_space<hbm>>) dst(%arg16 : memref<60000xf32, #tpu.memory_space<vmem>>)
      %parallel_loop3A_158 = arith.constant 0 : i32
      %parallel_loop3A_159 = arith.constant 208 : i32
      %parallel_loop3A_160 = arith.constant 16 : i32
      scf.for %parallel_loop3A_165 = %parallel_loop3A_158 to %parallel_loop3A_159 step %parallel_loop3A_160  : i32 {
        %parallel_loop3A_166 = arith.index_cast %parallel_loop3A_165 : i32 to index
        %parallel_loop3A_167 = tpu.vector_load %arg15[%parallel_loop3A_166] {strides = array<i32>} : memref<208xi32, #tpu.memory_space<vmem>>, vector<16xi32>,
        %parallel_loop3A_168 = arith.index_cast %parallel_loop3A_165 : i32 to index
        %parallel_loop3A_169 = tpu.vector_load %arg14[%parallel_loop3A_168] {strides = array<i32>} : memref<208xf32, #tpu.memory_space<vmem>>, vector<16xf32>,
        %parallel_loop3A_170 = arith.constant 5000 : i32
        %parallel_loop3A_171 = vector.broadcast %parallel_loop3A_170 : i32 to vector<16xi32>
        %parallel_loop3A_172 = arith.divsi %parallel_loop3A_167, %parallel_loop3A_171 : vector<16xi32>
        %parallel_loop3A_173 = arith.constant 0 : i32
        %parallel_loop3A_174 = vector.broadcast %parallel_loop3A_173 : i32 to vector<16xi32>
        %parallel_loop3A_175 = arith.cmpi sgt, %parallel_loop3A_167, %parallel_loop3A_174 : vector<16xi32>
        %parallel_loop3A_176 = arith.extui %parallel_loop3A_175 : vector<16xi1> to vector<16xi32>
        %parallel_loop3A_177 = arith.constant 0 : i32
        %parallel_loop3A_178 = vector.broadcast %parallel_loop3A_177 : i32 to vector<16xi32>
        %parallel_loop3A_179 = arith.cmpi slt, %parallel_loop3A_167, %parallel_loop3A_178 : vector<16xi32>
        %parallel_loop3A_180 = arith.extui %parallel_loop3A_179 : vector<16xi1> to vector<16xi32>
        %parallel_loop3A_181 = arith.subi %parallel_loop3A_176, %parallel_loop3A_180 : vector<16xi32>
        %parallel_loop3A_182 = arith.constant 0 : i32
        %parallel_loop3A_183 = arith.cmpi sgt, %parallel_loop3A_170, %parallel_loop3A_182 : i32
        %parallel_loop3A_184 = arith.extui %parallel_loop3A_183 : i1 to i32
        %parallel_loop3A_185 = arith.constant 0 : i32
        %parallel_loop3A_186 = arith.cmpi slt, %parallel_loop3A_170, %parallel_loop3A_185 : i32
        %parallel_loop3A_187 = arith.extui %parallel_loop3A_186 : i1 to i32
        %parallel_loop3A_188 = arith.subi %parallel_loop3A_184, %parallel_loop3A_187 : i32
        %parallel_loop3A_189 = vector.broadcast %parallel_loop3A_188 : i32 to vector<16xi32>
        %parallel_loop3A_190 = arith.cmpi ne, %parallel_loop3A_181, %parallel_loop3A_189 : vector<16xi32>
        %parallel_loop3A_191 = vector.broadcast %parallel_loop3A_170 : i32 to vector<16xi32>
        %parallel_loop3A_192 = arith.remsi %parallel_loop3A_167, %parallel_loop3A_191 : vector<16xi32>
        %parallel_loop3A_193 = arith.constant 0 : i32
        %parallel_loop3A_194 = vector.broadcast %parallel_loop3A_193 : i32 to vector<16xi32>
        %parallel_loop3A_195 = arith.cmpi ne, %parallel_loop3A_192, %parallel_loop3A_194 : vector<16xi32>
        %parallel_loop3A_196 = arith.andi %parallel_loop3A_190, %parallel_loop3A_195 : vector<16xi1>
        %parallel_loop3A_197 = arith.constant 1 : i32
        %parallel_loop3A_198 = vector.broadcast %parallel_loop3A_197 : i32 to vector<16xi32>
        %parallel_loop3A_199 = arith.subi %parallel_loop3A_172, %parallel_loop3A_198 : vector<16xi32>
        %parallel_loop3A_200 = arith.select %parallel_loop3A_196, %parallel_loop3A_199, %parallel_loop3A_172 : vector<16xi1>, vector<16xi32>
        %parallel_loop3A_201 = arith.constant 1 : i32
        %parallel_loop3A_202 = vector.broadcast %parallel_loop3A_201 : i32 to vector<16xi32>
        %parallel_loop3A_203 = arith.addi %parallel_loop3A_200, %parallel_loop3A_202 : vector<16xi32>
        %parallel_loop3A_204 = arith.constant 5000 : i32
        %parallel_loop3A_205 = vector.broadcast %parallel_loop3A_204 : i32 to vector<16xi32>
        %parallel_loop3A_206 = arith.remsi %parallel_loop3A_167, %parallel_loop3A_205 : vector<16xi32>
        %parallel_loop3A_207 = arith.constant 12 : i32
        %parallel_loop3A_208 = vector.broadcast %parallel_loop3A_207 : i32 to vector<16xi32>
        %parallel_loop3A_209 = arith.muli %parallel_loop3A_206, %parallel_loop3A_208 : vector<16xi32>
        %parallel_loop3A_210 = arith.constant 0 : i32
        %parallel_loop3A_211 = vector.broadcast %parallel_loop3A_210 : i32 to vector<16xi32>
        %parallel_loop3A_212 = arith.addi %parallel_loop3A_209, %parallel_loop3A_211 : vector<16xi32>
        %parallel_loop3A_213 = tpu.vector_load_idx %arg16[%parallel_loop3A_212] : memref<60000xf32, #tpu.memory_space<vmem>>[vector<16xi32>], vector<16xf32>,
        %parallel_loop3A_214 = arith.constant 1 : i32
        %parallel_loop3A_215 = vector.broadcast %parallel_loop3A_214 : i32 to vector<16xi32>
        %parallel_loop3A_216 = arith.addi %parallel_loop3A_209, %parallel_loop3A_215 : vector<16xi32>
        %parallel_loop3A_217 = tpu.vector_load_idx %arg16[%parallel_loop3A_216] : memref<60000xf32, #tpu.memory_space<vmem>>[vector<16xi32>], vector<16xf32>,
        %parallel_loop3A_218 = arith.constant 2 : i32
        %parallel_loop3A_219 = vector.broadcast %parallel_loop3A_218 : i32 to vector<16xi32>
        %parallel_loop3A_220 = arith.addi %parallel_loop3A_209, %parallel_loop3A_219 : vector<16xi32>
        %parallel_loop3A_221 = tpu.vector_load_idx %arg16[%parallel_loop3A_220] : memref<60000xf32, #tpu.memory_space<vmem>>[vector<16xi32>], vector<16xf32>,
        %parallel_loop3A_222 = arith.constant 3 : i32
        %parallel_loop3A_223 = vector.broadcast %parallel_loop3A_222 : i32 to vector<16xi32>
        %parallel_loop3A_224 = arith.addi %parallel_loop3A_209, %parallel_loop3A_223 : vector<16xi32>
        %parallel_loop3A_225 = tpu.vector_load_idx %arg16[%parallel_loop3A_224] : memref<60000xf32, #tpu.memory_space<vmem>>[vector<16xi32>], vector<16xf32>,
        %parallel_loop3A_226 = arith.constant 4 : i32
        %parallel_loop3A_227 = vector.broadcast %parallel_loop3A_226 : i32 to vector<16xi32>
        %parallel_loop3A_228 = arith.addi %parallel_loop3A_209, %parallel_loop3A_227 : vector<16xi32>
        %parallel_loop3A_229 = tpu.vector_load_idx %arg16[%parallel_loop3A_228] : memref<60000xf32, #tpu.memory_space<vmem>>[vector<16xi32>], vector<16xf32>,
        %parallel_loop3A_230 = arith.constant 5 : i32
        %parallel_loop3A_231 = vector.broadcast %parallel_loop3A_230 : i32 to vector<16xi32>
        %parallel_loop3A_232 = arith.addi %parallel_loop3A_209, %parallel_loop3A_231 : vector<16xi32>
        %parallel_loop3A_233 = tpu.vector_load_idx %arg16[%parallel_loop3A_232] : memref<60000xf32, #tpu.memory_space<vmem>>[vector<16xi32>], vector<16xf32>,
        %parallel_loop3A_234 = arith.constant 6 : i32
        %parallel_loop3A_235 = vector.broadcast %parallel_loop3A_234 : i32 to vector<16xi32>
        %parallel_loop3A_236 = arith.addi %parallel_loop3A_209, %parallel_loop3A_235 : vector<16xi32>
        %parallel_loop3A_237 = tpu.vector_load_idx %arg16[%parallel_loop3A_236] : memref<60000xf32, #tpu.memory_space<vmem>>[vector<16xi32>], vector<16xf32>,
        %parallel_loop3A_238 = arith.constant 7 : i32
        %parallel_loop3A_239 = vector.broadcast %parallel_loop3A_238 : i32 to vector<16xi32>
        %parallel_loop3A_240 = arith.addi %parallel_loop3A_209, %parallel_loop3A_239 : vector<16xi32>
        %parallel_loop3A_241 = tpu.vector_load_idx %arg16[%parallel_loop3A_240] : memref<60000xf32, #tpu.memory_space<vmem>>[vector<16xi32>], vector<16xf32>,
        %parallel_loop3A_242 = arith.constant 8 : i32
        %parallel_loop3A_243 = vector.broadcast %parallel_loop3A_242 : i32 to vector<16xi32>
        %parallel_loop3A_244 = arith.addi %parallel_loop3A_209, %parallel_loop3A_243 : vector<16xi32>
        %parallel_loop3A_245 = tpu.vector_load_idx %arg16[%parallel_loop3A_244] : memref<60000xf32, #tpu.memory_space<vmem>>[vector<16xi32>], vector<16xf32>,
        %parallel_loop3A_246 = arith.constant 9 : i32
        %parallel_loop3A_247 = vector.broadcast %parallel_loop3A_246 : i32 to vector<16xi32>
        %parallel_loop3A_248 = arith.addi %parallel_loop3A_209, %parallel_loop3A_247 : vector<16xi32>
        %parallel_loop3A_249 = tpu.vector_load_idx %arg16[%parallel_loop3A_248] : memref<60000xf32, #tpu.memory_space<vmem>>[vector<16xi32>], vector<16xf32>,
        %parallel_loop3A_250 = arith.constant 10 : i32
        %parallel_loop3A_251 = vector.broadcast %parallel_loop3A_250 : i32 to vector<16xi32>
        %parallel_loop3A_252 = arith.addi %parallel_loop3A_209, %parallel_loop3A_251 : vector<16xi32>
        %parallel_loop3A_253 = tpu.vector_load_idx %arg16[%parallel_loop3A_252] : memref<60000xf32, #tpu.memory_space<vmem>>[vector<16xi32>], vector<16xf32>,
        %parallel_loop3A_254 = arith.constant 11 : i32
        %parallel_loop3A_255 = vector.broadcast %parallel_loop3A_254 : i32 to vector<16xi32>
        %parallel_loop3A_256 = arith.addi %parallel_loop3A_209, %parallel_loop3A_255 : vector<16xi32>
        %parallel_loop3A_257 = tpu.vector_load_idx %arg16[%parallel_loop3A_256] : memref<60000xf32, #tpu.memory_space<vmem>>[vector<16xi32>], vector<16xf32>,
        %parallel_loop3A_258 = arith.mulf %parallel_loop3A_213, %parallel_loop3A_245 : vector<16xf32>
        %parallel_loop3A_259 = arith.mulf %parallel_loop3A_258, %parallel_loop3A_237 : vector<16xf32>
        %parallel_loop3A_260 = arith.addf %parallel_loop3A_259, %parallel_loop3A_229 : vector<16xf32>
        %parallel_loop3A_261 = arith.mulf %parallel_loop3A_217, %parallel_loop3A_249 : vector<16xf32>
        %parallel_loop3A_262 = arith.mulf %parallel_loop3A_261, %parallel_loop3A_241 : vector<16xf32>
        %parallel_loop3A_263 = arith.addf %parallel_loop3A_262, %parallel_loop3A_233 : vector<16xf32>
        %parallel_loop3A_264 = arith.mulf %parallel_loop3A_221, %parallel_loop3A_253 : vector<16xf32>
        %parallel_loop3A_265 = math.exp %parallel_loop3A_264 : vector<16xf32>
        %parallel_loop3A_266 = arith.mulf %parallel_loop3A_265, %parallel_loop3A_237 : vector<16xf32>
        %parallel_loop3A_267 = arith.mulf %parallel_loop3A_225, %parallel_loop3A_257 : vector<16xf32>
        %parallel_loop3A_268 = math.exp %parallel_loop3A_267 : vector<16xf32>
        %parallel_loop3A_269 = arith.mulf %parallel_loop3A_268, %parallel_loop3A_241 : vector<16xf32>
        %parallel_loop3A_270 = arith.constant 5.000000e-01 : f32
        %parallel_loop3A_271 = vector.broadcast %parallel_loop3A_270 : f32 to vector<16xf32>
        %parallel_loop3A_272 = arith.mulf %parallel_loop3A_271, %parallel_loop3A_266 : vector<16xf32>
        %parallel_loop3A_273 = arith.subf %parallel_loop3A_260, %parallel_loop3A_272 : vector<16xf32>
        %parallel_loop3A_274 = arith.constant 5.120000e+02 : f32
        %parallel_loop3A_275 = vector.broadcast %parallel_loop3A_274 : f32 to vector<16xf32>
        %parallel_loop3A_276 = arith.mulf %parallel_loop3A_273, %parallel_loop3A_275 : vector<16xf32>
        %parallel_loop3A_277 = arith.constant 5.000000e-01 : f32
        %parallel_loop3A_278 = vector.broadcast %parallel_loop3A_277 : f32 to vector<16xf32>
        %parallel_loop3A_279 = arith.mulf %parallel_loop3A_278, %parallel_loop3A_269 : vector<16xf32>
        %parallel_loop3A_280 = arith.subf %parallel_loop3A_263, %parallel_loop3A_279 : vector<16xf32>
        %parallel_loop3A_281 = arith.constant 5.120000e+02 : f32
        %parallel_loop3A_282 = vector.broadcast %parallel_loop3A_281 : f32 to vector<16xf32>
        %parallel_loop3A_283 = arith.mulf %parallel_loop3A_280, %parallel_loop3A_282 : vector<16xf32>
        %parallel_loop3A_284 = arith.constant 5.000000e-01 : f32
        %parallel_loop3A_285 = vector.broadcast %parallel_loop3A_284 : f32 to vector<16xf32>
        %parallel_loop3A_286 = arith.mulf %parallel_loop3A_285, %parallel_loop3A_266 : vector<16xf32>
        %parallel_loop3A_287 = arith.addf %parallel_loop3A_260, %parallel_loop3A_286 : vector<16xf32>
        %parallel_loop3A_288 = arith.constant 5.120000e+02 : f32
        %parallel_loop3A_289 = vector.broadcast %parallel_loop3A_288 : f32 to vector<16xf32>
        %parallel_loop3A_290 = arith.mulf %parallel_loop3A_287, %parallel_loop3A_289 : vector<16xf32>
        %parallel_loop3A_291 = arith.constant 5.000000e-01 : f32
        %parallel_loop3A_292 = vector.broadcast %parallel_loop3A_291 : f32 to vector<16xf32>
        %parallel_loop3A_293 = arith.mulf %parallel_loop3A_292, %parallel_loop3A_269 : vector<16xf32>
        %parallel_loop3A_294 = arith.addf %parallel_loop3A_263, %parallel_loop3A_293 : vector<16xf32>
        %parallel_loop3A_295 = arith.constant 5.120000e+02 : f32
        %parallel_loop3A_296 = vector.broadcast %parallel_loop3A_295 : f32 to vector<16xf32>
        %parallel_loop3A_297 = arith.mulf %parallel_loop3A_294, %parallel_loop3A_296 : vector<16xf32>
        %parallel_loop3A_298 = vector.broadcast %parallel_loop3A_165 : i32 to vector<16xi32>
        %parallel_loop3A_299 = arith.addi %parallel_loop3A_298, %iota3A : vector<16xi32>
        %parallel_loop3A_300 = arith.constant 200 : i32
        %parallel_loop3A_301 = vector.broadcast %parallel_loop3A_300 : i32 to vector<16xi32>
        %parallel_loop3A_302 = arith.cmpi slt, %parallel_loop3A_299, %parallel_loop3A_301 : vector<16xi32>
        %parallel_loop3A_303 = arith.sitofp %parallel_loop3A_203 : vector<16xi32> to vector<16xf32>
        %parallel_loop3A_304 = arith.constant 6 : i32
        %parallel_loop3A_305 = vector.broadcast %parallel_loop3A_304 : i32 to vector<16xi32>
        %parallel_loop3A_306 = arith.muli %parallel_loop3A_299, %parallel_loop3A_305 : vector<16xi32>
        %parallel_loop3A_307 = arith.constant 0 : i32
        %parallel_loop3A_308 = vector.broadcast %parallel_loop3A_307 : i32 to vector<16xi32>
        %parallel_loop3A_309 = arith.addi %parallel_loop3A_306, %parallel_loop3A_308 : vector<16xi32>
        tpu.vector_store_idx %arg17[%parallel_loop3A_309], %parallel_loop3A_303 masked %parallel_loop3A_302 : memref<1200xf32, #tpu.memory_space<vmem>>[vector<16xi32>], vector<16xf32>, vector<16xi1>
        %parallel_loop3A_310 = arith.constant 1 : i32
        %parallel_loop3A_311 = vector.broadcast %parallel_loop3A_310 : i32 to vector<16xi32>
        %parallel_loop3A_312 = arith.addi %parallel_loop3A_306, %parallel_loop3A_311 : vector<16xi32>
        tpu.vector_store_idx %arg17[%parallel_loop3A_312], %parallel_loop3A_169 masked %parallel_loop3A_302 : memref<1200xf32, #tpu.memory_space<vmem>>[vector<16xi32>], vector<16xf32>, vector<16xi1>
        %parallel_loop3A_313 = arith.constant 2 : i32
        %parallel_loop3A_314 = vector.broadcast %parallel_loop3A_313 : i32 to vector<16xi32>
        %parallel_loop3A_315 = arith.addi %parallel_loop3A_306, %parallel_loop3A_314 : vector<16xi32>
        tpu.vector_store_idx %arg17[%parallel_loop3A_315], %parallel_loop3A_276 masked %parallel_loop3A_302 : memref<1200xf32, #tpu.memory_space<vmem>>[vector<16xi32>], vector<16xf32>, vector<16xi1>
        %parallel_loop3A_316 = arith.constant 3 : i32
        %parallel_loop3A_317 = vector.broadcast %parallel_loop3A_316 : i32 to vector<16xi32>
        %parallel_loop3A_318 = arith.addi %parallel_loop3A_306, %parallel_loop3A_317 : vector<16xi32>
        tpu.vector_store_idx %arg17[%parallel_loop3A_318], %parallel_loop3A_283 masked %parallel_loop3A_302 : memref<1200xf32, #tpu.memory_space<vmem>>[vector<16xi32>], vector<16xf32>, vector<16xi1>
        %parallel_loop3A_319 = arith.constant 4 : i32
        %parallel_loop3A_320 = vector.broadcast %parallel_loop3A_319 : i32 to vector<16xi32>
        %parallel_loop3A_321 = arith.addi %parallel_loop3A_306, %parallel_loop3A_320 : vector<16xi32>
        tpu.vector_store_idx %arg17[%parallel_loop3A_321], %parallel_loop3A_290 masked %parallel_loop3A_302 : memref<1200xf32, #tpu.memory_space<vmem>>[vector<16xi32>], vector<16xf32>, vector<16xi1>
        %parallel_loop3A_322 = arith.constant 5 : i32
        %parallel_loop3A_323 = vector.broadcast %parallel_loop3A_322 : i32 to vector<16xi32>
        %parallel_loop3A_324 = arith.addi %parallel_loop3A_306, %parallel_loop3A_323 : vector<16xi32>
        tpu.vector_store_idx %arg17[%parallel_loop3A_324], %parallel_loop3A_297 masked %parallel_loop3A_302 : memref<1200xf32, #tpu.memory_space<vmem>>[vector<16xi32>], vector<16xf32>, vector<16xi1>
      } {sc.loop_unroll_factor = 2 : i64, sc.parallel_access}
      %mul3A_161 = arith.constant 200 : i32
      %mul3A_162 = arith.muli %add3A_30, %mul3A_161 : i32
      %mul3A_163 = arith.constant 6 : i32
      %mul3A_164 = arith.muli %mul3A_162, %mul3A_163 : i32
      "tpu.region"() ({
        %run_scoped3A = tpu.sem_alloc : memref<!tpu.dma_semaphore, #tpu.memory_space<semaphore_mem>>
        %dma_start3A = tpu.memref_slice %arg4[%mul3A_164] : memref<9600xf32, #tpu.memory_space<hbm>> -> memref<1200xf32, #tpu.memory_space<hbm>>
        %dma_start3A_165 = tpu.memref_slice %arg4[%mul3A_164] : memref<9600xf32, #tpu.memory_space<hbm>> -> memref<1200xf32, #tpu.memory_space<hbm>>
        tpu.enqueue_dma source(%arg17 : memref<1200xf32, #tpu.memory_space<vmem>>) target(%dma_start3A_165 : memref<1200xf32, #tpu.memory_space<hbm>>) target_semaphore(%run_scoped3A : memref<!tpu.dma_semaphore, #tpu.memory_space<semaphore_mem>>)
        %dma_wait3A_166 = tpu.memref_slice %arg4[%mul3A_164] : memref<9600xf32, #tpu.memory_space<hbm>> -> memref<1200xf32, #tpu.memory_space<hbm>>
        %dma_wait3A_167 = tpu.memref_slice %arg4[%mul3A_164] : memref<9600xf32, #tpu.memory_space<hbm>> -> memref<1200xf32, #tpu.memory_space<hbm>>
        tpu.wait_dma2 semaphore(%run_scoped3A : memref<!tpu.dma_semaphore, #tpu.memory_space<semaphore_mem>>) src(%arg17 : memref<1200xf32, #tpu.memory_space<vmem>>) dst(%dma_wait3A_167 : memref<1200xf32, #tpu.memory_space<hbm>>)
        tpu.yield
      }) : () -> ()
    } else {
    }
    return
  }
}

</mosaic_0001>

<sc_bundles>
// kernel: kernel.3.cloned.1.call-start
scs
__scs_entry_jumppad:
0x0: {  	(pc) =	sbr.rel $0x88, $3  }
0x1: {  	(tag) =	ssettag $0x0;
	lr =	simm.s32 $0x1  }
0x2: {  	[smem:$0x3FA0] =	sst lr;
	_ =	strace $0xD0000000  }
0x3: {  	_ = 	snop  }
0x4: {  	_ = 	snop  }
0x5: {  	_ = 	snop  }
0x6: {  	_ = 	snop  }
0x7: {  	_ = 	snop  }
__scs_overlays_trampoline_lowered:
0x8: {  	[smem:$0x3FAF] =	sst s0  }
0x9: {  	[smem:$0x3FB0] =	sst s1  }
0xa: {  	[smem:$0x3FB1] =	sst s2  }
0xb: {  	[smem:$0x3FB2] =	sst s3  }
0xc: {  	[smem:$0x3FB3] =	sst s4  }
0xd: {  	[smem:$0x3FB4] =	sst s5  }
0xe: {  	[smem:$0x3FB5] =	sst s6  }
0xf: {  	[smem:$0x3FB6] =	sst s7  }
0x10: {  	[smem:$0x3FB7] =	sst s8  }
0x11: {  	[smem:$0x3FB8] =	sst s9;
	s0 =	simm.s32 @!p0 $0x0  }
0x12: {  	s1 =	sld [smem:$0x3F9E];
	s0 =	simm.s32 @p0 $0x1  }
0x13: {  	[smem:$0x3FB9] =	sst s0;
	s0 =	simm.s32 @!p1 $0x0  }
0x14: {  	s2 =	sld [smem:$0x3F9D];
	s0 =	simm.s32 @p1 $0x1  }
0x15: {  	[smem:$0x3FBA] =	sst s0;
	s0 =	simm.s32 @!p2 $0x0  }
0x16: {  	s3 =	sld [smem:$0x3FDB];
	s0 =	simm.s32 @p2 $0x1  }
0x17: {  	s4 =	simm.s32 $0x1BF5;
	[smem:$0x3FBC] =	sst s0  }
0x18: {  	s0 =	sld [smem:$0x3F9F];
	_ =	swait.ge [sflag:s4], $0x0  }
0x19: {  	s7 =	sld [smem:$0x3FA0]  }
0x1a: {  	s8 =	sadd.s32 $0xFFFFE003, lr  }
0x1b: {  	s9 =	sadd.s32 $0xFFFFFEF7, lr;
	s5 =	simm.s32 $0xFFFFFFFF;
	p2 =	slt.u32 s8, $0xFFFFF086  }
0x1c: {  	p1 =	slt.u32 s9, $0xF7A;
	s5 =	simm.s32 @!p2 $0x0  }
0x1d: {  	s5 =	simm.s32 @p1 $0x1;
	p0 =	seq.s32 s7, s2  }
0x1e: {  	s7 =	smul.u32 @!p0 $0xF7A, s2;
	p2 =	seq.s32 @!p0 s5, $0x0  }
0x1f: {  	s9 =	smul.u32 $0xF7A, s1;
	s8 =	simm.s32 @!p0 $0x1BF5;
	p2 =	por !p2, p0  }
0x20: {  	[sflag:s8] =	ssyncset.s32 @!p0 $0xFFFFF086;
	s6 =	sadd.s32 @!p0 s3, s7;
	s7 =	simm.s32 @!p0 $0x108  }
0x21: {  	s3 =	sadd.s32 s3, s9;
	s6 =	sadd.s32 @!p0 $0x88, s6;
	s7 =	simm.s32 @p2 $0x1082  }
0x22: {  	[simem:s7], [sflag:s8] =	dma.local @!p0 [hbm:s6], $0xF7A  }
0x23: {  	s9 =	sor.u32 $0xD0000000, s2;
	s6 =	simm.s32 $0x108;
	_ =	swait.ge @!p0 [sflag:s8], $0x0  }
0x24: {  	s3 =	sadd.s32 $0x88, s3;
	s6 =	simm.s32 @!p1 $0x1082;
	[sflag:s4] =	ssyncset.s32 $0xFFFFF086  }
0x25: {  	[simem:s6], [sflag:s4] =	dma.local [hbm:s3], $0xF7A  }
0x26: {  	[smem:$0x3FA0] =	sst s1;
	(tag) =	ssettag s2;
	_ =	strace s9  }
0x27: {  	s1 =	sld [smem:$0x3FB0]  }
0x28: {  	s2 =	sld [smem:$0x3FB1]  }
0x29: {  	s4 =	sld [smem:$0x3FB3]  }
0x2a: {  	p0 =	seq.s32 s5, $0x0;
	s5 =	sld [smem:$0x3FB4]  }
0x2b: {  	s6 =	sld [smem:$0x3FB5]  }
0x2c: {  	s7 =	sld [smem:$0x3FB6]  }
0x2d: {  	s3 =	simm.s32 $0x108;
	s8 =	sld [smem:$0x3FB7]  }
0x2e: {  	s3 =	simm.s32 @!p0 $0x1082;
	s9 =	sld [smem:$0x3FB8]  }
0x2f: {  	lr =	sadd.s32 s0, s3;
	s0 =	sld [smem:$0x3FAF]  }
0x30: {  	s3 =	sld [smem:$0x3FB2]  }
0x31: {  	[smem:$0x3FBB] =	sst s10  }
0x32: {  	s10 =	sld [smem:$0x3FB9];
	_ =	sdelay $0x3  }
0x33: {  	p0 =	seq.s32 s10, $0x1;
	s10 =	sld [smem:$0x3FBB];
	_ =	sdelay $0x3  }
0x34: {  	[smem:$0x3FBB] =	sst s10  }
0x35: {  	s10 =	sld [smem:$0x3FBA];
	_ =	sdelay $0x3  }
0x36: {  	p1 =	seq.s32 s10, $0x1;
	s10 =	sld [smem:$0x3FBB];
	_ =	sdelay $0x3  }
0x37: {  	[smem:$0x3FBB] =	sst s10  }
0x38: {  	s10 =	sld [smem:$0x3FBC]  }
0x39: {  	_ = 	snop;
	(pc) =	sbr.ind lr, $3  }
0x3a: {  	_ = 	snop  }
0x3b: {  	_ = 	snop  }
0x3c: {  	p2 =	seq.s32 s10, $0x1;
	s10 =	sld [smem:$0x3FBB]  }
0x3d: {  	_ =	shalt  }
0x3e: {  	_ =	shalt  }
0x3f: {  	_ =	shalt  }
0x40: {  	_ =	shalt  }
0x41: {  	_ =	shalt  }
0x42: {  	_ =	shalt  }
0x43: {  	_ =	shalt  }
0x44: {  	_ =	shalt  }
0x45: {  	_ =	shalt  }
0x46: {  	_ =	shalt  }
0x47: {  	_ =	shalt  }
0x48: {  	_ =	shalt  }
0x49: {  	_ =	shalt  }
0x4a: {  	_ =	shalt  }
0x4b: {  	_ =	shalt  }
0x4c: {  	_ =	shalt  }
0x4d: {  	_ =	shalt  }
0x4e: {  	_ =	shalt  }
0x4f: {  	_ =	shalt  }
0x50: {  	_ =	shalt  }
0x51: {  	_ =	shalt  }
0x52: {  	_ =	shalt  }
0x53: {  	_ =	shalt  }
0x54: {  	_ =	shalt  }
0x55: {  	_ =	shalt  }
0x56: {  	_ =	shalt  }
0x57: {  	_ =	shalt  }
0x58: {  	_ =	shalt  }
0x59: {  	_ =	shalt  }
0x5a: {  	_ =	shalt  }
0x5b: {  	_ =	shalt  }
0x5c: {  	_ =	shalt  }
0x5d: {  	_ =	shalt  }
0x5e: {  	_ =	shalt  }
0x5f: {  	_ =	shalt  }
0x60: {  	_ =	shalt  }
0x61: {  	_ =	shalt  }
0x62: {  	_ =	shalt  }
0x63: {  	_ =	shalt  }
0x64: {  	_ =	shalt  }
0x65: {  	_ =	shalt  }
0x66: {  	_ =	shalt  }
0x67: {  	_ =	shalt  }
0x68: {  	_ =	shalt  }
0x69: {  	_ =	shalt  }
0x6a: {  	_ =	shalt  }
0x6b: {  	_ =	shalt  }
0x6c: {  	_ =	shalt  }
0x6d: {  	_ =	shalt  }
0x6e: {  	_ =	shalt  }
0x6f: {  	_ =	shalt  }
0x70: {  	_ =	shalt  }
0x71: {  	_ =	shalt  }
0x72: {  	_ =	shalt  }
0x73: {  	_ =	shalt  }
0x74: {  	_ =	shalt  }
0x75: {  	_ =	shalt  }
0x76: {  	_ =	shalt  }
0x77: {  	_ =	shalt  }
0x78: {  	_ =	shalt  }
0x79: {  	_ =	shalt  }
0x7a: {  	_ =	shalt  }
0x7b: {  	_ =	shalt  }
0x7c: {  	_ =	shalt  }
0x7d: {  	_ =	shalt  }
0x7e: {  	_ =	shalt  }
0x7f: {  	_ =	shalt  }
0x80: {  	_ =	shalt  }
0x81: {  	_ =	shalt  }
0x82: {  	_ =	shalt  }
0x83: {  	_ =	shalt  }
0x84: {  	_ =	shalt  }
0x85: {  	_ =	shalt  }
0x86: {  	_ =	shalt  }
0x87: {  	_ =	shalt  }
.Lfunc_end0:
.L_simem_size_0:
called_computation_lowered:
.L_overlay_start_0:
0x88: {  	s2 =	sld [smem:$0x3FD9]  }
0x89: {  	s3 =	sld [smem:$0x3FFE];
	_ =	sdelay $0x1  }
0x8a: {  	s1 =	srdreg.scid  }
0x8b: {  	s0 =	sand.u32 $0x1, s1  }
0x8c: {  	s17 =	sshll.u32 s0, $0xA;
	s2 =	sadd.s32 s3, s2  }
0x8d: {  	s2 =	sadd.s32 s2, s17  }
0x8e: {  	[smem:$0x3FC7] =	sst s2  }
0x8f: {  	_ = 	snop  }
0x90: {  	s2 =	sld [smem:$0x3FD0];
	(tm) =	ssettm $0x1  }
0x91: {  	s18 =	sld [smem:$0x3FFB];
	_ =	sdelay $0x3  }
0x92: {  	_ =	strace s18  }
0x93: {  	s3 =	sld [smem:$0x3FFC];
	_ =	sdelay $0x3  }
0x94: {  	_ =	strace s3  }
0x95: {  	s3 =	sld [smem:$0x3FFD];
	_ =	sdelay $0x3  }
0x96: {  	_ =	strace s3  }
0x97: {  	_ =	strace $0x8FFFFFFF  }
0x98: {  	s19 =	sld [smem:$0x3FDB];
	_ =	sdelay $0x1  }
0x99: {  	s4 =	simm.s32 $_scs_section_size  }
0x9a: {  	s5 =	simm.s32 $_size__tile_overlayer_lowered;
	s6 =	simm.s32 $_tile_overlayer_lowered  }
0x9b: {  	s22 =	simm.s32 $0x1BFF;
	s21 =	sshll.u32 s6, $0x1;
	s3 =	sadd.s32 s4, s19  }
0x9c: {  	s7 =	simm.s32 $0x0;
	s20 =	sshll.u32 s5, $0x1;
	s5 =	sadd.s32 s21, s3  }
0x9d: {  	[timem:s7], [sflag:s22] =	dma.local [hbm:s5], s20  }
0x9e: {  	_ =	swait.ge [sflag:s22], s20  }
0x9f: {  	s4 =	ssub.s32 $0x0, s20;
	[sflag:s22] =	ssyncset.done $0x0  }
0xa0: {  	[sflag:s22] =	ssyncadd.s32 s4;
	_ =	sdelay $0x1  }
0xa1: {  	s23 =	simm.s32 $0x1B8B  }
0xa2: {  	_ =	swait.ge [sflag:s23], $0x1  }
0xa3: {  	[sflag:s23] =	ssyncset.done $0x0  }
0xa4: {  	s25 =	simm.s32 $0x1B8E;
	s24 =	sld [smem:$0x3FFE];
	[sflag:s23] =	ssyncadd.s32 $0xFFFFFFFF  }
0xa5: {  	s26 =	simm.s32 $execute0_lowered;
	[smem:$0x3FD2] =	sst s25  }
0xa6: {  	s5 =	sshll.u32 s26, $0x1;
	_ =	strace $0x80000046;
	[dreg:$0x1] =	wrdreg $0xFFFFFFFF  }
0xa7: {  	s28 =	simm.s32 $_size_execute0_lowered;
	s3 =	sadd.s32 s3, s5;
	[dreg:$0x0] =	wrdreg $0x0  }
0xa8: {  	s5 =	sshll.u32 s28, $0x1;
	[dreg:$0x2] =	wrdreg s3  }
0xa9: {  	[dreg:$0x3] =	wrdreg s5  }
0xaa: {  	[dreg:$0x4] =	wrdreg $0xC0  }
0xab: {  	_ =	task [dreg:s7], $0x5FFFF  }
0xac: {  	[dreg:$0x1] =	wrdreg $0xFFFFFFFF  }
0xad: {  	[dreg:$0x0] =	wrdreg $0x60  }
0xae: {  	[dreg:$0x2] =	wrdreg s24  }
0xaf: {  	[dreg:$0x3] =	wrdreg s2  }
0xb0: {  	[dreg:$0x4] =	wrdreg $0x17D400  }
0xb1: {  	[dreg:$0x5] =	wrdreg $0x18EE00  }
0xb2: {  	[dreg:$0x6] =	wrdreg $0x18D400  }
0xb3: {  	[dreg:$0x7] =	wrdreg $0x18E100  }
0xb4: {  	[dreg:$0x8] =	wrdreg $0x9  }
0xb5: {  	_ =	task.clear_ibuf [dreg:s7], $0x9FFFF;
	_ =	strace $0x90000046  }
0xb6: {  	s29 =	simm.s32 $0x9;
	_ =	strace $0x80000048  }
0xb7: {  	_ =	swait.ge [sflag:s29], $0x1  }
0xb8: {  	[sflag:s29] =	ssyncadd.s32 $0xFFFFFFFF  }
0xb9: {  	_ =	strace $0x90000048  }
0xba: {  	_ =	sfence  }
0xbb: {  	s30 =	sld [smem:$0x0];
	_ =	sdelay $0x2  }
0xbc: {  	s31 =	sshll.u32 s1, $0xD;
	s1 =	sshrl.u32 s1, $0x2  }
0xbd: {  	s3 =	sand.u32 $0x4000, s31;
	s1 =	sadd.s32 s1, s30  }
0xbe: {  	s0 =	sor.u32 s3, s0;
	s1 =	sshll.u32 s1, $0x11  }
0xbf: {  	s0 =	sor.u32 s1, s0  }
0xc0: {  	s0 =	sadd.s32 $0x8F2B, s0  }
0xc1: {  	[sflag:s0] =	ssyncadd.remote.s32 $0x1  }
0xc2: {  	_ =	sfence.sel $0xFFFF  }
0xc3: {  	[dreg:$0x0] =	wrdreg $0xFFFFFFFF;
	(pc) =	sbr.abs _section_cstart, $3  }
0xc4: {  	[dreg:$0x1] =	wrdreg $0xFFFFFFFF  }
0xc5: {  	_ =	task.clear_ibuf [dreg:s7], $0x2FFFF;
	_ =	strace $0x9FFFFFFF  }
0xc6: {  	(tm) =	ssettm $0x7FFFFFFF  }
0xc7: {  	_ =	shalt  }
tec
execute0_lowered:
.L_overlay_start_1:
0x0: {  	(tag) =	ssettag $0x1  }
0x1: {  	s4 =	rddreg [dreg:$0x0]  }
0x2: {  	s1 =	rddreg [dreg:$0x1]  }
0x3: {  	s5 =	rddreg [dreg:$0x2]  }
0x4: {  	s0 =	srdreg.scid;
	s8 =	rddreg [dreg:$0x3]  }
0x5: {  	s14 =	stileid.u32;
	s3 =	rddreg [dreg:$0x4];
	s18 =	simm.s32 $0x0  }
0x6: {  	s28 =	simm.s32 $0x17D30;
	s29 =	simm.s32 $0x81C0;
	s30 =	simm.s32 $0x8300  }
0x7: {  	s31 =	simm.s32 $0x8440;
	s6 =	sand.u32 $0x1, s0;
	s7 =	sshrl.u32 s14, $0x2  }
0x8: {  	s0 =	sand.u32 $0x3, s14;
	s26 =	sshll.u32 s14, $0xC;
	s14 =	smul.u32 $0xD0, s14  }
0x9: {  	[smem:$0x7FF] =	sst s18;
	s2 =	sshll.u32 s6, $0x2;
	s17 =	smul.u32 $0x61C0, s0  }
0xa: {  	s23 =	sshll.u32 s7, $0xE;
	s25 =	smul.u32 $0x340, s7;
	s6 =	ssub.s32 $0x2, s6  }
0xb: {  	s9 =	sor.u32 s7, s2;
	s2 =	rddreg [dreg:$0x5];
	_ =	strace $0x80000047  }
0xc: {  	s24 =	sadd.s32 s23, s5;
	s22 =	sadd.s32 s14, s3;
	[dreg:$0x1e] =	wrdreg s17  }
0xd: {  	s7 =	sshll.u32 s7, $0x4;
	s12 =	sadd.s32 $0x1000, s24;
	[smem:$0x7FB] =	sst s22  }
0xe: {  	s10 =	smul.u32 $0x18700, s9;
	s13 =	sadd.s32 $0x2000, s24;
	[smem:$0x7EC] =	sst s12  }
0xf: {  	s23 =	sadd.s32 s14, s2;
	s14 =	sadd.s32 s25, s3;
	[smem:$0x7ED] =	sst s13  }
0x10: {  	s11 =	smul.u32 $0x1D4C, s9;
	s16 =	sadd.s32 s25, s2;
	[smem:$0x7EF] =	sst s14  }
0x11: {  	s9 =	smul.u32 $0x96, s9;
	s21 =	sadd.s32 s7, s8;
	[smem:$0x7F0] =	sst s16  }
0x12: {  	v0 =	vlaneseq.u32;
	v6 =	vimm.s32 $0x40000000;
	s15 =	sadd.s32 $0xD0, s25;
	s13 =	sshrl.u32 s6, $0x1;
	[smem:$0x7FA] =	sst s21  }
0x13: {  	v26 =	vimm.s32 $0x340;
	vm0 =	vcmask $0x300;
	v27 =	vimm.s32 $0xECA86420;
	[smem:$0x7FC] =	sst s23;
	s10 =	sadd.s32 s17, s10;
	s6 =	ssub.s32 s6, s13  }
0x14: {  	v7 =	vor.u32 $0x80000130, v0;
	v8 =	vor.u32 $0x80000120, v0;
	v9 =	vor.u32 $0x80000110, v0;
	s13 =	sadd.s32 s26, s5;
	s1 =	sadd.s32 s1, s9;
	s10 =	sshrl.u32 s10, $0x3  }
0x15: {  	vm4 =	vcmask $0x1B18;
	v10 =	vor.u32 $0x80000100, v0;
	v11 =	vor.u32 $0x800000F0, v0;
	[smem:$0x7F7] =	sst s1;
	s10 =	sadd.s32 s10, s4;
	s4 =	sadd.s32 s11, s4  }
0x16: {  	v1 =	vimm.s32 $0x0;
	vm5 =	vcmask $0x2B28;
	v12 =	vor.u32 $0x800000E0, v0;
	[smem:$0x7F9] =	sst s13;
	s20 =	sadd.s32 $0x800, s4;
	s4 =	sadd.s32 $0x3000, s24  }
0x17: {  	vm2 =	vcmask $0x3330;
	v13 =	vor.u32 $0x800000D0, v0;
	v14 =	vor.u32 $0x800000C0, v0;
	s24 =	sadd.s32 s15, s3;
	[smem:$0x7EE] =	sst s4  }
0x18: {  	v2 =	vimm.s32 $0x1;
	v15 =	vor.u32 $0x800000B0, v0;
	v16 =	vor.u32 $0x800000A0, v0;
	s19 =	sadd.s32 $0xF400, s10;
	[smem:$0x7F1] =	sst s24  }
0x19: {  	vm7 =	vcmask $0x3734;
	v17 =	vor.u32 $0x80000090, v0;
	v18 =	vor.u32 $0x80000080, v0;
	s12 =	sadd.s32 $0x270, s25;
	[dreg:$0x1f] =	wrdreg s19  }
0x1a: {  	v5 =	vimm.f32 $-1.000000000e+00;
	v19 =	vor.u32 $0x80000070, v0;
	v20 =	vor.u32 $0x80000060, v0;
	s4 =	sadd.s32 $0x1A0, s25;
	s25 =	sadd.s32 s15, s2;
	[smem:$0x7F8] =	sst s20  }
0x1b: {  	v4 =	vor.u32 $0x80000000, v0;
	v21 =	vor.u32 $0x80000050, v0;
	v22 =	vor.u32 $0x80000040, v0;
	[smem:$0x7F2] =	sst s25;
	s26 =	sadd.s32 s4, s3  }
.Ltmp0:
0x1c: {  	v3 =	vmul.u32 $0xFFFFFFFF, v0;
	v23 =	vor.u32 $0x80000030, v0;
	v24 =	vor.u32 $0x80000020, v0;
	s4 =	sadd.s32 s4, s2;
	[smem:$0x7F3] =	sst s26;
	(pc) =	sbr.rel .LBB2_1-.Ltmp0, $4  }
0x1d: {  	v25 =	vor.u32 $0x80000010, v0;
	v26 =	vsel vm0, $0x0, v26;
	vm0 =	vcmask $0x704;
	p0 =	sne.s32 s0, $0x0;
	s3 =	sadd.s32 s12, s3;
	[smem:$0x7F4] =	sst s4  }
0x1e: {  	v29 =	vunpack.c.l.s4.s8 v27;
	v26 =	vsel vm0, $0xD0, v26;
	vm0 =	vcmask $0xB08;
	s7 =	simm.s32 $0x0;
	s2 =	sadd.s32 s12, s2;
	[smem:$0x7F5] =	sst s3  }
0x1f: {  	v3 =	vadd.s32 $0xF, v3;
	v28 =	vsel vm0, $0x1A0, v26;
	vm0 =	vcmask $0xF0C;
	s24 =	simm.s32 $0x2;
	s12 =	smax.u32 s6, $0x1;
	[smem:$0x7F6] =	sst s2  }
0x20: {  	v26 =	vimm.f32 $-2.000000000e+00;
	v29 =	vunpack.c.0.s8.s32 v29;
	v28 =	vsel vm0, $0x270, v28;
	s25 =	simm.s32 $0x61C0;
	s26 =	simm.s32 $0x71C0;
	[smem:$0x7FD] =	sst s12  }
.LBB2_28:
0x21: {  	[spmem:s22] =	stream.linear.scatter [tilespmem:s31], [sflag:$0x2], $0xD0, $0x38;
	[tilespmem:$0x18EE8] =	vst v63  }
0x22: {  	_ =	swait.ge [sflag:s24], $0xD0  }
0x23: {  	[sflag:s24] =	ssyncset.done $0x0  }
0x24: {  	s0 =	simm.s32 $0x8510;
	[sflag:s24] =	ssyncadd.s32 $0xFFFFFF30  }
0x25: {  	[spmem:s23] =	stream.linear.scatter [tilespmem:s0], [sflag:$0x2], $0xD0, $0x38;
	[tilespmem:$0x18EE8] =	vst v63  }
.Ltmp1:
0x26: {  	_ =	swait.ge [sflag:s24], $0xD0;
	(pc) =	sbr.rel @!p0 .LBB2_29-.Ltmp1, $3  }
0x27: {  	[sflag:s24] =	ssyncset.done $0x0  }
0x28: {  	[sflag:s24] =	ssyncadd.s32 $0xFFFFFF30  }
0x29: {  	[bflag:$0x0] =	sbarrier.arrive $0xFFFF;
	_ =	sdelay $0x1  }
.LBB2_36:
0x2a: {  	s7 =	sadd.s32 $0x1, s7  }
0x2b: {  	p1 =	sne.s32 s7, s12  }
.Ltmp2:
0x2c: {  	_ = 	snop;
	(pc) =	sbr.rel @!p1 .LBB2_37-.Ltmp2, $1  }
0x2d: {  	_ =	sdelay $0x3  }
.LBB2_1:
0x2e: {  	[tilespmem:s18], [sflag:$0x2] =	stream.linear.gather [hbm4b:s19+s18], $0x61C0, $0x38;
	[tilespmem:$0x18EE8] =	vst v63  }
0x2f: {  	_ =	swait.ge [sflag:s24], $0x61C0  }
0x30: {  	[sflag:s24] =	ssyncset.done $0x0  }
0x31: {  	s0 =	simm.s32 $0x6200;
	[sflag:s24] =	ssyncadd.s32 $0xFFFF9E40  }
0x32: {  	[tilespmem:s0+$0xFFFFFFC0] =	vst v1  }
0x33: {  	[tilespmem:s0+$0x30] =	vst v1  }
0x34: {  	[tilespmem:s0+$0x20] =	vst v1  }
0x35: {  	[tilespmem:s0+$0x10] =	vst v1  }
0x36: {  	[tilespmem:s0+$0x0] =	vst v1  }
0x37: {  	[tilespmem:s0+$0xFFFFFFF0] =	vst v1  }
0x38: {  	s1 =	simm.s32 $0x0;
	[tilespmem:s0+$0xFFFFFFE0] =	vst v1  }
.LBB2_2:
0x39: {  	s1 =	sadd.s32 $0x80, s1;
	[tilespmem:s0+$0xFFFFFFD0] =	vst v1;
	s0 =	sadd.s32 $0x80, s0  }
0x3a: {  	[tilespmem:s0+$0xFFFFFFC0] =	vst v1;
	p1 =	slt.u32 s1, $0xF80  }
0x3b: {  	[tilespmem:s0+$0x30] =	vst v1  }
.Ltmp3:
0x3c: {  	[tilespmem:s0+$0x20] =	vst v1;
	(pc) =	sbr.rel @p1 .LBB2_2-.Ltmp3, $4  }
0x3d: {  	[tilespmem:s0+$0x10] =	vst v1  }
0x3e: {  	[tilespmem:s0+$0x0] =	vst v1  }
0x3f: {  	[tilespmem:s0+$0xFFFFFFF0] =	vst v1  }
0x40: {  	[tilespmem:s0+$0xFFFFFFE0] =	vst v1  }
0x41: {  	[tilespmem:s0+$0xFFFFFFD0] =	vst v1;
	s0 =	simm.s32 @!p0 $0x0;
	s1 =	simm.s32 @!p0 $0x8E20;
	s16 =	simm.s32 $0x40  }
0x42: {  	[tilespmem:s1], [sflag:$0x1] =	stream.linear.gather @!p0 [hbm4b:s20+s0], $0xEA60, $0x38;
	[tilespmem:$0x18EE8] =	vst v63  }
0x43: {  	v30 =	vld [tilespmem:s16+$0x30]  }
0x44: {  	v31 =	vld [tilespmem:s16+$0xFFFFFFD0]  }
0x45: {  	v32 =	vld [tilespmem:s16+$0xFFFFFFE0]  }
0x46: {  	v33 =	vld [tilespmem:s16+$0xFFFFFFF0]  }
0x47: {  	v34 =	vld [tilespmem:s16+$0x0]  }
0x48: {  	v35 =	vld [tilespmem:s16+$0x10]  }
0x49: {  	v36 =	vld [tilespmem:s16+$0x20];
	v30 =	vmul.f32 $4.096000000e+03, v30  }
0x4a: {  	v37 =	vld [tilespmem:s16+$0xFFFFFFC0];
	v31 =	vmul.f32 $4.096000000e+03, v31  }
0x4b: {  	v32 =	vmul.f32 $4.096000000e+03, v32;
	v30 =	vtrunc.f32 v30  }
0x4c: {  	v38 =	vmul.f32 $4.096000000e+03, v33;
	v30 =	vcvt.f32.s32 v30  }
0x4d: {  	v39 =	vtrunc.f32 v31;
	v31 =	vmul.f32 $4.096000000e+03, v34  }
0x4e: {  	v62 =	vmul.f32 $4.096000000e+03, v35;
	v63 =	vmul.f32 $4.096000000e+03, v36;
	vm0 =	vgt.s32 v30, $0x0  }
0x4f: {  	v37 =	vmul.f32 $4.096000000e+03, v37;
	v36 =	vtrunc.f32 v31;
	v31 =	vnsel vm0, $0x0, v30  }
0x50: {  	v33 =	vtrunc.f32 v32;
	v34 =	vtrunc.f32 v38  }
0x51: {  	v35 =	vtrunc.f32 v62;
	v32 =	vtrunc.f32 v63  }
0x52: {  	s2 =	simm.s32 $0x0;
	s3 =	simm.s32 $0xC0;
	v37 =	vtrunc.f32 v37;
	v30 =	vcvt.f32.s32 v39  }
.LBB2_4:
0x53: {  	v38 =	vld [tilespmem:s3+$0x30];
	v37 =	vcvt.f32.s32 v37;
	v33 =	vcvt.f32.s32 v33  }
0x54: {  	s2 =	sadd.s32 $0x80, s2;
	v34 =	vcvt.f32.s32 v34;
	v36 =	vcvt.f32.s32 v36;
	s0 =	simm.s32 $0x6170;
	s1 =	simm.s32 $0x6180;
	vm0 =	vgt.s32 v30, $0x0;
	[tilespmem:v31+s25+$0x0] =	vst.idx.add.s32.msk $0xffff, v2  }
0x55: {  	v35 =	vcvt.f32.s32 v35;
	v32 =	vcvt.f32.s32 v32;
	p1 =	slt.u32 s2, $0x6100;
	v31 =	vld [tilespmem:s3+$0xFFFFFFD0];
	vm1 =	vgt.s32 v37, $0x0  }
0x56: {  	vm3 =	vgt.s32 v33, $0x0;
	vm10 =	vgt.s32 v34, $0x0;
	vm11 =	vgt.s32 v36, $0x0;
	v39 =	vld [tilespmem:s3+$0xFFFFFFE0]  }
0x57: {  	vm12 =	vgt.s32 v32, $0x0;
	v37 =	vnsel vm1, $0x0, v37;
	vm1 =	vgt.s32 v35, $0x0;
	v40 =	vld [tilespmem:s3+$0xFFFFFFF0]  }
0x58: {  	v30 =	vnsel vm0, $0x0, v30;
	v42 =	vnsel vm3, $0x0, v33;
	v43 =	vnsel vm10, $0x0, v34;
	v41 =	vld [tilespmem:s3+$0x0]  }
0x59: {  	v44 =	vnsel vm1, $0x0, v35;
	v33 =	vmul.f32 $4.096000000e+03, v38;
	v38 =	vnsel vm11, $0x0, v36;
	v34 =	vld [tilespmem:s3+$0x10]  }
0x5a: {  	v45 =	vnsel vm12, $0x0, v32;
	v31 =	vmul.f32 $4.096000000e+03, v31;
	v35 =	vld [tilespmem:s3+$0x20]  }
0x5b: {  	v33 =	vtrunc.f32 v33;
	v32 =	vld [tilespmem:s3+$0xFFFFFFC0];
	v36 =	vmul.f32 $4.096000000e+03, v39  }
0x5c: {  	v39 =	vmul.f32 $4.096000000e+03, v40;
	v40 =	vcvt.f32.s32 v33;
	[tilespmem:v37+s25+$0x0] =	vst.idx.add.s32.msk $0xffff, v2  }
0x5d: {  	v46 =	vtrunc.f32 v31;
	v37 =	vmul.f32 $4.096000000e+03, v41;
	[tilespmem:v30+s25+$0x0] =	vst.idx.add.s32.msk $0xffff, v2  }
.Ltmp4:
0x5e: {  	v33 =	vtrunc.f32 v36;
	v30 =	vmul.f32 $4.096000000e+03, v34;
	vm0 =	vgt.s32 v40, $0x0;
	[tilespmem:v42+s25+$0x0] =	vst.idx.add.s32.msk $0xffff, v2;
	(pc) =	sbr.rel @p1 .LBB2_4-.Ltmp4, $4  }
0x5f: {  	v34 =	vtrunc.f32 v39;
	v39 =	vmul.f32 $4.096000000e+03, v35;
	v31 =	vnsel vm0, $0x0, v40;
	[tilespmem:v43+s25+$0x0] =	vst.idx.add.s32.msk $0xffff, v2  }
0x60: {  	v36 =	vtrunc.f32 v37;
	v40 =	vmul.f32 $4.096000000e+03, v32;
	[tilespmem:v38+s25+$0x0] =	vst.idx.add.s32.msk $0xffff, v2  }
0x61: {  	v35 =	vtrunc.f32 v30;
	v32 =	vtrunc.f32 v39;
	[tilespmem:v44+s25+$0x0] =	vst.idx.add.s32.msk $0xffff, v2  }
0x62: {  	s3 =	sadd.s32 $0x80, s3;
	v30 =	vcvt.f32.s32 v46;
	v37 =	vtrunc.f32 v40;
	[tilespmem:v45+s25+$0x0] =	vst.idx.add.s32.msk $0xffff, v2  }
0x63: {  	v37 =	vcvt.f32.s32 v37  }
0x64: {  	v34 =	vcvt.f32.s32 v34;
	vm1 =	vgt.s32 v30, $0x0  }
0x65: {  	v33 =	vcvt.f32.s32 v33;
	vm0 =	vgt.s32 v37, $0x0;
	v30 =	vnsel vm1, $0x0, v30  }
0x66: {  	v35 =	vcvt.f32.s32 v35;
	vm1 =	vgt.s32 v34, $0x0;
	v37 =	vnsel vm0, $0x0, v37  }
0x67: {  	v36 =	vcvt.f32.s32 v36;
	vm0 =	vgt.s32 v33, $0x0;
	v34 =	vnsel vm1, $0x0, v34  }
0x68: {  	v32 =	vcvt.f32.s32 v32;
	vm1 =	vgt.s32 v35, $0x0;
	v33 =	vnsel vm0, $0x0, v33  }
0x69: {  	[tilespmem:v31+s25+$0x0] =	vst.idx.add.s32.msk $0xffff, v2;
	vm0 =	vgt.s32 v36, $0x0;
	v35 =	vnsel vm1, $0x0, v35  }
0x6a: {  	v31 =	vnsel vm0, $0x0, v36;
	vm0 =	vgt.s32 v32, $0x0;
	[tilespmem:v30+s25+$0x0] =	vst.idx.add.s32.msk $0xffff, v2  }
0x6b: {  	v32 =	vnsel vm0, $0x0, v32;
	[tilespmem:v37+s25+$0x0] =	vst.idx.add.s32.msk $0xffff, v2  }
0x6c: {  	[tilespmem:v34+s25+$0x0] =	vst.idx.add.s32.msk $0xffff, v2  }
0x6d: {  	[tilespmem:v33+s25+$0x0] =	vst.idx.add.s32.msk $0xffff, v2  }
0x6e: {  	[tilespmem:v35+s25+$0x0] =	vst.idx.add.s32.msk $0xffff, v2  }
0x6f: {  	[tilespmem:v31+s25+$0x0] =	vst.idx.add.s32.msk $0xffff, v2  }
0x70: {  	[tilespmem:v32+s25+$0x0] =	vst.idx.add.s32.msk $0xffff, v2  }
.LBB2_6:
0x71: {  	v30 =	vld [tilespmem:s1+$0x0];
	_ =	sdelay $0x4  }
0x72: {  	v30 =	vmul.f32 $4.096000000e+03, v30;
	_ =	sdelay $0x1  }
0x73: {  	v30 =	vtrunc.f32 v30  }
0x74: {  	v30 =	vcvt.f32.s32 v30;
	_ =	sdelay $0x1  }
0x75: {  	s0 =	sadd.s32 $0x10, s0;
	vm0 =	vgt.s32 v30, $0x0  }
0x76: {  	p1 =	slt.u32 s0, $0x61B0;
	v30 =	vnsel vm0, $0x0, v30  }
.Ltmp5:
0x77: {  	_ = 	snop;
	(pc) =	sbr.rel @p1 .LBB2_6-.Ltmp5, $2  }
0x78: {  	_ =	sdelay $0x2  }
0x79: {  	s1 =	sadd.s32 $0x10, s1;
	[tilespmem:v30+s25+$0x0] =	vst.idx.add.s32.msk $0xffff, v2  }
0x7a: {  	[spmem:s13] =	stream.linear.scatter [tilespmem:s25], [sflag:$0x2], $0x1000, $0x38;
	[tilespmem:$0x18EE8] =	vst v63  }
.Ltmp6:
0x7b: {  	_ =	swait.ge [sflag:s24], $0x1000;
	(pc) =	sbr.rel @p0 .LBB2_17-.Ltmp6, $3  }
0x7c: {  	[sflag:s24] =	ssyncset.done $0x0  }
0x7d: {  	[sflag:s24] =	ssyncadd.s32 $0xFFFFF000  }
0x7e: {  	[bflag:$0x0] =	sbarrier.arrive $0xFFFF;
	_ =	sdelay $0x1  }
0x7f: {  	s0 =	sld [smem:$0x7EC];
	_ =	sdelay $0x2  }
0x80: {  	[tilespmem:s26], [sflag:$0x2] =	stream.linear.gather [spmem:s0], $0x1000, $0x38;
	[tilespmem:$0x18EE8] =	vst v63  }
0x81: {  	_ =	swait.ge [sflag:s24], $0x1000  }
0x82: {  	[sflag:s24] =	ssyncset.done $0x0  }
0x83: {  	s0 =	simm.s32 $0x6200;
	[sflag:s24] =	ssyncadd.s32 $0xFFFFF000  }
0x84: {  	s1 =	simm.s32 $0x7200;
	v31 =	vld [tilespmem:s0+$0x30]  }
0x85: {  	v32 =	vld [tilespmem:s1+$0x30]  }
0x86: {  	v30 =	vld [tilespmem:s1+$0xFFFFFFC0]  }
0x87: {  	v33 =	vld [tilespmem:s0+$0xFFFFFFD0]  }
0x88: {  	v34 =	vld [tilespmem:s1+$0xFFFFFFD0]  }
0x89: {  	v35 =	vld [tilespmem:s0+$0xFFFFFFE0]  }
0x8a: {  	v36 =	vld [tilespmem:s1+$0xFFFFFFE0]  }
0x8b: {  	v37 =	vld [tilespmem:s0+$0xFFFFFFF0]  }
0x8c: {  	v38 =	vld [tilespmem:s1+$0xFFFFFFF0]  }
0x8d: {  	v39 =	vld [tilespmem:s0+$0x0]  }
0x8e: {  	v40 =	vld [tilespmem:s1+$0x0]  }
0x8f: {  	v32 =	vadd.s32 v31, v32;
	v31 =	vld [tilespmem:s0+$0x10]  }
0x90: {  	v61 =	vadd.s32 v33, v34;
	v33 =	vld [tilespmem:s1+$0x10];
	[tilespmem:s0+$0x30] =	vst v32  }
0x91: {  	v62 =	vadd.s32 v35, v36;
	v34 =	vld [tilespmem:s1+$0x20];
	[tilespmem:s0+$0xFFFFFFD0] =	vst v61  }
0x92: {  	v63 =	vadd.s32 v37, v38;
	v32 =	vld [tilespmem:s0+$0x20];
	[tilespmem:s0+$0xFFFFFFE0] =	vst v62  }
0x93: {  	s2 =	simm.s32 $0x0;
	s3 =	simm.s32 $0x6280;
	v35 =	vld [tilespmem:s0+$0xFFFFFFC0];
	v36 =	vadd.s32 v39, v40;
	[tilespmem:s0+$0xFFFFFFF0] =	vst v63  }
.LBB2_9:
0x94: {  	v37 =	vld [tilespmem:s3+$0x30];
	[tilespmem:s0+$0x0] =	vst v36;
	s1 =	sadd.s32 $0x80, s1  }
0x95: {  	s2 =	sadd.s32 $0x80, s2;
	v36 =	vld [tilespmem:s1+$0x30];
	v31 =	vadd.s32 v31, v33  }
0x96: {  	p1 =	slt.u32 s2, $0xF80;
	v33 =	vld [tilespmem:s1+$0xFFFFFFC0];
	[tilespmem:s0+$0x10] =	vst v31  }
0x97: {  	v31 =	vld [tilespmem:s3+$0xFFFFFFD0];
	v32 =	vadd.s32 v32, v34  }
0x98: {  	v34 =	vld [tilespmem:s1+$0xFFFFFFD0];
	v30 =	vadd.s32 v35, v30;
	[tilespmem:s0+$0x20] =	vst v32  }
0x99: {  	v32 =	vld [tilespmem:s3+$0xFFFFFFE0];
	[tilespmem:s0+$0xFFFFFFC0] =	vst v30;
	s0 =	smov.u32 s3  }
0x9a: {  	v35 =	vld [tilespmem:s1+$0xFFFFFFE0];
	v27 =	vadd.s32 v37, v36  }
0x9b: {  	v36 =	vld [tilespmem:s3+$0xFFFFFFF0];
	[tilespmem:s3+$0x30] =	vst v27;
	v30 =	vmov v33  }
0x9c: {  	v37 =	vld [tilespmem:s1+$0xFFFFFFF0]  }
0x9d: {  	v31 =	vadd.s32 v31, v34;
	v38 =	vld [tilespmem:s3+$0x0]  }
0x9e: {  	[tilespmem:s3+$0xFFFFFFD0] =	vst v31;
	v39 =	vld [tilespmem:s1+$0x0]  }
.Ltmp7:
0x9f: {  	v32 =	vadd.s32 v32, v35;
	v31 =	vld [tilespmem:s3+$0x10];
	(pc) =	sbr.rel @p1 .LBB2_9-.Ltmp7, $4  }
0xa0: {  	[tilespmem:s3+$0xFFFFFFE0] =	vst v32;
	v33 =	vld [tilespmem:s1+$0x10]  }
0xa1: {  	v34 =	vadd.s32 v36, v37;
	v32 =	vld [tilespmem:s3+$0x20]  }
0xa2: {  	[tilespmem:s3+$0xFFFFFFF0] =	vst v34;
	v34 =	vld [tilespmem:s1+$0x20]  }
0xa3: {  	s3 =	sadd.s32 $0x80, s3;
	v35 =	vld [tilespmem:s0+$0xFFFFFFC0];
	v36 =	vadd.s32 v38, v39  }
0xa4: {  	_ =	sdelay $0x1  }
0xa5: {  	[tilespmem:s0+$0x0] =	vst v36;
	v31 =	vadd.s32 v31, v33  }
0xa6: {  	[tilespmem:s0+$0x10] =	vst v31;
	v31 =	vadd.s32 v32, v34  }
0xa7: {  	v30 =	vadd.s32 v35, v30;
	[tilespmem:s0+$0x20] =	vst v31  }
0xa8: {  	[tilespmem:s0+$0xFFFFFFC0] =	vst v30  }
0xa9: {  	s0 =	sld [smem:$0x7ED];
	_ =	sdelay $0x2  }
0xaa: {  	[tilespmem:s26], [sflag:$0x2] =	stream.linear.gather [spmem:s0], $0x1000, $0x38;
	[tilespmem:$0x18EE8] =	vst v63  }
0xab: {  	_ =	swait.ge [sflag:s24], $0x1000  }
0xac: {  	[sflag:s24] =	ssyncset.done $0x0  }
0xad: {  	s0 =	simm.s32 $0x6200;
	[sflag:s24] =	ssyncadd.s32 $0xFFFFF000  }
0xae: {  	s1 =	simm.s32 $0x7200;
	v31 =	vld [tilespmem:s0+$0x30]  }
0xaf: {  	v56 =	vld [tilespmem:s1+$0x30]  }
0xb0: {  	v30 =	vld [tilespmem:s1+$0xFFFFFFC0]  }
0xb1: {  	v57 =	vld [tilespmem:s0+$0xFFFFFFD0]  }
0xb2: {  	v58 =	vld [tilespmem:s1+$0xFFFFFFD0]  }
0xb3: {  	v59 =	vld [tilespmem:s0+$0xFFFFFFE0]  }
0xb4: {  	v60 =	vld [tilespmem:s1+$0xFFFFFFE0]  }
0xb5: {  	v37 =	vld [tilespmem:s0+$0xFFFFFFF0]  }
0xb6: {  	v38 =	vld [tilespmem:s1+$0xFFFFFFF0]  }
0xb7: {  	v39 =	vld [tilespmem:s0+$0x0]  }
0xb8: {  	v40 =	vld [tilespmem:s1+$0x0]  }
0xb9: {  	v33 =	vld [tilespmem:s1+$0x10];
	v32 =	vadd.s32 v31, v56  }
0xba: {  	v31 =	vld [tilespmem:s0+$0x10];
	v61 =	vadd.s32 v57, v58;
	[tilespmem:s0+$0x30] =	vst v32  }
0xbb: {  	v34 =	vld [tilespmem:s1+$0x20];
	v62 =	vadd.s32 v59, v60;
	[tilespmem:s0+$0xFFFFFFD0] =	vst v61  }
0xbc: {  	v63 =	vadd.s32 v37, v38;
	v32 =	vld [tilespmem:s0+$0x20];
	[tilespmem:s0+$0xFFFFFFE0] =	vst v62  }
0xbd: {  	s2 =	simm.s32 $0x0;
	s3 =	simm.s32 $0x6280;
	v35 =	vld [tilespmem:s0+$0xFFFFFFC0];
	v36 =	vadd.s32 v39, v40;
	[tilespmem:s0+$0xFFFFFFF0] =	vst v63  }
.LBB2_11:
0xbe: {  	v37 =	vld [tilespmem:s3+$0x30];
	[tilespmem:s0+$0x0] =	vst v36;
	s1 =	sadd.s32 $0x80, s1  }
0xbf: {  	s2 =	sadd.s32 $0x80, s2;
	v36 =	vld [tilespmem:s1+$0x30];
	v31 =	vadd.s32 v31, v33  }
0xc0: {  	p1 =	slt.u32 s2, $0xF80;
	v33 =	vld [tilespmem:s1+$0xFFFFFFC0];
	[tilespmem:s0+$0x10] =	vst v31  }
0xc1: {  	v31 =	vld [tilespmem:s3+$0xFFFFFFD0];
	v32 =	vadd.s32 v32, v34  }
0xc2: {  	v34 =	vld [tilespmem:s1+$0xFFFFFFD0];
	v30 =	vadd.s32 v35, v30;
	[tilespmem:s0+$0x20] =	vst v32  }
0xc3: {  	v32 =	vld [tilespmem:s3+$0xFFFFFFE0];
	[tilespmem:s0+$0xFFFFFFC0] =	vst v30;
	s0 =	smov.u32 s3  }
0xc4: {  	v35 =	vld [tilespmem:s1+$0xFFFFFFE0];
	v27 =	vadd.s32 v37, v36  }
0xc5: {  	v36 =	vld [tilespmem:s3+$0xFFFFFFF0];
	[tilespmem:s3+$0x30] =	vst v27;
	v30 =	vmov v33  }
0xc6: {  	v37 =	vld [tilespmem:s1+$0xFFFFFFF0]  }
0xc7: {  	v31 =	vadd.s32 v31, v34;
	v38 =	vld [tilespmem:s3+$0x0]  }
0xc8: {  	[tilespmem:s3+$0xFFFFFFD0] =	vst v31;
	v39 =	vld [tilespmem:s1+$0x0]  }
.Ltmp8:
0xc9: {  	v32 =	vadd.s32 v32, v35;
	v31 =	vld [tilespmem:s3+$0x10];
	(pc) =	sbr.rel @p1 .LBB2_11-.Ltmp8, $4  }
0xca: {  	[tilespmem:s3+$0xFFFFFFE0] =	vst v32;
	v33 =	vld [tilespmem:s1+$0x10]  }
0xcb: {  	v34 =	vadd.s32 v36, v37;
	v32 =	vld [tilespmem:s3+$0x20]  }
0xcc: {  	[tilespmem:s3+$0xFFFFFFF0] =	vst v34;
	v34 =	vld [tilespmem:s1+$0x20]  }
0xcd: {  	s3 =	sadd.s32 $0x80, s3;
	v35 =	vld [tilespmem:s0+$0xFFFFFFC0];
	v36 =	vadd.s32 v38, v39  }
0xce: {  	_ =	sdelay $0x1  }
0xcf: {  	[tilespmem:s0+$0x0] =	vst v36;
	v31 =	vadd.s32 v31, v33  }
0xd0: {  	[tilespmem:s0+$0x10] =	vst v31;
	v31 =	vadd.s32 v32, v34  }
0xd1: {  	v30 =	vadd.s32 v35, v30;
	[tilespmem:s0+$0x20] =	vst v31  }
0xd2: {  	[tilespmem:s0+$0xFFFFFFC0] =	vst v30  }
0xd3: {  	s0 =	sld [smem:$0x7EE];
	_ =	sdelay $0x2  }
0xd4: {  	[tilespmem:s26], [sflag:$0x2] =	stream.linear.gather [spmem:s0], $0x1000, $0x38;
	[tilespmem:$0x18EE8] =	vst v63  }
0xd5: {  	_ =	swait.ge [sflag:s24], $0x1000  }
0xd6: {  	[sflag:s24] =	ssyncset.done $0x0  }
0xd7: {  	s0 =	simm.s32 $0x6200;
	[sflag:s24] =	ssyncadd.s32 $0xFFFFF000  }
0xd8: {  	s1 =	simm.s32 $0x7200;
	v31 =	vld [tilespmem:s0+$0x30]  }
0xd9: {  	v56 =	vld [tilespmem:s1+$0x30]  }
0xda: {  	v30 =	vld [tilespmem:s1+$0xFFFFFFC0]  }
0xdb: {  	v57 =	vld [tilespmem:s0+$0xFFFFFFD0]  }
0xdc: {  	v58 =	vld [tilespmem:s1+$0xFFFFFFD0]  }
0xdd: {  	v59 =	vld [tilespmem:s0+$0xFFFFFFE0]  }
0xde: {  	v60 =	vld [tilespmem:s1+$0xFFFFFFE0]  }
0xdf: {  	v37 =	vld [tilespmem:s0+$0xFFFFFFF0]  }
0xe0: {  	v38 =	vld [tilespmem:s1+$0xFFFFFFF0]  }
0xe1: {  	v39 =	vld [tilespmem:s0+$0x0]  }
0xe2: {  	v40 =	vld [tilespmem:s1+$0x0]  }
0xe3: {  	v33 =	vld [tilespmem:s1+$0x10];
	v32 =	vadd.s32 v31, v56  }
0xe4: {  	v31 =	vld [tilespmem:s0+$0x10];
	v61 =	vadd.s32 v57, v58;
	[tilespmem:s0+$0x30] =	vst v32  }
0xe5: {  	v34 =	vld [tilespmem:s1+$0x20];
	v62 =	vadd.s32 v59, v60;
	[tilespmem:s0+$0xFFFFFFD0] =	vst v61  }
0xe6: {  	s14 =	smov.u32 s7;
	s4 =	simm.s32 $0x0;
	v63 =	vadd.s32 v37, v38;
	v32 =	vld [tilespmem:s0+$0x20];
	[tilespmem:s0+$0xFFFFFFE0] =	vst v62  }
0xe7: {  	s2 =	simm.s32 $0x71B0;
	p1 =	por $0x0, $0x0;
	s5 =	simm.s32 $0x6280;
	v35 =	vld [tilespmem:s0+$0xFFFFFFC0];
	v36 =	vadd.s32 v39, v40;
	[tilespmem:s0+$0xFFFFFFF0] =	vst v63  }
.LBB2_13:
0xe8: {  	v37 =	vld [tilespmem:s5+$0x30];
	[tilespmem:s0+$0x0] =	vst v36;
	s1 =	sadd.s32 $0x80, s1  }
0xe9: {  	s4 =	sadd.s32 $0x80, s4;
	v36 =	vld [tilespmem:s1+$0x30];
	v31 =	vadd.s32 v31, v33  }
0xea: {  	p2 =	slt.u32 s4, $0xF80;
	v33 =	vld [tilespmem:s1+$0xFFFFFFC0];
	[tilespmem:s0+$0x10] =	vst v31  }
0xeb: {  	v31 =	vld [tilespmem:s5+$0xFFFFFFD0];
	v32 =	vadd.s32 v32, v34  }
0xec: {  	v34 =	vld [tilespmem:s1+$0xFFFFFFD0];
	v30 =	vadd.s32 v35, v30;
	[tilespmem:s0+$0x20] =	vst v32  }
0xed: {  	v32 =	vld [tilespmem:s5+$0xFFFFFFE0];
	[tilespmem:s0+$0xFFFFFFC0] =	vst v30;
	s0 =	smov.u32 s5  }
0xee: {  	v35 =	vld [tilespmem:s1+$0xFFFFFFE0];
	v27 =	vadd.s32 v37, v36  }
0xef: {  	s3 =	simm.s32 $0x0;
	v36 =	vld [tilespmem:s5+$0xFFFFFFF0];
	[tilespmem:s5+$0x30] =	vst v27;
	v30 =	vmov v33  }
0xf0: {  	v37 =	vld [tilespmem:s1+$0xFFFFFFF0]  }
0xf1: {  	v31 =	vadd.s32 v31, v34;
	v38 =	vld [tilespmem:s5+$0x0]  }
0xf2: {  	[tilespmem:s5+$0xFFFFFFD0] =	vst v31;
	v39 =	vld [tilespmem:s1+$0x0]  }
.Ltmp9:
0xf3: {  	v32 =	vadd.s32 v32, v35;
	v31 =	vld [tilespmem:s5+$0x10];
	(pc) =	sbr.rel @p2 .LBB2_13-.Ltmp9, $4  }
0xf4: {  	[tilespmem:s5+$0xFFFFFFE0] =	vst v32;
	v33 =	vld [tilespmem:s1+$0x10]  }
0xf5: {  	v34 =	vadd.s32 v36, v37;
	v32 =	vld [tilespmem:s5+$0x20]  }
0xf6: {  	[tilespmem:s5+$0xFFFFFFF0] =	vst v34;
	v34 =	vld [tilespmem:s1+$0x20]  }
0xf7: {  	s5 =	sadd.s32 $0x80, s5;
	v35 =	vld [tilespmem:s0+$0xFFFFFFC0];
	v36 =	vadd.s32 v38, v39  }
0xf8: {  	_ =	sdelay $0x1  }
0xf9: {  	[tilespmem:s0+$0x0] =	vst v36;
	v31 =	vadd.s32 v31, v33  }
0xfa: {  	[tilespmem:s0+$0x10] =	vst v31;
	v31 =	vadd.s32 v32, v34  }
0xfb: {  	v30 =	vadd.s32 v35, v30;
	[tilespmem:s0+$0x20] =	vst v31  }
0xfc: {  	[tilespmem:s0+$0xFFFFFFC0] =	vst v30  }
0xfd: {  	v30 =	vld [tilespmem:s2+$0x0];
	_ =	sdelay $0x3  }
0xfe: {  	s7 =	simm.s32 $0x71A0  }
0xff: {  	v31 =	vld [tilespmem:s7+$0x0];
	(xrf0) =	vadd.scan.msk.s32 $0xffff, v30;
	_ =	sdelay $0x1  }
0x100: {  	v30 =	vperm.xlane v30, v3;
	_ =	sdelay $0x1  }
0x101: {  	(xrf0) =	vadd.scan.msk.s32 $0xffff, v30  }
0x102: {  	(xrf0) =	vadd.scan.msk.s32 $0xffff, v31  }
0x103: {  	v30, _, _ =	vpop (xrf0)  }
0x104: {  	(v2sf) =	vpush v30, $0xF;
	_ =	sdelay $0x1  }
0x105: {  	s8 =	simm.s32 $0x7190  }
0x106: {  	v30 =	vld [tilespmem:s8+$0x0];
	v53, _, _ =	vpop (xrf0)  }
0x107: {  	v31 =	vperm.xlane v31, v3;
	v54, _, _ =	vpop (xrf0)  }
0x108: {  	v32 =	vperm.xlane v53, v3;
	(v2sf) =	vpush v54, $0xF  }
0x109: {  	s9 =	simm.s32 $0x7180;
	(xrf0) =	vadd.scan.msk.s32 $0xffff, v31  }
0x10a: {  	v55 =	vld [tilespmem:s9+$0x0];
	v31 =	vadd.s32 s3, v32  }
0x10b: {  	(xrf0) =	vadd.scan.msk.s32 $0xffff, v30;
	vm0 =	vgt.s32 v31, $0xC7;
	v30 =	vperm.xlane v30, v3  }
0x10c: {  	v31 =	vnsel vm0, $0x7FFFFFFF, v4  }
0x10d: {  	(xrf0) =	vmax.scan.msk.u32 $0xffff, v31  }
0x10e: {  	(xrf0) =	vadd.scan.msk.s32 $0xffff, v30  }
0x10f: {  	v30, _, _ =	vpop (xrf0);
	(xrf0) =	vadd.scan.msk.s32 $0xffff, v55;
	_ =	sdelay $0x2  }
0x110: {  	v30 =	vperm.xlane v30, v3;
	v31, _, _ =	vpop (xrf0);
	s10 =	spop (v2sf)  }
0x111: {  	(v2sf) =	vpush v31, $0xF;
	v31, _, _ =	vpop (xrf0);
	s0 =	sadd.s32 $0x0, s10  }
0x112: {  	v56, _, _ =	vpop (xrf0);
	v30 =	vadd.s32 s0, v30  }
0x113: {  	s1 =	simm.s32 $0x7170;
	(v2sf) =	vpush v31, $0xF;
	v31, _, _ =	vpop (xrf0);
	vm0 =	vgt.s32 v30, $0xC7  }
0x114: {  	v32 =	vperm.xlane v55, v3;
	(v2sf) =	vpush v31, $0xF;
	v31 =	vld [tilespmem:s1+$0x0];
	v30 =	vnsel vm0, $0x7FFFFFFF, v4  }
0x115: {  	s11 =	spop (v2sf);
	(xrf0) =	vmax.scan.msk.u32 $0xffff, v30;
	v30 =	vperm.xlane v56, v3  }
0x116: {  	s15 =	simm.s32 $0x7160;
	s0 =	sadd.s32 s0, s11;
	(xrf0) =	vadd.scan.msk.s32 $0xffff, v32  }
0x117: {  	v57 =	vld [tilespmem:s15+$0x0];
	v30 =	vadd.s32 s0, v30  }
0x118: {  	vm0 =	vgt.s32 v30, $0xC7  }
0x119: {  	(xrf0) =	vadd.scan.msk.s32 $0xffff, v31;
	v31 =	vperm.xlane v31, v3;
	v30 =	vnsel vm0, $0x7FFFFFFF, v4  }
0x11a: {  	(xrf0) =	vmax.scan.msk.u32 $0xffff, v30  }
0x11b: {  	v58, _, _ =	vpop (xrf0);
	(xrf0) =	vadd.scan.msk.s32 $0xffff, v31  }
0x11c: {  	v30, _, _ =	vpop (xrf0);
	(xrf0) =	vadd.scan.msk.s32 $0xffff, v57;
	(v2sf) =	vpush v58, $0xF;
	_ =	sdelay $0x2  }
0x11d: {  	v31, _, _ =	vpop (xrf0)  }
0x11e: {  	s16 =	spop (v2sf);
	v30 =	vperm.xlane v30, v3;
	v60, _, _ =	vpop (xrf0)  }
0x11f: {  	s4 =	sadd.s32 s0, s16;
	(v2sf) =	vpush v31, $0xF;
	v62, _, _ =	vpop (xrf0)  }
0x120: {  	v59 =	vadd.s32 s4, v30;
	(v2sf) =	vpush v60, $0xF;
	v63, _, _ =	vpop (xrf0)  }
0x121: {  	s8 =	spop (v2sf);
	vm0 =	vgt.s32 v59, $0xC7;
	(v2sf) =	vpush v63, $0xF  }
0x122: {  	s7 =	simm.s32 $0x7150;
	v61 =	vnsel vm0, $0x7FFFFFFF, v4  }
0x123: {  	v30 =	vld [tilespmem:s7+$0x0];
	(xrf0) =	vmax.scan.msk.u32 $0xffff, v61  }
0x124: {  	s6 =	simm.s32 $0x80000FE0;
	s5 =	simm.s32 $0x80000FD0  }
0x125: {  	s2 =	simm.s32 $0x80000FC0;
	s1 =	simm.s32 $0x80000FA0;
	v32 =	vperm.xlane v57, v3  }
0x126: {  	s0 =	simm.s32 $0x80000FB0;
	s9 =	sadd.s32 $0x80000FF0, s8;
	s10 =	spop (v2sf);
	v31 =	vperm.xlane v62, v3  }
0x127: {  	p2 =	slt.s32 s8, $0x0;
	s9 =	smov.u32 @p1 s3;
	s8 =	sadd.s32 s4, s10;
	(xrf0) =	vadd.scan.msk.s32 $0xffff, v32  }
0x128: {  	s4 =	simm.s32 $0x80000F90;
	s3 =	smov.u32 @p2 s9;
	s9 =	simm.s32 $0x80000F80;
	(xrf0) =	vadd.scan.msk.s32 $0xffff, v30;
	v31 =	vadd.s32 s8, v31  }
.LBB2_15:
0x129: {  	p3 =	sne.s32 s9, $0x80000000;
	vm0 =	vgt.s32 v31, $0xC7;
	v31, _, _ =	vpop (xrf0);
	s10 =	spop (v2sf)  }
0x12a: {  	s7 =	sadd.s32 $0xFFFFFFF0, s7;
	p1 =	por p1, p2;
	v32 =	vnsel vm0, $0x7FFFFFFF, v4;
	(v2sf) =	vpush v31, $0xF;
	s11 =	sadd.s32 s6, s10  }
0x12b: {  	p2 =	slt.s32 s10, $0x0;
	s6 =	smov.u32 s5;
	v33 =	vld [tilespmem:s7+$0x0];
	(xrf0) =	vmax.scan.msk.u32 $0xffff, v32;
	s11 =	smov.u32 @p1 s3  }
.Ltmp10:
0x12c: {  	s5 =	smov.u32 s2;
	s3 =	smov.u32 @p2 s11;
	(pc) =	sbr.rel @p3 .LBB2_15-.Ltmp10, $4  }
0x12d: {  	v27 =	vperm.xlane v30, v3;
	s2 =	smov.u32 s0;
	s0 =	smov.u32 s1;
	s1 =	smov.u32 s4;
	v31, _, _ =	vpop (xrf0)  }
0x12e: {  	s4 =	smov.u32 s9;
	v32, _, _ =	vpop (xrf0);
	v31 =	vperm.xlane v31, v3;
	s10 =	spop (v2sf)  }
0x12f: {  	(xrf0) =	vadd.scan.msk.s32 $0xffff, v27;
	(v2sf) =	vpush v32, $0xF;
	s8 =	sadd.s32 s8, s10  }
0x130: {  	s9 =	sadd.s32 $0xFFFFFFF0, s9;
	(xrf0) =	vadd.scan.msk.s32 $0xffff, v33;
	v31 =	vadd.s32 s8, v31;
	v30 =	vmov v33  }
0x131: {  	_ =	sdelay $0x2  }
0x132: {  	vm0 =	vgt.s32 v31, $0xC7  }
0x133: {  	v30 =	vperm.xlane v30, v3;
	v31 =	vnsel vm0, $0x7FFFFFFF, v4  }
0x134: {  	(xrf0) =	vmax.scan.msk.u32 $0xffff, v31  }
0x135: {  	(xrf0) =	vadd.scan.msk.s32 $0xffff, v30;
	_ =	sdelay $0x1  }
0x136: {  	v30, _, _ =	vpop (xrf0)  }
0x137: {  	v31, _, _ =	vpop (xrf0)  }
0x138: {  	s7 =	spop (v2sf);
	v32, _, _ =	vpop (xrf0)  }
0x139: {  	s9 =	spop (v2sf);
	v31 =	vperm.xlane v31, v3;
	v33, _, _ =	vpop (xrf0)  }
0x13a: {  	s8 =	sadd.s32 s8, s9;
	s16 =	spop (v2sf);
	v34, _, _ =	vpop (xrf0)  }
0x13b: {  	v31 =	vadd.s32 s8, v31;
	v34 =	vperm.xlane v34, v3;
	s10 =	spop (v2sf)  }
0x13c: {  	vm0 =	vgt.s32 v31, $0xC7;
	s8 =	sadd.s32 s8, s10  }
0x13d: {  	v63 =	vnsel vm0, $0x7FFFFFFF, v4;
	v31 =	vadd.s32 s8, v34  }
0x13e: {  	(xrf0) =	vmax.scan.msk.u32 $0xffff, v63;
	vm0 =	vgt.s32 v31, $0xC7  }
0x13f: {  	v31 =	vnsel vm0, $0x7FFFFFFF, v4  }
0x140: {  	(xrf0) =	vmax.scan.msk.u32 $0xffff, v31  }
0x141: {  	(v2sf) =	vpush v30, $0xF  }
0x142: {  	(v2sf) =	vpush v32, $0xF  }
0x143: {  	(v2sf) =	vpush v33, $0xF  }
0x144: {  	v30, _, _ =	vpop (xrf0)  }
0x145: {  	(v2sf) =	vpush v30, $0xF  }
0x146: {  	v30, _, _ =	vpop (xrf0)  }
0x147: {  	(v2sf) =	vpush v30, $0xF;
	_ =	sdelay $0x5  }
0x148: {  	p1 =	por p1, p2;
	s6 =	sadd.s32 s6, s7;
	p2 =	slt.s32 s7, $0x0  }
0x149: {  	s6 =	smov.u32 @p1 s3;
	p1 =	por p1, p2  }
0x14a: {  	s3 =	smov.u32 @p2 s6;
	s5 =	sadd.s32 s5, s16;
	p2 =	slt.s32 s16, $0x0  }
0x14b: {  	s5 =	smov.u32 @p1 s3;
	p1 =	por p1, p2;
	s10 =	spop (v2sf)  }
0x14c: {  	s3 =	smov.u32 @p2 s5;
	s2 =	sadd.s32 s2, s10;
	s11 =	spop (v2sf)  }
0x14d: {  	p2 =	slt.s32 s10, $0x0;
	s2 =	smov.u32 @p1 s3;
	s5 =	spop (v2sf)  }
0x14e: {  	p1 =	por p1, p2;
	s3 =	smov.u32 @p2 s2;
	s0 =	sadd.s32 s0, s5  }
0x14f: {  	p2 =	slt.s32 s5, $0x0;
	s0 =	smov.u32 @p1 s3;
	s15 =	spop (v2sf)  }
0x150: {  	p1 =	por p1, p2;
	s3 =	smov.u32 @p2 s0;
	s0 =	sadd.s32 s1, s15  }
0x151: {  	p2 =	slt.s32 s15, $0x0;
	s0 =	smov.u32 @p1 s3;
	s16 =	spop (v2sf)  }
0x152: {  	p1 =	por p1, p2;
	s3 =	smov.u32 @p2 s0;
	s0 =	sadd.s32 s4, s16  }
0x153: {  	p2 =	slt.s32 s16, $0x0;
	s0 =	smov.u32 @p1 s3  }
0x154: {  	s3 =	smov.u32 @p2 s0  }
0x155: {  	s0 =	scvt.s32.f32 s3;
	_ =	sdelay $0x1  }
0x156: {  	s0 =	smul.f32 $2.441406250e-04, s0;
	_ =	sdelay $0x1  }
0x157: {  	v30 =	vmov s0  }
0x158: {  	v30 =	vadd.f32 $0.0e+00, v30;
	_ =	sdelay $0x1  }
0x159: {  	v30 =	vbroadcast v30, $0x0;
	_ =	sdelay $0x1  }
0x15a: {  	[tilespmem:$0x17D30] =	vst v30  }
0x15b: {  	[spmem:s21] =	stream.linear.scatter [tilespmem:s28], [sflag:$0x2], $0x10, $0x38;
	[tilespmem:$0x18EE8] =	vst v63  }
0x15c: {  	_ =	swait.ge [sflag:s24], $0x10  }
0x15d: {  	[sflag:s24] =	ssyncset.done $0x0  }
0x15e: {  	s7 =	smov.u32 s14;
	[sflag:s24] =	ssyncadd.s32 $0xFFFFFFF0  }
.LBB2_17:
0x15f: {  	[bflag:$0x0] =	sbarrier.arrive $0xFFFF  }
0x160: {  	[tilespmem:s28], [sflag:$0x2] =	stream.linear.gather [spmem:s21], $0x10, $0x38;
	[tilespmem:$0x18EE8] =	vst v63  }
0x161: {  	_ =	swait.ge [sflag:s24], $0x10  }
0x162: {  	[sflag:s24] =	ssyncset.done $0x0  }
0x163: {  	s0 =	simm.s32 $0x81E0;
	[sflag:s24] =	ssyncadd.s32 $0xFFFFFFF0  }
0x164: {  	v30 =	vld [tilespmem:$0x17D30];
	[tilespmem:s0+$0xFFFFFFF0] =	vst v5  }
0x165: {  	[tilespmem:s0+$0xFFFFFFE0] =	vst v5  }
0x166: {  	[tilespmem:s0+$0x0] =	vst v5  }
0x167: {  	s1 =	simm.s32 $0x8320;
	[tilespmem:s0+$0x10] =	vst v5  }
0x168: {  	[tilespmem:s1+$0xFFFFFFE0] =	vst v6  }
0x169: {  	[tilespmem:s1+$0x10] =	vst v6  }
0x16a: {  	s3 =	simm.s32 $0x0;
	s2 =	simm.s32 $0x20;
	[tilespmem:s1+$0x0] =	vst v6  }
.LBB2_18:
0x16b: {  	s3 =	sadd.s32 $0x40, s3;
	[tilespmem:s1+$0xFFFFFFF0] =	vst v6;
	s0 =	sadd.s32 $0x40, s0;
	s1 =	sadd.s32 $0x40, s1  }
0x16c: {  	[tilespmem:s0+$0xFFFFFFF0] =	vst v5;
	p1 =	slt.u32 s3, $0x100  }
0x16d: {  	[tilespmem:s0+$0xFFFFFFE0] =	vst v5  }
.Ltmp11:
0x16e: {  	[tilespmem:s1+$0xFFFFFFE0] =	vst v6;
	(pc) =	sbr.rel @p1 .LBB2_18-.Ltmp11, $4  }
0x16f: {  	[tilespmem:s0+$0x0] =	vst v5  }
0x170: {  	[tilespmem:s0+$0x10] =	vst v5  }
0x171: {  	[tilespmem:s1+$0x10] =	vst v6  }
0x172: {  	[tilespmem:s1+$0x0] =	vst v6  }
0x173: {  	[tilespmem:s1+$0xFFFFFFF0] =	vst v6  }
0x174: {  	v36 =	vld [tilespmem:s2+$0xFFFFFFE0]  }
0x175: {  	v37 =	vld [tilespmem:s2+$0xFFFFFFF0];
	_ =	sdelay $0x2  }
0x176: {  	v41 =	vld [tilespmem:s2+$0x0]  }
0x177: {  	v31 =	vld [tilespmem:s2+$0x10];
	vm0 =	vge.f32 v36, v30  }
0x178: {  	vm1 =	vge.f32 v37, v30;
	v32 =	vsel vm0, $0x1, v1  }
0x179: {  	s11 =	sadd.s32 $0xFFFFFFC0, s17;
	v33 =	vsel vm1, $0x1, v1;
	(xrf0) =	vadd.scan.msk.s32 $0xffff, v32  }
0x17a: {  	s14 =	sadd.s32 $0x40, s11;
	(xrf0) =	vadd.scan.msk.s32 $0xffff, v33  }
0x17b: {  	v34 =	vimm.s32 $0x0;
	v47 =	vor.u32 s14, v0;
	vm11 =	vge.f32 v41, v30  }
0x17c: {  	s0 =	simm.s32 $0x60;
	vm10 =	vge.f32 v31, v30;
	v55 =	vmpcnt.ones.xlane vm0;
	v56 =	vsel vm11, $0x1, v1  }
0x17d: {  	v35 =	vmpcnt.ones.xlane vm1;
	v57 =	vmpcnt.ones.xlane vm11;
	v58 =	vsel vm10, $0x1, v1;
	v32 =	vld [tilespmem:s0+$0xFFFFFFF0]  }
0x17e: {  	v59 =	vmpcnt.ones.xlane vm10;
	vm3 =	vmmov vm0;
	v38 =	vadd.s32 v34, v55;
	(xrf0) =	vadd.scan.msk.s32 $0xffff, v56  }
0x17f: {  	vm10 =	vmmov vm10;
	vm13 =	vmmov vm1;
	v33 =	vld [tilespmem:s0+$0xFFFFFFE0];
	v39 =	vadd.s32 v38, v35;
	v60, _, _ =	vpop (xrf0)  }
0x180: {  	vm1 =	vmmov vm11;
	v35 =	vld [tilespmem:s0+$0x0];
	(xrf0) =	vadd.scan.msk.s32 $0xffff, v58;
	v40 =	vadd.s32 v39, v57;
	v34 =	vadd.s32 v60, v34;
	v61, _, _ =	vpop (xrf0)  }
0x181: {  	v46 =	vadd.s32 v40, v59;
	v34 =	vadd.s32 $0xFFFFFFFF, v34;
	v38 =	vadd.s32 v61, v38  }
0x182: {  	vm15 =	vge.f32 v32, v30;
	vm0 =	vlt.s32 v34, $0x13F;
	v38 =	vadd.s32 $0xFFFFFFFF, v38  }
0x183: {  	v43 =	vsel vm15, $0x1, v1;
	v48 =	vnsel vm0, $0x13F, v34;
	vm0 =	vlt.s32 v38, $0x13F  }
0x184: {  	v44 =	vmpcnt.ones.xlane vm15;
	v42, _, _ =	vpop (xrf0);
	v34 =	vld [tilespmem:s0+$0x10];
	v49 =	vnsel vm0, $0x13F, v38;
	vm0 =	vge.f32 v33, v30  }
0x185: {  	vm11 =	vge.f32 v35, v30;
	v39 =	vadd.s32 v42, v39;
	v55 =	vsel vm0, $0x1, v1  }
0x186: {  	s3 =	sadd.s32 $0x50, s11;
	v57 =	vmpcnt.ones.xlane vm11;
	v58 =	vsel vm11, $0x1, v1;
	v62, _, _ =	vpop (xrf0);
	v63 =	vadd.s32 $0xFFFFFFFF, v39;
	(xrf0) =	vadd.scan.msk.s32 $0xffff, v55  }
0x187: {  	v61 =	vor.u32 s3, v0;
	v54 =	vadd.s32 v62, v40;
	s0 =	sadd.s32 $0x0, s17;
	vm12 =	vlt.s32 v63, $0x13F;
	(xrf0) =	vadd.scan.msk.s32 $0xffff, v43  }
0x188: {  	v39 =	vadd.s32 $0xFFFFFFFF, v54;
	s4 =	sadd.s32 $0x40, s0;
	v56 =	vmpcnt.ones.xlane vm0;
	v45 =	vnsel vm12, $0x13F, v63  }
0x189: {  	vm12 =	vlt.s32 v39, $0x13F;
	v38 =	vor.u32 s4, v0;
	vm14 =	vge.f32 v34, v30;
	(xrf0) =	vadd.scan.msk.s32 $0xffff, v58  }
0x18a: {  	v50 =	vadd.s32 v46, v56;
	v43 =	vnsel vm12, $0x13F, v39;
	[tilespmem:v48+s29+$0x0] =	vst.idx.msk vm3, v36;
	v59 =	vsel vm14, $0x1, v1  }
0x18b: {  	v44 =	vadd.s32 v50, v44;
	v51 =	vmpcnt.ones.xlane vm14;
	[tilespmem:v48+s30+$0x0] =	vst.idx.msk vm3, v47;
	(xrf0) =	vadd.scan.msk.s32 $0xffff, v59  }
0x18c: {  	s2 =	simm.s32 $0xA0;
	vm12 =	vmmov vm10;
	v42 =	vadd.s32 v44, v57;
	vm3 =	vmmov vm0;
	[tilespmem:v49+s29+$0x0] =	vst.idx.msk vm13, v37;
	v60, _, _ =	vpop (xrf0)  }
0x18d: {  	s15 =	sadd.s32 $0x60, s11;
	v39 =	vld [tilespmem:s2+$0x0];
	vm10 =	vmmov vm14;
	[tilespmem:v49+s30+$0x0] =	vst.idx.msk vm13, v61;
	v40 =	vadd.s32 v42, v51;
	v46 =	vadd.s32 v60, v46;
	v62, _, _ =	vpop (xrf0)  }
0x18e: {  	s16 =	sadd.s32 $0x70, s11;
	v37 =	vld [tilespmem:s2+$0xFFFFFFE0];
	v47 =	vor.u32 s15, v0;
	[tilespmem:v45+s29+$0x0] =	vst.idx.msk vm1, v41;
	v41 =	vmovc v40;
	v49 =	vadd.s32 $0xFFFFFFFF, v46;
	v63 =	vadd.s32 v62, v50  }
0x18f: {  	s1 =	simm.s32 $0x40;
	s3 =	simm.s32 $0x80;
	v36 =	vld [tilespmem:s2+$0xFFFFFFF0];
	v50, _, _ =	vpop (xrf0);
	v46 =	vor.u32 s16, v0;
	vm0 =	vlt.s32 v49, $0x13F;
	v48 =	vadd.s32 $0xFFFFFFFF, v63  }
.LBB2_20:
0x190: {  	v49 =	vnsel vm0, $0x13F, v49;
	vm0 =	vlt.s32 v48, $0x13F;
	v44 =	vadd.s32 v50, v44  }
0x191: {  	v51 =	vld [tilespmem:s2+$0x10];
	v50, _, _ =	vpop (xrf0);
	[tilespmem:v45+s30+$0x0] =	vst.idx.msk vm1, v47;
	v52 =	vmov v35;
	vm13 =	vmmov vm15;
	vm1 =	vmmov vm11;
	s4 =	smov.u32 s3;
	s3 =	sadd.s32 $0x40, s3  }
0x192: {  	p1 =	slt.u32 s3, $0x6180;
	v47 =	vnsel vm0, $0x13F, v48;
	v45 =	vadd.s32 $0xFFFFFFFF, v44;
	v35 =	vadd.s32 v50, v42;
	[tilespmem:v43+s29+$0x0] =	vst.idx.msk vm12, v31;
	v31 =	vmovc v34  }
0x193: {  	vm14 =	vge.f32 v37, v30;
	vm0 =	vlt.s32 v45, $0x13F;
	v48 =	vadd.s32 $0xFFFFFFFF, v35;
	[tilespmem:v43+s30+$0x0] =	vst.idx.msk vm12, v46  }
0x194: {  	v27 =	vsel vm14, $0x1, v1;
	v42 =	vmpcnt.ones.xlane vm14;
	vm15 =	vge.f32 v36, v30  }
0x195: {  	v43 =	vsel vm15, $0x1, v1;
	v44 =	vmpcnt.ones.xlane vm15;
	vm11 =	vge.f32 v39, v30;
	(xrf0) =	vadd.scan.msk.s32 $0xffff, v27;
	v35 =	vmovc v39  }
0x196: {  	v39 =	vadd.s32 v40, v42;
	v40 =	vmpcnt.ones.xlane vm11;
	vm6 =	vge.f32 v51, v30;
	(xrf0) =	vadd.scan.msk.s32 $0xffff, v43;
	v34 =	vmovc v51  }
0x197: {  	v43 =	vsel vm11, $0x1, v1;
	v44 =	vadd.s32 v39, v44;
	v46 =	vmpcnt.ones.xlane vm6;
	[tilespmem:v49+s29+$0x0] =	vst.idx.msk vm3, v33;
	v33 =	vmovc v37  }
0x198: {  	vm12 =	vlt.s32 v48, $0x13F;
	v37 =	vsel vm6, $0x1, v1;
	v42 =	vadd.s32 v44, v40;
	(xrf0) =	vadd.scan.msk.s32 $0xffff, v43  }
0x199: {  	v45 =	vnsel vm0, $0x13F, v45;
	v43 =	vnsel vm12, $0x13F, v48;
	v40 =	vadd.s32 v42, v46;
	(xrf0) =	vadd.scan.msk.s32 $0xffff, v37  }
.Ltmp12:
0x19a: {  	s5 =	sadd.s32 s1, s17;
	s1 =	sadd.s32 $0x50, s0;
	vm12 =	vmmov vm10;
	vm10 =	vmmov vm6;
	[tilespmem:v49+s30+$0x0] =	vst.idx.msk vm3, v38;
	vm3 =	vmmov vm14;
	(pc) =	sbr.rel @p1 .LBB2_20-.Ltmp12, $4  }
0x19b: {  	s2 =	sadd.s32 $0x40, s2;
	s6 =	sadd.s32 $0x40, s5;
	v46 =	vor.u32 s1, v0;
	s1 =	smov.u32 s4;
	v38, _, _ =	vpop (xrf0);
	[tilespmem:v47+s29+$0x0] =	vst.idx.msk vm13, v32;
	v32 =	vmov v36  }
0x19c: {  	s4 =	sadd.s32 $0x60, s0;
	v37 =	vld [tilespmem:s2+$0xFFFFFFE0];
	v48 =	vadd.s32 v38, v41;
	v38 =	vor.u32 s6, v0;
	v50, _, _ =	vpop (xrf0);
	[tilespmem:v47+s30+$0x0] =	vst.idx.msk vm13, v46;
	v41 =	vmov v40  }
0x19d: {  	v47 =	vor.u32 s4, v0;
	s4 =	sadd.s32 $0x70, s0;
	s0 =	smov.u32 s5;
	v36 =	vld [tilespmem:s2+$0xFFFFFFF0];
	v49 =	vadd.s32 $0xFFFFFFFF, v48;
	v46 =	vadd.s32 v50, v39  }
0x19e: {  	v39 =	vld [tilespmem:s2+$0x0];
	vm0 =	vlt.s32 v49, $0x13F;
	v48 =	vadd.s32 $0xFFFFFFFF, v46;
	v50, _, _ =	vpop (xrf0);
	[tilespmem:v45+s29+$0x0] =	vst.idx.msk vm1, v52;
	v46 =	vor.u32 s4, v0  }
0x19f: {  	_ =	sdelay $0x1  }
0x1a0: {  	vm13 =	vge.f32 v37, v30  }
0x1a1: {  	v51 =	vld [tilespmem:s2+$0x10];
	v49 =	vnsel vm0, $0x13F, v49;
	v57 =	vsel vm13, $0x1, v1  }
0x1a2: {  	v44 =	vadd.s32 v50, v44;
	vm6 =	vmmov vm15;
	vm15 =	vge.f32 v36, v30;
	(xrf0) =	vadd.scan.msk.s32 $0xffff, v57  }
0x1a3: {  	vm0 =	vlt.s32 v48, $0x13F;
	[tilespmem:v45+s30+$0x0] =	vst.idx.msk vm1, v47;
	vm8 =	vmmov vm11;
	v59 =	vsel vm15, $0x1, v1  }
0x1a4: {  	v60, _, _ =	vpop (xrf0);
	v58 =	vnsel vm0, $0x13F, v48;
	v61 =	vmpcnt.ones.xlane vm13;
	vm11 =	vge.f32 v39, v30;
	(xrf0) =	vadd.scan.msk.s32 $0xffff, v59  }
0x1a5: {  	[tilespmem:v43+s29+$0x0] =	vst.idx.msk vm12, v31;
	v44 =	vadd.s32 $0xFFFFFFFF, v44;
	v31 =	vmpcnt.ones.xlane vm15;
	v62 =	vsel vm11, $0x1, v1  }
0x1a6: {  	v42 =	vadd.s32 v60, v42;
	v40 =	vadd.s32 v40, v61;
	vm1 =	vge.f32 v51, v30;
	(xrf0) =	vadd.scan.msk.s32 $0xffff, v62  }
0x1a7: {  	vm0 =	vlt.s32 v44, $0x13F;
	v30 =	vadd.s32 v40, v31;
	v31 =	vsel vm1, $0x1, v1  }
0x1a8: {  	[tilespmem:v43+s30+$0x0] =	vst.idx.msk vm12, v46;
	v42 =	vadd.s32 $0xFFFFFFFF, v42;
	(xrf0) =	vadd.scan.msk.s32 $0xffff, v31;
	v31 =	vnsel vm0, $0x13F, v44;
	v50, _, _ =	vpop (xrf0)  }
0x1a9: {  	vm10 =	vmmov vm10;
	s9 =	sadd.s32 $0x50, s0;
	[tilespmem:v49+s29+$0x0] =	vst.idx.msk vm3, v33;
	vm0 =	vlt.s32 v42, $0x13F;
	v52 =	vadd.s32 v50, v41  }
0x1aa: {  	v55 =	vor.u32 s9, v0;
	[tilespmem:v49+s30+$0x0] =	vst.idx.msk vm3, v38;
	v53 =	vnsel vm0, $0x13F, v42;
	v54, _, _ =	vpop (xrf0);
	v33 =	vadd.s32 $0xFFFFFFFF, v52  }
0x1ab: {  	s10 =	sadd.s32 $0x60, s0;
	v63 =	vmpcnt.ones.xlane vm11;
	[tilespmem:v58+s29+$0x0] =	vst.idx.msk vm6, v32;
	v56 =	vadd.s32 v54, v40;
	vm0 =	vlt.s32 v33, $0x13F  }
0x1ac: {  	v57 =	vor.u32 s10, v0;
	[tilespmem:v58+s30+$0x0] =	vst.idx.msk vm6, v55;
	v58, _, _ =	vpop (xrf0);
	v32 =	vadd.s32 $0xFFFFFFFF, v56;
	v33 =	vnsel vm0, $0x13F, v33  }
0x1ad: {  	s11 =	sadd.s32 $0x70, s0;
	v48 =	vadd.s32 v30, v63;
	[tilespmem:v31+s29+$0x0] =	vst.idx.msk vm8, v35;
	v30 =	vadd.s32 v58, v30;
	vm0 =	vlt.s32 v32, $0x13F  }
0x1ae: {  	v59 =	vor.u32 s11, v0;
	v60, _, _ =	vpop (xrf0);
	[tilespmem:v31+s30+$0x0] =	vst.idx.msk vm8, v57;
	v30 =	vadd.s32 $0xFFFFFFFF, v30;
	v31 =	vnsel vm0, $0x13F, v32  }
0x1af: {  	s14 =	sadd.s32 s1, s17;
	[tilespmem:v53+s29+$0x0] =	vst.idx.msk vm10, v34;
	v61 =	vadd.s32 v60, v48;
	vm0 =	vmmov vm11;
	vm11 =	vlt.s32 v30, $0x13F  }
0x1b0: {  	s1 =	sadd.s32 $0x40, s14;
	vm1 =	vmmov vm1;
	[tilespmem:v53+s30+$0x0] =	vst.idx.msk vm10, v59;
	v32 =	vadd.s32 $0xFFFFFFFF, v61;
	v30 =	vnsel vm11, $0x13F, v30  }
0x1b1: {  	v62 =	vor.u32 s1, v0;
	vm1 =	vmmov vm1;
	vm10 =	vlt.s32 v32, $0x13F;
	[tilespmem:v33+s29+$0x0] =	vst.idx.msk vm13, v37  }
0x1b2: {  	s15 =	sadd.s32 $0x50, s14;
	v32 =	vnsel vm10, $0x13F, v32;
	[tilespmem:v33+s30+$0x0] =	vst.idx.msk vm13, v62  }
0x1b3: {  	v63 =	vor.u32 s15, v0;
	[tilespmem:v31+s29+$0x0] =	vst.idx.msk vm15, v36  }
0x1b4: {  	s16 =	sadd.s32 $0x60, s14;
	[tilespmem:v31+s30+$0x0] =	vst.idx.msk vm15, v63  }
0x1b5: {  	v31 =	vor.u32 s16, v0;
	[tilespmem:v30+s29+$0x0] =	vst.idx.msk vm0, v39  }
0x1b6: {  	vm14 =	vcmask $0xF0C;
	s0 =	sadd.s32 $0x70, s14;
	[tilespmem:v30+s30+$0x0] =	vst.idx.msk vm0, v31  }
0x1b7: {  	vm12 =	vcmask $0x300;
	vm6 =	vmmov vm15;
	v30 =	vor.u32 s0, v0;
	[tilespmem:v32+s29+$0x0] =	vst.idx.msk vm1, v51  }
0x1b8: {  	s14 =	simm.s32 $0x0;
	vm3 =	vmmov vm13;
	s15 =	simm.s32 $0x0;
	vm6 =	vcmask $0x2320;
	vm10 =	vcmask $0x704;
	[tilespmem:v32+s30+$0x0] =	vst.idx.msk vm1, v30  }
.LBB2_22:
0x1b9: {  	p2 =	por $0x1, $0x1  }
.Ltmp13:
0x1ba: {  	_ = 	snop;
	(pc) =	sbr.rel @!p2 .LBB2_23-.Ltmp13, $2  }
0x1bb: {  	_ =	sdelay $0x2  }
0x1bc: {  	v31 =	vimm.f32 $0.0e+00;
	v30 =	vimm.s32 $0x0;
	s16 =	simm.s32 $0x1;
	p1 =	por $0x0, $0x0  }
0x1bd: {  	v32 =	vld [tilespmem:$0x81D0]  }
0x1be: {  	v33 =	vld [tilespmem:$0x81C0]  }
0x1bf: {  	v34 =	vld [tilespmem:$0x81E0]  }
0x1c0: {  	v35 =	vld [tilespmem:$0x81F0]  }
0x1c1: {  	v36 =	vld [tilespmem:$0x8200]  }
0x1c2: {  	v37 =	vld [tilespmem:$0x8210]  }
0x1c3: {  	v39 =	vld [tilespmem:$0x8220];
	v38 =	vmax.f32 v33, v32  }
0x1c4: {  	v40 =	vld [tilespmem:$0x8230];
	v38 =	vmax.f32 v38, v34  }
0x1c5: {  	v41 =	vld [tilespmem:$0x8240];
	v38 =	vmax.f32 v38, v35  }
0x1c6: {  	v42 =	vld [tilespmem:$0x8250];
	v38 =	vmax.f32 v38, v36  }
0x1c7: {  	v43 =	vld [tilespmem:$0x8260];
	v38 =	vmax.f32 v38, v37  }
0x1c8: {  	v44 =	vld [tilespmem:$0x8270];
	v38 =	vmax.f32 v38, v39  }
0x1c9: {  	v45 =	vld [tilespmem:$0x8280];
	v38 =	vmax.f32 v38, v40  }
0x1ca: {  	v46 =	vld [tilespmem:$0x8290];
	v38 =	vmax.f32 v38, v41  }
0x1cb: {  	v47 =	vld [tilespmem:$0x82A0];
	v38 =	vmax.f32 v38, v42  }
0x1cc: {  	v48 =	vld [tilespmem:$0x82B0];
	v38 =	vmax.f32 v38, v43  }
0x1cd: {  	v49 =	vld [tilespmem:$0x82C0];
	v38 =	vmax.f32 v38, v44  }
0x1ce: {  	v50 =	vld [tilespmem:$0x82D0];
	v38 =	vmax.f32 v38, v45  }
0x1cf: {  	v51 =	vld [tilespmem:$0x82E0];
	v38 =	vmax.f32 v38, v46  }
0x1d0: {  	v52 =	vld [tilespmem:$0x82F0];
	v38 =	vmax.f32 v38, v47  }
0x1d1: {  	v38 =	vmax.f32 v38, v48  }
0x1d2: {  	v38 =	vmax.f32 v38, v49  }
0x1d3: {  	v38 =	vmax.f32 v38, v50  }
0x1d4: {  	v38 =	vmax.f32 v38, v51  }
0x1d5: {  	v38 =	vmax.f32 v38, v52  }
0x1d6: {  	(xrf0) =	vmax.scan.msk.f32 $0xffff, v38;
	_ =	sdelay $0x5  }
0x1d7: {  	v38, _, _ =	vpop (xrf0)  }
0x1d8: {  	v38 =	vbroadcast v38, $0xF;
	_ =	sdelay $0x1  }
0x1d9: {  	vm0 =	veq.f32 v52, v38  }
0x1da: {  	vm1 =	veq.f32 v51, v38;
	v60 =	vnsel vm0, $0xC0000000, v7  }
0x1db: {  	vm0 =	veq.f32 v50, v38;
	v61 =	vsel vm1, v8, v60  }
0x1dc: {  	vm1 =	veq.f32 v49, v38;
	v62 =	vsel vm0, v9, v61  }
0x1dd: {  	vm0 =	veq.f32 v48, v38;
	v63 =	vsel vm1, v10, v62  }
0x1de: {  	vm1 =	veq.f32 v47, v38;
	v49 =	vsel vm0, v11, v63  }
0x1df: {  	vm0 =	veq.f32 v46, v38;
	v50 =	vsel vm1, v12, v49  }
0x1e0: {  	vm1 =	veq.f32 v45, v38;
	v51 =	vsel vm0, v13, v50  }
0x1e1: {  	vm0 =	veq.f32 v44, v38;
	v52 =	vsel vm1, v14, v51  }
0x1e2: {  	vm1 =	veq.f32 v43, v38;
	v53 =	vsel vm0, v15, v52  }
0x1e3: {  	vm0 =	veq.f32 v42, v38;
	v54 =	vsel vm1, v16, v53  }
0x1e4: {  	vm1 =	veq.f32 v41, v38;
	v55 =	vsel vm0, v17, v54  }
0x1e5: {  	vm0 =	veq.f32 v40, v38;
	v56 =	vsel vm1, v18, v55  }
0x1e6: {  	vm1 =	veq.f32 v39, v38;
	v57 =	vsel vm0, v19, v56  }
0x1e7: {  	vm0 =	veq.f32 v37, v38;
	v58 =	vsel vm1, v20, v57  }
0x1e8: {  	vm1 =	veq.f32 v36, v38;
	v59 =	vsel vm0, v21, v58  }
0x1e9: {  	vm0 =	veq.f32 v35, v38;
	v60 =	vsel vm1, v22, v59  }
0x1ea: {  	vm1 =	veq.f32 v34, v38;
	v61 =	vsel vm0, v23, v60  }
0x1eb: {  	vm0 =	veq.f32 v32, v38;
	v62 =	vsel vm1, v24, v61  }
0x1ec: {  	vm1 =	veq.f32 v33, v38;
	v32 =	vsel vm0, v25, v62  }
0x1ed: {  	v32 =	vsel vm1, v4, v32  }
0x1ee: {  	(xrf0) =	vmin.scan.msk.u32 $0xffff, v32;
	_ =	sdelay $0x5  }
0x1ef: {  	v32, _, _ =	vpop (xrf0)  }
0x1f0: {  	(v2sf) =	vpush v32, $0xF;
	_ =	sdelay $0xc  }
0x1f1: {  	p2 =	por $0x1, $0x1  }
.Ltmp14:
0x1f2: {  	_ = 	snop;
	(pc) =	sbr.rel @!p2 .LBB2_25-.Ltmp14, $4  }
0x1f3: {  	s0 =	spop (v2sf)  }
0x1f4: {  	v63 =	vmov s14;
	s0 =	sxor.u32 $0x80000000, s0  }
0x1f5: {  	vm1 =	veq.s32 v63, v0;
	v33 =	vmov s0  }
0x1f6: {  	p1 =	por $0x1, $0x1;
	v31 =	vsel vm1, v38, v31;
	v32 =	vimm.s32 $0x0;
	s0 =	simm.s32 $0x2  }
.LBB2_26:
0x1f7: {  	p2 =	sne.s32 s0, $0xF;
	_ =	sdelay $0x2  }
0x1f8: {  	v35 =	vld.idx.msk [tilespmem:v33+s30+$0x0], $0xffff;
	[tilespmem:v33+s29+$0x0] =	vst.idx.msk $0x1, v26  }
0x1f9: {  	v34 =	vld [tilespmem:$0x81D0]  }
0x1fa: {  	v33 =	vld [tilespmem:$0x81C0]  }
0x1fb: {  	v36 =	vld [tilespmem:$0x81E0]  }
0x1fc: {  	v37 =	vld [tilespmem:$0x81F0]  }
0x1fd: {  	v38 =	vld [tilespmem:$0x8200]  }
0x1fe: {  	v32 =	vsel vm1, v35, v32;
	v39 =	vld [tilespmem:$0x8210]  }
0x1ff: {  	v35 =	vmax.f32 v33, v34;
	v40 =	vld [tilespmem:$0x8220]  }
0x200: {  	v35 =	vmax.f32 v35, v36;
	v41 =	vld [tilespmem:$0x8230]  }
0x201: {  	v35 =	vmax.f32 v35, v37;
	v42 =	vld [tilespmem:$0x8240]  }
0x202: {  	v35 =	vmax.f32 v35, v38;
	v43 =	vld [tilespmem:$0x8250]  }
0x203: {  	v35 =	vmax.f32 v35, v39;
	v44 =	vld [tilespmem:$0x8260]  }
0x204: {  	v35 =	vmax.f32 v35, v40;
	v45 =	vld [tilespmem:$0x8270]  }
0x205: {  	v35 =	vmax.f32 v35, v41;
	v46 =	vld [tilespmem:$0x8280]  }
0x206: {  	v35 =	vmax.f32 v35, v42;
	v47 =	vld [tilespmem:$0x8290]  }
0x207: {  	v35 =	vmax.f32 v35, v43;
	v48 =	vld [tilespmem:$0x82A0]  }
0x208: {  	v35 =	vmax.f32 v35, v44;
	v49 =	vld [tilespmem:$0x82B0]  }
0x209: {  	v35 =	vmax.f32 v35, v45;
	v50 =	vld [tilespmem:$0x82C0]  }
0x20a: {  	v35 =	vmax.f32 v35, v46;
	v51 =	vld [tilespmem:$0x82D0]  }
0x20b: {  	v35 =	vmax.f32 v35, v47;
	v52 =	vld [tilespmem:$0x82E0]  }
0x20c: {  	v35 =	vmax.f32 v35, v48;
	v53 =	vld [tilespmem:$0x82F0]  }
0x20d: {  	v35 =	vmax.f32 v35, v49  }
0x20e: {  	v35 =	vmax.f32 v35, v50  }
0x20f: {  	v35 =	vmax.f32 v35, v51  }
0x210: {  	v35 =	vmax.f32 v35, v52  }
0x211: {  	v35 =	vmax.f32 v35, v53  }
0x212: {  	(xrf0) =	vmax.scan.msk.f32 $0xffff, v35;
	_ =	sdelay $0x5  }
0x213: {  	v35, _, _ =	vpop (xrf0)  }
0x214: {  	v54 =	vmov s16;
	s16 =	smov.u32 s0;
	v35 =	vbroadcast v35, $0xF  }
0x215: {  	vm1 =	veq.s32 v54, v0  }
0x216: {  	vm0 =	veq.f32 v53, v35;
	v31 =	vsel vm1, v35, v31  }
0x217: {  	vm3 =	veq.f32 v52, v35;
	v52 =	vnsel vm0, $0xC0000000, v7  }
0x218: {  	vm0 =	veq.f32 v51, v35;
	v51 =	vsel vm3, v8, v52  }
0x219: {  	vm3 =	veq.f32 v50, v35;
	v50 =	vsel vm0, v9, v51  }
0x21a: {  	vm0 =	veq.f32 v49, v35;
	v49 =	vsel vm3, v10, v50  }
0x21b: {  	vm3 =	veq.f32 v48, v35;
	v48 =	vsel vm0, v11, v49  }
0x21c: {  	vm0 =	veq.f32 v47, v35;
	v47 =	vsel vm3, v12, v48  }
0x21d: {  	vm3 =	veq.f32 v46, v35;
	v46 =	vsel vm0, v13, v47  }
0x21e: {  	vm0 =	veq.f32 v45, v35;
	v45 =	vsel vm3, v14, v46  }
0x21f: {  	vm3 =	veq.f32 v44, v35;
	v44 =	vsel vm0, v15, v45  }
0x220: {  	vm0 =	veq.f32 v43, v35;
	v43 =	vsel vm3, v16, v44  }
0x221: {  	vm3 =	veq.f32 v42, v35;
	v42 =	vsel vm0, v17, v43  }
0x222: {  	vm0 =	veq.f32 v41, v35;
	v41 =	vsel vm3, v18, v42  }
0x223: {  	vm3 =	veq.f32 v40, v35;
	v40 =	vsel vm0, v19, v41  }
0x224: {  	vm0 =	veq.f32 v39, v35;
	v39 =	vsel vm3, v20, v40  }
0x225: {  	vm3 =	veq.f32 v38, v35;
	v38 =	vsel vm0, v21, v39  }
0x226: {  	vm0 =	veq.f32 v37, v35;
	v37 =	vsel vm3, v22, v38  }
0x227: {  	vm3 =	veq.f32 v36, v35;
	v36 =	vsel vm0, v23, v37  }
0x228: {  	vm0 =	veq.f32 v34, v35;
	v34 =	vsel vm3, v24, v36  }
0x229: {  	vm3 =	veq.f32 v33, v35;
	v33 =	vsel vm0, v25, v34  }
0x22a: {  	v33 =	vsel vm3, v4, v33  }
0x22b: {  	(xrf0) =	vmin.scan.msk.u32 $0xffff, v33;
	_ =	sdelay $0x5  }
0x22c: {  	v33, _, _ =	vpop (xrf0)  }
0x22d: {  	(v2sf) =	vpush v33, $0xF;
	_ =	sdelay $0xd  }
.Ltmp15:
0x22e: {  	(pc) =	sbr.rel @p2 .LBB2_26-.Ltmp15, $4  }
0x22f: {  	s1 =	spop (v2sf)  }
0x230: {  	s1 =	sxor.u32 $0x80000000, s1  }
0x231: {  	v33 =	vmov s1  }
0x232: {  	s0 =	sadd.s32 $0x1, s0  }
.LBB2_27:
0x233: {  	_ =	sdelay $0x3  }
0x234: {  	v34 =	vld.idx.msk @p1 [tilespmem:v33+s30+$0x0], $0xffff;
	[tilespmem:v33+s29+$0x0] =	vst.idx.msk @p1 $0x1, v26  }
0x235: {  	v33 =	vld [tilespmem:$0x81D0]  }
0x236: {  	v35 =	vld [tilespmem:$0x81C0]  }
0x237: {  	v36 =	vld [tilespmem:$0x81E0]  }
0x238: {  	v37 =	vld [tilespmem:$0x81F0]  }
0x239: {  	v38 =	vld [tilespmem:$0x8200]  }
0x23a: {  	v39 =	vld [tilespmem:$0x8210]  }
0x23b: {  	v41 =	vld [tilespmem:$0x8220];
	v40 =	vmax.f32 v35, v33  }
0x23c: {  	v42 =	vld [tilespmem:$0x8230];
	v40 =	vmax.f32 v40, v36  }
0x23d: {  	v43 =	vld [tilespmem:$0x8240];
	v40 =	vmax.f32 v40, v37  }
0x23e: {  	v44 =	vld [tilespmem:$0x8250];
	v40 =	vmax.f32 v40, v38  }
0x23f: {  	v45 =	vld [tilespmem:$0x8260];
	v40 =	vmax.f32 v40, v39  }
0x240: {  	v46 =	vld [tilespmem:$0x8270];
	v40 =	vmax.f32 v40, v41  }
0x241: {  	v47 =	vld [tilespmem:$0x8280];
	v40 =	vmax.f32 v40, v42  }
0x242: {  	v48 =	vld [tilespmem:$0x8290];
	v40 =	vmax.f32 v40, v43  }
0x243: {  	v49 =	vld [tilespmem:$0x82A0];
	v40 =	vmax.f32 v40, v44  }
0x244: {  	v50 =	vld [tilespmem:$0x82B0];
	v40 =	vmax.f32 v40, v45  }
0x245: {  	v51 =	vld [tilespmem:$0x82C0];
	v40 =	vmax.f32 v40, v46  }
0x246: {  	v52 =	vld [tilespmem:$0x82D0];
	v40 =	vmax.f32 v40, v47  }
0x247: {  	v53 =	vld [tilespmem:$0x82E0];
	v40 =	vmax.f32 v40, v48  }
0x248: {  	v54 =	vld [tilespmem:$0x82F0];
	v40 =	vmax.f32 v40, v49  }
0x249: {  	v40 =	vmax.f32 v40, v50  }
0x24a: {  	v40 =	vmax.f32 v40, v51  }
0x24b: {  	v40 =	vmax.f32 v40, v52  }
0x24c: {  	v40 =	vmax.f32 v40, v53  }
0x24d: {  	v40 =	vmax.f32 v40, v54  }
0x24e: {  	(xrf0) =	vmax.scan.msk.f32 $0xffff, v40;
	_ =	sdelay $0x5  }
0x24f: {  	v40, _, _ =	vpop (xrf0)  }
0x250: {  	v40 =	vbroadcast v40, $0xF;
	_ =	sdelay $0x1  }
0x251: {  	vm0 =	veq.f32 v54, v40  }
0x252: {  	vm3 =	veq.f32 v53, v40;
	v59 =	vnsel vm0, $0xC0000000, v7  }
0x253: {  	vm0 =	veq.f32 v52, v40;
	v53 =	vsel vm3, v8, v59  }
0x254: {  	vm3 =	veq.f32 v51, v40;
	v60 =	vsel vm0, v9, v53  }
0x255: {  	vm0 =	veq.f32 v50, v40;
	v61 =	vsel vm3, v10, v60  }
0x256: {  	vm3 =	veq.f32 v49, v40;
	v62 =	vsel vm0, v11, v61  }
0x257: {  	vm0 =	veq.f32 v48, v40;
	v63 =	vsel vm3, v12, v62  }
0x258: {  	vm3 =	veq.f32 v47, v40;
	v49 =	vsel vm0, v13, v63  }
0x259: {  	vm0 =	veq.f32 v46, v40;
	v50 =	vsel vm3, v14, v49  }
0x25a: {  	vm3 =	veq.f32 v45, v40;
	v51 =	vsel vm0, v15, v50  }
0x25b: {  	vm0 =	veq.f32 v44, v40;
	v52 =	vsel vm3, v16, v51  }
0x25c: {  	vm3 =	veq.f32 v43, v40;
	v53 =	vsel vm0, v17, v52  }
0x25d: {  	vm0 =	veq.f32 v42, v40;
	v54 =	vsel vm3, v18, v53  }
0x25e: {  	vm3 =	veq.f32 v41, v40;
	v55 =	vsel vm0, v19, v54  }
0x25f: {  	vm0 =	veq.f32 v39, v40;
	v56 =	vsel vm3, v20, v55  }
0x260: {  	vm3 =	veq.f32 v38, v40;
	v57 =	vsel vm0, v21, v56  }
0x261: {  	vm0 =	veq.f32 v37, v40;
	v58 =	vsel vm3, v22, v57  }
0x262: {  	vm3 =	veq.f32 v36, v40;
	v59 =	vsel vm0, v23, v58  }
0x263: {  	vm0 =	veq.f32 v33, v40;
	v60 =	vsel vm3, v24, v59  }
0x264: {  	vm3 =	veq.f32 v35, v40;
	v33 =	vsel vm0, v25, v60  }
0x265: {  	v33 =	vsel vm3, v4, v33  }
0x266: {  	(xrf0) =	vmin.scan.msk.u32 $0xffff, v33;
	_ =	sdelay $0x5  }
0x267: {  	v33, _, _ =	vpop (xrf0)  }
0x268: {  	(v2sf) =	vpush v33, $0xF;
	_ =	sdelay $0xe  }
0x269: {  	s0 =	spop (v2sf)  }
0x26a: {  	s0 =	sxor.u32 $0x80000000, s0  }
0x26b: {  	v61 =	vmov s0;
	_ =	sdelay $0x4  }
0x26c: {  	v32 =	vsel @p1 vm1, v34, v32;
	v63 =	vmov s16;
	s16 =	sshll.u32 s15, $0x4;
	s15 =	sadd.s32 $0x1, s15;
	v62 =	vld.idx.msk [tilespmem:v61+s30+$0x0], $0xffff  }
0x26d: {  	v30 =	vpsel p1, v32, v30;
	p1 =	sne.s32 s15, $0xD  }
.Ltmp16:
0x26e: {  	_ = 	snop;
	(pc) =	sbr.rel @p1 .LBB2_22-.Ltmp16, $4  }
.Ltmp17:
0x26f: {  	vm0 =	veq.s32 v63, v0;
	(pc) =	sbr.rel @!p1 .LBB2_28-.Ltmp17, $4  }
0x270: {  	v31 =	vsel vm0, v40, v31;
	[tilespmem:v61+s29+$0x0] =	vst.idx.msk $0x1, v26  }
0x271: {  	[tilespmem:s16+$0x8440] =	vst v31;
	v30 =	vsel vm0, v62, v30  }
0x272: {  	[tilespmem:s16+$0x8510] =	vst v30  }
0x273: {  	_ = 	snop  }
.LBB2_23:
.Ltmp18:
0x274: {  	(pc) =	sbr.rel .LBB2_27-.Ltmp18, $2  }
0x275: {  	_ =	sdelay $0x2  }
0x276: {  	v32 =	vimm.s32 $0x0;
	s16 =	simm.s32 $0x0  }
.LBB2_25:
.Ltmp19:
0x277: {  	(pc) =	sbr.rel .LBB2_27-.Ltmp19, $2  }
0x278: {  	_ =	sdelay $0x2  }
0x279: {  	v32 =	vimm.s32 $0x0  }
.LBB2_29:
0x27a: {  	s0 =	sld [smem:$0x7EF];
	_ =	sdelay $0x1  }
0x27b: {  	s4 =	simm.s32 $0x85E0  }
0x27c: {  	[tilespmem:s4], [sflag:$0x2] =	stream.linear.gather [spmem:s0], $0xD0, $0x38;
	[tilespmem:$0x18EE8] =	vst v63  }
0x27d: {  	_ =	swait.ge [sflag:s24], $0xD0  }
0x27e: {  	s18 =	sld [smem:$0x7F0]  }
0x27f: {  	[sflag:s24] =	ssyncset.done $0x0  }
0x280: {  	s5 =	simm.s32 $0x8930;
	[sflag:s24] =	ssyncadd.s32 $0xFFFFFF30  }
0x281: {  	[tilespmem:s5], [sflag:$0x2] =	stream.linear.gather [spmem:s18], $0xD0, $0x38;
	[tilespmem:$0x18EE8] =	vst v63  }
0x282: {  	_ =	swait.ge [sflag:s24], $0xD0  }
0x283: {  	s19 =	sld [smem:$0x7F1]  }
0x284: {  	[sflag:s24] =	ssyncset.done $0x0  }
0x285: {  	s1 =	simm.s32 $0x86B0;
	[sflag:s24] =	ssyncadd.s32 $0xFFFFFF30  }
0x286: {  	[tilespmem:s1], [sflag:$0x2] =	stream.linear.gather [spmem:s19], $0xD0, $0x38;
	[tilespmem:$0x18EE8] =	vst v63  }
0x287: {  	_ =	swait.ge [sflag:s24], $0xD0  }
0x288: {  	s20 =	sld [smem:$0x7F2]  }
0x289: {  	[sflag:s24] =	ssyncset.done $0x0  }
0x28a: {  	s21 =	simm.s32 $0x8A00;
	[sflag:s24] =	ssyncadd.s32 $0xFFFFFF30  }
0x28b: {  	[tilespmem:s21], [sflag:$0x2] =	stream.linear.gather [spmem:s20], $0xD0, $0x38;
	[tilespmem:$0x18EE8] =	vst v63  }
0x28c: {  	_ =	swait.ge [sflag:s24], $0xD0  }
0x28d: {  	s22 =	sld [smem:$0x7F3]  }
0x28e: {  	[sflag:s24] =	ssyncset.done $0x0  }
0x28f: {  	s23 =	simm.s32 $0x8780;
	[sflag:s24] =	ssyncadd.s32 $0xFFFFFF30  }
0x290: {  	[tilespmem:s23], [sflag:$0x2] =	stream.linear.gather [spmem:s22], $0xD0, $0x38;
	[tilespmem:$0x18EE8] =	vst v63  }
0x291: {  	_ =	swait.ge [sflag:s24], $0xD0  }
0x292: {  	s25 =	sld [smem:$0x7F4]  }
0x293: {  	[sflag:s24] =	ssyncset.done $0x0  }
0x294: {  	s26 =	simm.s32 $0x8AD0;
	[sflag:s24] =	ssyncadd.s32 $0xFFFFFF30  }
0x295: {  	[tilespmem:s26], [sflag:$0x2] =	stream.linear.gather [spmem:s25], $0xD0, $0x38;
	[tilespmem:$0x18EE8] =	vst v63  }
0x296: {  	_ =	swait.ge [sflag:s24], $0xD0  }
0x297: {  	s28 =	sld [smem:$0x7F5]  }
0x298: {  	[sflag:s24] =	ssyncset.done $0x0  }
0x299: {  	s29 =	simm.s32 $0x8850;
	[sflag:s24] =	ssyncadd.s32 $0xFFFFFF30  }
0x29a: {  	[tilespmem:s29], [sflag:$0x2] =	stream.linear.gather [spmem:s28], $0xD0, $0x38;
	[tilespmem:$0x18EE8] =	vst v63  }
0x29b: {  	_ =	swait.ge [sflag:s24], $0xD0  }
0x29c: {  	s30 =	sld [smem:$0x7F6]  }
0x29d: {  	[sflag:s24] =	ssyncset.done $0x0  }
0x29e: {  	s31 =	simm.s32 $0x8BA0;
	[sflag:s24] =	ssyncadd.s32 $0xFFFFFF30  }
0x29f: {  	[tilespmem:s31], [sflag:$0x2] =	stream.linear.gather [spmem:s30], $0xD0, $0x38;
	[tilespmem:$0x18EE8] =	vst v63  }
0x2a0: {  	_ =	swait.ge [sflag:s24], $0xD0  }
0x2a1: {  	[sflag:s24] =	ssyncset.done $0x0  }
0x2a2: {  	v27 =	vimm.f32 $-3.000000000e+00;
	[sflag:s24] =	ssyncadd.s32 $0xFFFFFF30  }
0x2a3: {  	vm13 =	vmmov vm7;
	[tilespmem:$0x8920] =	vst v27  }
0x2a4: {  	vm9 =	vmmov vm2;
	vm8 =	vmmov vm5;
	v30 =	vimm.s32 $0x0;
	s0 =	simm.s32 $0x0;
	[tilespmem:$0x8C70] =	vst v6  }
.LBB2_30:
0x2a5: {  	v31 =	vimm.f32 $0.0e+00;
	v33 =	vadd.s32 v28, v30;
	s2 =	simm.s32 $0x1;
	s1 =	simm.s32 $0x0;
	v32 =	vimm.s32 $0x0  }
.LBB2_31:
0x2a6: {  	p1 =	sne.s32 s2, $0xF;
	_ =	sdelay $0x3  }
0x2a7: {  	v34 =	vld.idx.msk [tilespmem:v33+s4+$0x0], $0xffff;
	_ =	sdelay $0x5  }
0x2a8: {  	(xrf0) =	vmax.scan.msk.f32 $0xffff, v34;
	_ =	sdelay $0x2  }
0x2a9: {  	v33 =	vld.idx.msk [tilespmem:v33+s5+$0x0], $0xffff;
	_ =	sdelay $0x2  }
0x2aa: {  	v35, _, _ =	vpop (xrf0)  }
0x2ab: {  	v36 =	vmov s1;
	s1 =	smov.u32 s2;
	v35 =	vbroadcast v35, $0xF  }
0x2ac: {  	vm3 =	veq.s32 v36, v0  }
0x2ad: {  	vm1 =	veq.f32 v34, v35;
	v34 =	vxor.u32 $0x80000000, v33;
	v31 =	vsel vm3, v35, v31  }
0x2ae: {  	v34 =	vnsel vm1, $0xC0000000, v34  }
0x2af: {  	(xrf0) =	vmin.scan.msk.u32 $0xffff, v34;
	_ =	sdelay $0x5  }
0x2b0: {  	v34, _, _ =	vpop (xrf0)  }
0x2b1: {  	(v2sf) =	vpush v34, $0xF;
	_ =	sdelay $0xe  }
0x2b2: {  	s3 =	spop (v2sf)  }
0x2b3: {  	s3 =	sxor.u32 $0x80000000, s3  }
.Ltmp20:
0x2b4: {  	vm0 =	veq.s32 v33, s3;
	v32 =	vsel vm3, s3, v32;
	(pc) =	sbr.rel @p1 .LBB2_31-.Ltmp20, $4  }
0x2b5: {  	vm0 =	vmand vm1, vm0  }
0x2b6: {  	v33 =	vsel vm0, $0x1, v1  }
0x2b7: {  	v30 =	vadd.s32 v33, v30  }
0x2b8: {  	s2 =	sadd.s32 $0x1, s2;
	v33 =	vadd.s32 v28, v30  }
0x2b9: {  	_ =	sdelay $0x3  }
0x2ba: {  	v34 =	vld.idx.msk [tilespmem:v33+s4+$0x0], $0xffff;
	_ =	sdelay $0x4  }
0x2bb: {  	(xrf0) =	vmax.scan.msk.f32 $0xffff, v34;
	_ =	sdelay $0x3  }
0x2bc: {  	v60 =	vld.idx.msk [tilespmem:v33+s5+$0x0], $0xffff;
	_ =	sdelay $0x1  }
0x2bd: {  	v35, _, _ =	vpop (xrf0)  }
0x2be: {  	v35 =	vbroadcast v35, $0xF;
	_ =	sdelay $0x1  }
0x2bf: {  	v61 =	vxor.u32 $0x80000000, v60;
	vm0 =	veq.f32 v34, v35  }
0x2c0: {  	v34 =	vnsel vm0, $0xC0000000, v61  }
0x2c1: {  	(xrf0) =	vmin.scan.msk.u32 $0xffff, v34;
	_ =	sdelay $0x5  }
0x2c2: {  	v34, _, _ =	vpop (xrf0)  }
0x2c3: {  	(v2sf) =	vpush v34, $0xF;
	_ =	sdelay $0xd  }
0x2c4: {  	s31 =	sshll.u32 s0, $0x4;
	s0 =	sadd.s32 $0x1, s0  }
0x2c5: {  	p1 =	sne.s32 s0, $0xD;
	s2 =	spop (v2sf)  }
.Ltmp21:
0x2c6: {  	v62 =	vmov s1;
	s30 =	sxor.u32 $0x80000000, s2;
	(pc) =	sbr.rel @p1 .LBB2_30-.Ltmp21, $4  }
0x2c7: {  	vm1 =	veq.s32 v62, v0;
	vm3 =	veq.s32 v60, s30  }
0x2c8: {  	v31 =	vsel vm1, v35, v31;
	vm0 =	vmand vm0, vm3  }
0x2c9: {  	[tilespmem:s31+$0x8C80] =	vst v31;
	v32 =	vsel vm1, s30, v32;
	v63 =	vsel vm0, $0x1, v1  }
0x2ca: {  	[tilespmem:s31+$0x8D50] =	vst v32;
	v30 =	vadd.s32 v63, v30  }
0x2cb: {  	[smem:$0x7DF] =	sst s7;
	s0 =	simm.s32 $0x1  }
0x2cc: {  	_ =	swait.ge [sflag:s0], $0xEA60  }
0x2cd: {  	[sflag:s0] =	ssyncset.done $0x0  }
0x2ce: {  	s5 =	simm.s32 $0x8D60;
	[sflag:s0] =	ssyncadd.s32 $0xFFFF15A0  }
0x2cf: {  	v34 =	vld [tilespmem:s5+$0x0];
	_ =	sdelay $0x4  }
0x2d0: {  	(v2sf) =	vpush v34, $0xF  }
0x2d1: {  	(v2sf) =	vpush v34, $0xB;
	_ =	sdelay $0x1  }
0x2d2: {  	(v2sf) =	vpush v34, $0x6;
	_ =	sdelay $0x1  }
0x2d3: {  	(v2sf) =	vpush v34, $0xE;
	_ =	sdelay $0x1  }
0x2d4: {  	(v2sf) =	vpush v34, $0xA;
	_ =	sdelay $0x1  }
0x2d5: {  	(v2sf) =	vpush v34, $0xD;
	_ =	sdelay $0x1  }
0x2d6: {  	(v2sf) =	vpush v34, $0x9;
	_ =	sdelay $0x1  }
0x2d7: {  	(v2sf) =	vpush v34, $0x5;
	_ =	sdelay $0x1  }
0x2d8: {  	(v2sf) =	vpush v34, $0xC;
	s3 =	spop (v2sf)  }
0x2d9: {  	(v2sf) =	vpush v34, $0x8;
	s4 =	smulhi.u32 $0x68DB8BAD, s3;
	s6 =	spop (v2sf)  }
0x2da: {  	s3 =	sshra.s32 s3, $0x1F;
	s8 =	smulhi.u32 $0x68DB8BAD, s6  }
0x2db: {  	(v2sf) =	vpush v34, $0x4;
	s7 =	spop (v2sf);
	s26 =	smul.u32 $0x68DB8BAD, s3  }
0x2dc: {  	s6 =	sshra.s32 s6, $0x1F;
	s1 =	smulhi.u32 $0x68DB8BAD, s7  }
0x2dd: {  	(v2sf) =	vpush v34, $0x3;
	s9 =	spop (v2sf);
	s6 =	smul.u32 $0x68DB8BAD, s6  }
0x2de: {  	s7 =	sshra.s32 s7, $0x1F;
	s10 =	smulhi.u32 $0x68DB8BAD, s9  }
0x2df: {  	(v2sf) =	vpush v34, $0x2;
	s11 =	spop (v2sf);
	s3 =	smul.u32 $0x68DB8BAD, s7  }
0x2e0: {  	s9 =	sshra.s32 s9, $0x1F;
	s13 =	smulhi.u32 $0x68DB8BAD, s11  }
0x2e1: {  	s12 =	spop (v2sf);
	s9 =	smul.u32 $0x68DB8BAD, s9  }
0x2e2: {  	s11 =	sshra.s32 s11, $0x1F;
	s14 =	smulhi.u32 $0x68DB8BAD, s12  }
0x2e3: {  	s15 =	spop (v2sf);
	s28 =	smul.u32 $0x68DB8BAD, s11  }
0x2e4: {  	(v2sf) =	vpush v34, $0x1;
	s12 =	sshra.s32 s12, $0x1F;
	s0 =	smulhi.u32 $0x68DB8BAD, s15  }
0x2e5: {  	s16 =	spop (v2sf);
	s11 =	smul.u32 $0x68DB8BAD, s12  }
0x2e6: {  	v32 =	vld [tilespmem:s5+$0xFFFFFFF0];
	s7 =	sadd.s32 s26, s4;
	(v2sf) =	vpush v34, $0x0;
	s26 =	sshra.s32 s15, $0x1F;
	s17 =	smulhi.u32 $0x68DB8BAD, s16  }
0x2e7: {  	s18 =	spop (v2sf);
	s4 =	smul.u32 $0x68DB8BAD, s26  }
0x2e8: {  	s6 =	sadd.s32 s6, s8;
	(v2sf) =	vpush v34, $0x7;
	s19 =	smulhi.u32 $0x68DB8BAD, s18;
	s20 =	spop (v2sf)  }
0x2e9: {  	[smem:$0x7E0] =	sst s6;
	s6 =	sshra.s32 s18, $0x1F;
	s21 =	smulhi.u32 $0x68DB8BAD, s20  }
0x2ea: {  	s22 =	spop (v2sf);
	s26 =	smul.u32 $0x68DB8BAD, s6  }
0x2eb: {  	s12 =	sadd.s32 s11, s14;
	(v2sf) =	vpush v32, $0x7;
	s6 =	sshra.s32 s16, $0x1F;
	s23 =	smulhi.u32 $0x68DB8BAD, s22  }
0x2ec: {  	s11 =	sadd.s32 s9, s10;
	s24 =	spop (v2sf);
	s9 =	smul.u32 $0x68DB8BAD, s6  }
0x2ed: {  	(v2sf) =	vpush v32, $0x0;
	s6 =	sshra.s32 s22, $0x1F;
	s2 =	smulhi.u32 $0x68DB8BAD, s24  }
0x2ee: {  	s22 =	sadd.s32 s4, s0;
	s25 =	spop (v2sf);
	(v2sf) =	vpush v32, $0x1;
	s4 =	smul.u32 $0x68DB8BAD, s6  }
0x2ef: {  	s19 =	sadd.s32 s26, s19;
	s26 =	sshra.s32 s20, $0x1F;
	s5 =	smulhi.u32 $0x68DB8BAD, s25;
	(v2sf) =	vpush v32, $0x2  }
0x2f0: {  	s10 =	sadd.s32 s28, s13;
	s24 =	sshra.s32 s24, $0x1F;
	s13 =	smul.u32 $0x68DB8BAD, s26  }
0x2f1: {  	s20 =	sshra.s32 s25, $0x1F;
	s24 =	smul.u32 $0x68DB8BAD, s24;
	(v2sf) =	vpush v32, $0x3  }
0x2f2: {  	s6 =	sadd.s32 s9, s17;
	s20 =	smul.u32 $0x68DB8BAD, s20;
	s9 =	sadd.s32 s4, s23  }
0x2f3: {  	s24 =	sadd.s32 s24, s2;
	s2 =	sshrl.u32 s19, $0x1F;
	s29 =	spop (v2sf)  }
0x2f4: {  	[smem:$0x7E1] =	sst s2;
	s15 =	smulhi.u32 $0x68DB8BAD, s29;
	s25 =	sshra.s32 s29, $0x1F  }
0x2f5: {  	s13 =	sadd.s32 s13, s21;
	s8 =	spop (v2sf);
	s25 =	smul.u32 $0x68DB8BAD, s25  }
0x2f6: {  	s31 =	sshra.s32 s13, $0xB;
	s18 =	smulhi.u32 $0x68DB8BAD, s8;
	s8 =	sshra.s32 s8, $0x1F  }
0x2f7: {  	s29 =	sshra.s32 s19, $0xB;
	s14 =	spop (v2sf);
	s8 =	smul.u32 $0x68DB8BAD, s8  }
0x2f8: {  	v35 =	vmov s29;
	s29 =	sshra.s32 s9, $0xB;
	s16 =	smulhi.u32 $0x68DB8BAD, s14;
	s0 =	sshra.s32 s14, $0x1F  }
0x2f9: {  	s15 =	sadd.s32 s25, s15;
	s0 =	smul.u32 $0x68DB8BAD, s0;
	s18 =	sadd.s32 s8, s18  }
0x2fa: {  	s8 =	sadd.s32 s3, s1;
	s3 =	sshra.s32 s12, $0xB;
	s26 =	spop (v2sf)  }
0x2fb: {  	s30 =	sshra.s32 s18, $0x1F;
	s17 =	sshra.s32 s26, $0x1F;
	s21 =	smulhi.u32 $0x68DB8BAD, s26  }
0x2fc: {  	s14 =	spop (v2sf);
	s28 =	sadd.s32 s0, s16;
	s17 =	smul.u32 $0x68DB8BAD, s17  }
0x2fd: {  	s23 =	spop (v2sf);
	s0 =	sshra.s32 s14, $0x1F;
	s25 =	smulhi.u32 $0x68DB8BAD, s14  }
0x2fe: {  	s26 =	sadd.s32 s20, s5;
	s16 =	spop (v2sf);
	s5 =	smul.u32 $0x68DB8BAD, s0  }
0x2ff: {  	vm2 =	vcmask $0xB08;
	(v2sf) =	vpush v32, $0x4;
	s4 =	sshra.s32 s23, $0x1F;
	s14 =	smulhi.u32 $0x68DB8BAD, s23;
	s0 =	sld [smem:$0x7E0]  }
0x300: {  	v35 =	vsel vm2, s3, v35;
	s3 =	sshra.s32 s6, $0xB;
	s20 =	spop (v2sf);
	s2 =	smul.u32 $0x68DB8BAD, s4  }
0x301: {  	s4 =	sshra.s32 s16, $0x1F;
	s23 =	sadd.s32 s17, s21;
	s16 =	smulhi.u32 $0x68DB8BAD, s16  }
0x302: {  	(v2sf) =	vpush v32, $0xC;
	[smem:$0x7E9] =	sst s23;
	s23 =	sshra.s32 s18, $0xB;
	s17 =	smul.u32 $0x68DB8BAD, s4  }
0x303: {  	s5 =	sadd.s32 s5, s25;
	s1 =	sshra.s32 s20, $0x1F;
	s25 =	sshrl.u32 s13, $0x1F  }
0x304: {  	(v2sf) =	vpush v32, $0x8;
	s20 =	smulhi.u32 $0x68DB8BAD, s20;
	s18 =	sshrl.u32 s18, $0x1F;
	s13 =	sshra.s32 s15, $0x1F  }
0x305: {  	s4 =	sadd.s32 s2, s14;
	s14 =	smul.u32 $0x68DB8BAD, s1;
	s1 =	sshra.s32 s11, $0xB  }
0x306: {  	(v2sf) =	vpush v32, $0xD;
	s2 =	sshra.s32 s10, $0xB;
	[smem:$0x7E6] =	sst s4;
	s19 =	sadd.s32 s17, s16  }
0x307: {  	s16 =	sshrl.u32 s12, $0x1F;
	s12 =	sshrl.u32 s22, $0x1F;
	s22 =	sshra.s32 s22, $0xB  }
0x308: {  	s17 =	sshrl.u32 s11, $0x1F;
	[smem:$0x7E2] =	sst s1;
	s11 =	sshra.s32 s15, $0xB  }
0x309: {  	(v2sf) =	vpush v32, $0x9;
	[smem:$0x7E3] =	sst s2;
	s2 =	sshra.s32 s26, $0x1F;
	s4 =	sshrl.u32 s26, $0x1F  }
0x30a: {  	[smem:$0x7E7] =	sst s19;
	s21 =	sadd.s32 s14, s20;
	s20 =	sshrl.u32 s15, $0x1F  }
0x30b: {  	(v2sf) =	vpush v32, $0x5;
	s15 =	sshrl.u32 s10, $0x1F;
	s10 =	sshra.s32 s26, $0xB;
	[smem:$0x7E4] =	sst s4  }
0x30c: {  	v33 =	vmov s25;
	s19 =	sshrl.u32 s7, $0x1F;
	s14 =	sshra.s32 s7, $0xB;
	s4 =	sshra.s32 s24, $0xB  }
0x30d: {  	s7 =	sshrl.u32 s24, $0x1F;
	s26 =	sld [smem:$0x7E1];
	v33 =	vsel vm2, s12, v33;
	s12 =	sshra.s32 s9, $0x1F  }
0x30e: {  	[smem:$0x7E8] =	sst s21;
	s21 =	sshra.s32 s28, $0x1F;
	s1 =	spop (v2sf)  }
0x30f: {  	vm5 =	vcmask $0x1310;
	[smem:$0x7E5] =	sst s14;
	s14 =	sshra.s32 s24, $0x1F;
	v30 =	vmov s21;
	s24 =	sshra.s32 s1, $0x1F  }
0x310: {  	(v2sf) =	vpush v32, $0xE;
	v38 =	vsel vm5, s15, v33;
	s15 =	sshrl.u32 s8, $0x1F;
	s21 =	sshrl.u32 s0, $0x1F;
	v30 =	vsel vm12, s23, v30;
	s25 =	smul.u32 $0x68DB8BAD, s24  }
0x311: {  	(v2sf) =	vpush v32, $0xA;
	v31 =	vmov s26;
	s23 =	sshra.s32 s0, $0xB;
	s24 =	spop (v2sf);
	v30 =	vsel vm10, s30, v30;
	s30 =	smulhi.u32 $0x68DB8BAD, s1  }
0x312: {  	v36 =	vmov s18;
	v38 =	vsel vm4, s21, v38;
	s21 =	sld [smem:$0x7E9];
	v31 =	vsel vm2, s16, v31;
	s26 =	sshra.s32 s24, $0x1F;
	s18 =	smulhi.u32 $0x68DB8BAD, s24  }
0x313: {  	vm11 =	vcmask $0x1714;
	s0 =	spop (v2sf);
	v30 =	vsel vm2, s11, v30;
	v31 =	vsel vm5, s17, v31;
	s17 =	simm.s32 $0x8D80;
	s11 =	smul.u32 $0x68DB8BAD, s26  }
0x314: {  	v37 =	vmov s31;
	(v2sf) =	vpush v32, $0xF;
	s1 =	sshra.s32 s0, $0x1F;
	v30 =	vsel vm14, s13, v30;
	s13 =	sshrl.u32 s9, $0x1F;
	s26 =	sld [smem:$0x7E2]  }
0x315: {  	v37 =	vsel vm2, s22, v37;
	s16 =	smulhi.u32 $0x68DB8BAD, s0;
	s22 =	spop (v2sf);
	v31 =	vsel vm4, s19, v31;
	s19 =	sshrl.u32 s28, $0x1F;
	v30 =	vsel vm5, s10, v30  }
0x316: {  	s10 =	sshra.s32 s6, $0x1F;
	v30 =	vsel vm11, s2, v30;
	s2 =	sshrl.u32 s6, $0x1F;
	s6 =	sld [smem:$0x7E3]  }
0x317: {  	v59 =	vnsel vm12, $0x0, v36;
	s9 =	smul.u32 $0x68DB8BAD, s1;
	s24 =	sshra.s32 s22, $0x1F;
	v35 =	vsel vm5, s26, v35;
	s26 =	sld [smem:$0x7E4]  }
0x318: {  	vm3 =	vcmask $0x1F1C;
	v33 =	vsel vm2, s20, v59;
	s1 =	sshra.s32 s8, $0xB;
	s20 =	smul.u32 $0x68DB8BAD, s24;
	s24 =	spop (v2sf);
	v30 =	vsel vm4, s4, v30  }
0x319: {  	vm0 =	vcmask $0x2724;
	(v2sf) =	vpush v32, $0xB;
	s18 =	sadd.s32 s11, s18;
	s4 =	sadd.s32 s25, s30;
	v30 =	vsel vm3, s14, v30;
	s14 =	sshra.s32 s8, $0x1F  }
0x31a: {  	s8 =	sshra.s32 s24, $0x1F;
	v60 =	vsel vm5, s6, v37;
	v30 =	vsel vm6, s29, v30;
	s29 =	spop (v2sf);
	s6 =	sshra.s32 s5, $0x1F;
	v61 =	vsel vm5, s26, v33  }
0x31b: {  	vm15 =	vmmov vm14;
	v30 =	vsel vm0, s12, v30;
	v33 =	vld [tilespmem:s17+$0x0];
	s26 =	smul.u32 $0x68DB8BAD, s8;
	s17 =	sld [smem:$0x7E5];
	v37 =	vsel vm4, s7, v61;
	s7 =	sshra.s32 s29, $0x1F  }
0x31c: {  	vm14 =	vmmov vm12;
	vm12 =	vcmask $0x2F2C;
	s12 =	sshra.s32 s28, $0xB;
	s8 =	sshra.s32 s5, $0xB;
	v30 =	vsel vm8, s3, v30;
	s3 =	smul.u32 $0x68DB8BAD, s7  }
0x31d: {  	(v2sf) =	vpush v32, $0x6;
	v37 =	vsel vm6, s13, v37;
	v30 =	vsel vm12, s10, v30;
	s13 =	sshrl.u32 s5, $0x1F;
	s5 =	sld [smem:$0x7E6];
	s10 =	smulhi.u32 $0x68DB8BAD, s24  }
0x31e: {  	vm7 =	vmmov vm8;
	s24 =	sld [smem:$0x7E7];
	v35 =	vsel vm4, s17, v35;
	s17 =	sshra.s32 s21, $0x1F;
	v30 =	vsel vm9, s1, v30;
	s1 =	smulhi.u32 $0x68DB8BAD, s22  }
0x31f: {  	v31 =	vcombine.low v38, v31;
	v37 =	vsel vm8, s2, v37;
	s2 =	spop (v2sf);
	v54 =	vmov s13;
	s13 =	sshrl.u32 s18, $0x1F;
	s18 =	sshra.s32 s18, $0xB  }
0x320: {  	vm8 =	vmmov vm9;
	v37 =	vsel vm9, s15, v37;
	vm9 =	vcmask $0x3B38;
	s22 =	sshra.s32 s2, $0x1F;
	s15 =	spop (v2sf);
	s2 =	smulhi.u32 $0x68DB8BAD, s2  }
0x321: {  	v36 =	vsel vm4, s23, v60;
	s7 =	sshra.s32 s5, $0xB;
	s0 =	sshra.s32 s5, $0x1F;
	v37 =	vsel vm9, s19, v37;
	(v2sf) =	vpush v33, $0xF;
	s19 =	smulhi.u32 $0x68DB8BAD, s29  }
0x322: {  	v35 =	vcombine.low v36, v35;
	v62 =	vsel vm13, s14, v30;
	s23 =	sshra.s32 s15, $0x1F;
	s14 =	smul.u32 $0x68DB8BAD, s22;
	s11 =	sshra.s32 s24, $0xB  }
0x323: {  	v31 =	vperm.xlane v31, v29;
	v30 =	vmul.u32 $0x2, v0;
	s22 =	sadd.s32 s9, s16;
	s25 =	spop (v2sf);
	s1 =	sadd.s32 s20, s1  }
0x324: {  	v36 =	vsel vm9, s12, v62;
	s20 =	sadd.s32 s26, s10;
	s15 =	smulhi.u32 $0x68DB8BAD, s15;
	s21 =	sshra.s32 s24, $0x1F;
	(v2sf) =	vpush v33, $0xB;
	v35 =	vperm.xlane v35, v29  }
0x325: {  	s26 =	sld [smem:$0x7E8];
	s9 =	smul.u32 $0x68DB8BAD, s23;
	v37 =	vperm.xlane v37, v30;
	v36 =	vperm.xlane v36, v30;
	s23 =	sshra.s32 s25, $0x1F;
	(v2sf) =	vpush v33, $0x6  }
0x326: {  	vm1 =	vmmov vm13;
	vm13 =	vmmov $0xff;
	s25 =	smulhi.u32 $0x68DB8BAD, s25;
	s28 =	sshra.s32 s22, $0xB;
	s29 =	sshrl.u32 s1, $0x1F;
	(v2sf) =	vpush v33, $0xE  }
0x327: {  	s30 =	sshra.s32 s1, $0xB;
	s31 =	sshrl.u32 s20, $0x1F;
	s23 =	smul.u32 $0x68DB8BAD, s23;
	v31 =	vsel vm13, v37, v31;
	v35 =	vsel vm13, v36, v35  }
0x328: {  	s10 =	sadd.s32 s3, s19;
	s3 =	spop (v2sf);
	s16 =	sadd.s32 s14, s2;
	v37 =	vadd.s32 v31, v35  }
0x329: {  	v43 =	vmov s13;
	s14 =	sshra.s32 s26, $0xB;
	s9 =	sadd.s32 s9, s15;
	s19 =	sshra.s32 s3, $0x1F;
	(v2sf) =	vpush v33, $0xA;
	v31 =	vmul.u32 $0xFFFFEC78, v37  }
0x32a: {  	v38 =	vnsel vm14, $0x0, v54;
	v43 =	vsel vm2, s29, v43;
	s2 =	sshra.s32 s26, $0x1F;
	s3 =	smulhi.u32 $0x68DB8BAD, s3;
	s12 =	sadd.s32 s23, s25;
	(v2sf) =	vpush v33, $0xD  }
0x32b: {  	s15 =	smul.u32 $0x68DB8BAD, s19;
	s19 =	sshrl.u32 s5, $0x1F;
	s23 =	sshrl.u32 s24, $0x1F;
	(v2sf) =	vpush v33, $0x9;
	v36 =	vadd.s32 v34, v31;
	v31 =	vmov s17  }
0x32c: {  	s24 =	sshra.s32 s4, $0xB;
	s5 =	sshrl.u32 s26, $0x1F;
	v38 =	vsel vm2, s19, v38;
	s25 =	spop (v2sf);
	(v2sf) =	vpush v33, $0x5;
	v31 =	vsel vm14, s8, v31  }
0x32d: {  	s15 =	sadd.s32 s15, s3;
	v38 =	vsel vm5, s23, v38;
	s26 =	sshra.s32 s25, $0x1F;
	s17 =	smulhi.u32 $0x68DB8BAD, s25;
	(v2sf) =	vpush v33, $0xC;
	v31 =	vsel vm10, s6, v31  }
0x32e: {  	s25 =	simm.s32 $0x8E20;
	v63 =	vmul.u32 $0xC, v36;
	s3 =	smul.u32 $0x68DB8BAD, s26;
	s26 =	sshrl.u32 s22, $0x1F;
	(v2sf) =	vpush v33, $0x8;
	v31 =	vsel vm2, s7, v31  }
0x32f: {  	v38 =	vsel vm4, s5, v38;
	s5 =	sshra.s32 s10, $0x1F;
	s8 =	sshra.s32 s4, $0x1F;
	v44 =	vmov s26;
	s26 =	simm.s32 $0x10;
	v31 =	vsel vm15, s0, v31  }
0x330: {  	v39 =	vor.u32 $0x2, v63;
	(v2sf) =	vpush v33, $0x4;
	s17 =	sadd.s32 s3, s17;
	s3 =	sshrl.u32 s16, $0x1F;
	v31 =	vsel vm5, s11, v31;
	s0 =	spop (v2sf)  }
0x331: {  	(v2sf) =	vpush v33, $0x3;
	v56 =	vsel vm5, s3, v43;
	s3 =	sshrl.u32 s10, $0x1F;
	v31 =	vsel vm11, s21, v31;
	s21 =	smulhi.u32 $0x68DB8BAD, s0;
	s0 =	sshra.s32 s0, $0x1F  }
0x332: {  	v40 =	vor.u32 $0x3, v63;
	s29 =	sshrl.u32 s17, $0x1F;
	s11 =	sshra.s32 s20, $0xB;
	s13 =	smul.u32 $0x68DB8BAD, s0  }
0x333: {  	v42 =	vadd.s32 $0xB, v63;
	v31 =	vsel vm4, s14, v31;
	s14 =	sshrl.u32 s4, $0x1F;
	[smem:$0x7EA] =	sst s21;
	s21 =	spop (v2sf)  }
0x334: {  	v46 =	vmov s28;
	v38 =	vsel vm6, s14, v38;
	s14 =	simm.s32 $0x8D80;
	s22 =	smulhi.u32 $0x68DB8BAD, s21;
	s1 =	spop (v2sf)  }
0x335: {  	v46 =	vsel vm2, s11, v46;
	v31 =	vsel vm3, s2, v31;
	s11 =	sshra.s32 s21, $0x1F;
	s23 =	smulhi.u32 $0x68DB8BAD, s1;
	s2 =	spop (v2sf)  }
0x336: {  	v41 =	vadd.s32 $0xA, v63;
	v31 =	vsel vm6, s24, v31;
	s24 =	sshra.s32 s10, $0xB;
	v39 =	vld.idx.msk [tilespmem:v39+s25+$0x0], $0xffff;
	s11 =	smul.u32 $0x68DB8BAD, s11;
	[smem:$0x7EB] =	sst s22  }
0x337: {  	s1 =	sshra.s32 s1, $0x1F;
	s22 =	sshra.s32 s16, $0xB;
	s6 =	smulhi.u32 $0x68DB8BAD, s2;
	v40 =	vld.idx.msk [tilespmem:v40+s25+$0x0], $0xffff  }
0x338: {  	v47 =	vor.u32 s26, v0;
	(v2sf) =	vpush v33, $0x2;
	s20 =	spop (v2sf);
	s26 =	sshra.s32 s2, $0x1F;
	s2 =	smul.u32 $0x68DB8BAD, s1;
	v42 =	vld.idx.msk [tilespmem:v42+s25+$0x0], $0xffff  }
0x339: {  	v45 =	vmov s18;
	v44 =	vsel vm2, s31, v44;
	s16 =	sshrl.u32 s9, $0x1F;
	s7 =	smulhi.u32 $0x68DB8BAD, s20;
	s19 =	spop (v2sf)  }
0x33a: {  	v38 =	vsel vm7, s3, v38;
	s3 =	sshra.s32 s17, $0x1F;
	v31 =	vsel vm0, s8, v31;
	v57 =	vsel vm5, s16, v44;
	s16 =	smul.u32 $0x68DB8BAD, s26;
	s18 =	spop (v2sf)  }
0x33b: {  	v45 =	vsel vm2, s30, v45;
	v48 =	vor.u32 $0x1, v63;
	v31 =	vsel vm7, s24, v31;
	s24 =	sshra.s32 s9, $0xB;
	v41 =	vld.idx.msk [tilespmem:v41+s25+$0x0], $0xffff;
	s8 =	smulhi.u32 $0x68DB8BAD, s19;
	s21 =	spop (v2sf)  }
0x33c: {  	v58 =	vadd.s32 $0x8, v63;
	v59 =	vadd.s32 $0x9, v63;
	v55 =	vsel vm12, s5, v31;
	s5 =	sshrl.u32 s12, $0x1F;
	s4 =	smulhi.u32 $0x68DB8BAD, s18;
	s26 =	spop (v2sf)  }
0x33d: {  	(v2sf) =	vpush v33, $0x1;
	s9 =	smulhi.u32 $0x68DB8BAD, s21;
	s28 =	spop (v2sf);
	v31 =	vmul.f32 v42, v40;
	v40 =	vsel vm4, s5, v56;
	s5 =	sshra.s32 s20, $0x1F  }
0x33e: {  	v50 =	vadd.s32 $0x6, v63;
	v51 =	vadd.s32 $0x7, v63;
	s1 =	sshra.s32 s12, $0xB;
	(v2sf) =	vpush v33, $0x0;
	s20 =	smul.u32 $0x68DB8BAD, s5;
	s5 =	sld [smem:$0x7E9]  }
0x33f: {  	v46 =	vsel vm5, s24, v46;
	s12 =	sshra.s32 s17, $0xB;
	v60 =	vsel vm5, s22, v45;
	(v2sf) =	vpush v33, $0x7;
	s10 =	smulhi.u32 $0x68DB8BAD, s28;
	s22 =	spop (v2sf)  }
0x340: {  	s0 =	sshrl.u32 s15, $0x1F;
	v39 =	vmul.f32 v41, v39;
	v41 =	vsel vm8, s12, v55;
	s12 =	smulhi.u32 $0x68DB8BAD, s22;
	s24 =	spop (v2sf);
	v49 =	vmul.f32 $1.442695020e+00, v31  }
0x341: {  	v62 =	vadd.s32 $0x4, v63;
	v27 =	vmul.u32 $0x6, v47;
	v38 =	vsel vm8, s29, v38;
	v31 =	vld [tilespmem:s14+$0xFFFFFFF0];
	s14 =	sshra.s32 s15, $0xB;
	s15 =	smulhi.u32 $0x68DB8BAD, s26;
	s17 =	sshrl.u32 s5, $0x1F  }
0x342: {  	vm10 =	vlt.u32 v47, $0xC8;
	v61 =	vld.idx.msk [tilespmem:v63+s25+$0x0], $0xffff;
	v42 =	vsel vm4, s0, v57;
	s0 =	smulhi.u32 $0x68DB8BAD, s24;
	v38 =	vsel vm9, s17, v38;
	s17 =	sshra.s32 s5, $0xB;
	s5 =	sshra.s32 s19, $0x1F  }
0x343: {  	vm11 =	vmmov vm12;
	vm0 =	vlt.s32 v32, $0x1;
	v48 =	vld.idx.msk [tilespmem:v48+s25+$0x0], $0xffff;
	v41 =	vsel vm1, s3, v41;
	s19 =	sshra.s32 s18, $0x1F;
	s3 =	smul.u32 $0x68DB8BAD, s5  }
0x344: {  	vm6 =	vne.s32 v36, $0x0;
	vm3 =	vmmov vm0;
	vm0 =	vlt.s32 v34, $0x1;
	v43 =	vld.idx.msk [tilespmem:v58+s25+$0x0], $0xffff;
	s21 =	sshra.s32 s21, $0x1F;
	s18 =	smul.u32 $0x68DB8BAD, s19  }
0x345: {  	v54 =	vor.u32 $0x1, v27;
	vm0 =	vmand vm0, vm6;
	v44 =	vld.idx.msk [tilespmem:v59+s25+$0x0], $0xffff;
	v39 =	vmul.f32 $1.442695020e+00, v39;
	s26 =	sshra.s32 s26, $0x1F;
	s19 =	smul.u32 $0x68DB8BAD, s21  }
0x346: {  	vm6 =	vcmask $0x2320;
	vm12 =	vcmask $0x704;
	v50 =	vld.idx.msk [tilespmem:v50+s25+$0x0], $0xffff;
	v59 =	vsel vm0, $0xFFFFFFFF, v1;
	s21 =	smul.u32 $0x68DB8BAD, s26;
	s5 =	sshra.s32 s28, $0x1F  }
0x347: {  	v37 =	vadd.s32 v59, v37;
	(erf) = vpow2.f32 v39;
	v39 =	vsel vm4, s1, v60;
	s1 =	spop (v2sf);
	s26 =	sshra.s32 s22, $0x1F;
	s30 =	smul.u32 $0x68DB8BAD, s5  }
0x348: {  	v63 =	vadd.s32 $0x5, v63;
	vm0 =	vcmask $0xF0C;
	v37 =	vadd.s32 $0x1, v37;
	s5 =	sshra.s32 s24, $0x1F;
	s24 =	smul.u32 $0x68DB8BAD, s26;
	s26 =	sld [smem:$0x7EA]  }
0x349: {  	v51 =	vld.idx.msk [tilespmem:v51+s25+$0x0], $0xffff;
	v43 =	vmul.f32 v43, v61;
	v46 =	vsel vm4, s14, v46;
	(erf) = vpow2.f32 v49;
	s14 =	smulhi.u32 $0x68DB8BAD, s1  }
0x34a: {  	v44 =	vmul.f32 v44, v48;
	v40 =	vcombine.low v42, v40;
	s1 =	sshra.s32 s1, $0x1F;
	v52 =	vsel vm9, s17, v41;
	s17 =	smul.u32 $0x68DB8BAD, s5  }
0x34b: {  	v56 =	vadd.s32 $0x2, v27;
	v43 =	vmul.f32 v43, v50;
	v39 =	vcombine.low v46, v39;
	s5 =	sadd.s32 s13, s26;
	s26 =	smul.u32 $0x68DB8BAD, s1  }
0x34c: {  	v40 =	vperm.xlane v40, v29;
	v49 =	vld.idx.msk [tilespmem:v62+s25+$0x0], $0xffff;
	[tilespmem:$0x1FFB0] =	vst v54;
	v38 =	vperm.xlane v38, v30;
	(v2sf) =	vpush v31, $0x7;
	s1 =	sld [smem:$0x7EB];
	s22 =	spop (v2sf)  }
0x34d: {  	s7 =	sadd.s32 s20, s7;
	[tilespmem:$0x1FFC0] =	vst v56;
	v60 =	vperm.xlane v52, v30;
	v39 =	vperm.xlane v39, v29;
	(v2sf) =	vpush v31, $0x0;
	s13 =	smulhi.u32 $0x68DB8BAD, s22;
	s22 =	sshra.s32 s22, $0x1F  }
0x34e: {  	v44 =	vmul.f32 v44, v51;
	v58 =	vld.idx.msk [tilespmem:v63+s25+$0x0], $0xffff;
	v63 =	vadd.s32 $0x3, v27;
	s3 =	sadd.s32 s3, s8;
	(v2sf) =	vpush v31, $0x1;
	s28 =	spop (v2sf);
	s22 =	smul.u32 $0x68DB8BAD, s22  }
0x34f: {  	v38 =	vsel vm13, v38, v40;
	v39 =	vsel vm13, v60, v39;
	(v2sf) =	vpush v31, $0x2;
	s1 =	sadd.s32 s11, s1;
	s29 =	spop (v2sf);
	s20 =	smulhi.u32 $0x68DB8BAD, s28  }
0x350: {  	vm15 =	vlt.s32 v31, $0x1;
	v39 =	vadd.s32 v38, v39;
	(v2sf) =	vpush v31, $0x3;
	s11 =	sadd.s32 s16, s6;
	s8 =	sshra.s32 s28, $0x1F;
	s16 =	smulhi.u32 $0x68DB8BAD, s29  }
0x351: {  	s15 =	sadd.s32 s21, s15;
	v40 =	vcvt.s32.f32 v37;
	v62 =	vmul.u32 $0xFFFFEC78, v39;
	(v2sf) =	vpush v31, $0x4;
	v55 =	vpop (erf);
	s6 =	sshra.s32 s29, $0x1F;
	s28 =	smul.u32 $0x68DB8BAD, s8  }
0x352: {  	s18 =	sadd.s32 s18, s4;
	v60 =	vadd.s32 $0x4, v27;
	v41 =	vadd.f32 v43, v49;
	(v2sf) =	vpush v31, $0xC;
	v57 =	vpop (erf);
	s8 =	sadd.s32 s24, s12;
	s21 =	smul.u32 $0x68DB8BAD, s6  }
0x353: {  	v49 =	vadd.s32 v32, v62;
	v45 =	vmul.f32 v55, v50;
	s12 =	sadd.s32 s26, s14;
	v47 =	vmul.f32 v57, v51;
	s6 =	sadd.s32 s19, s9;
	s9 =	sadd.s32 s30, s10  }
0x354: {  	v44 =	vadd.f32 v44, v58;
	(v2sf) =	vpush v31, $0x8;
	v32 =	vmul.u32 $0xC, v49;
	s13 =	sadd.s32 s22, s13;
	s10 =	sadd.s32 s28, s20;
	s4 =	sadd.s32 s21, s16  }
0x355: {  	(v2sf) =	vpush v31, $0xD;
	v43 =	vmul.f32 $5.000000000e-01, v45;
	s24 =	sshrl.u32 s9, $0x1F;
	s9 =	sshra.s32 s9, $0xB;
	v45 =	vmul.f32 $5.000000000e-01, v47;
	s20 =	sshra.s32 s4, $0x1F  }
0x356: {  	s21 =	sshrl.u32 s15, $0x1F;
	s22 =	sshra.s32 s10, $0xB;
	s15 =	sshra.s32 s15, $0xB;
	v36 =	vmov s24;
	v57 =	vmov s9;
	v34 =	vmov s20  }
0x357: {  	s19 =	sshrl.u32 s3, $0x1F;
	s26 =	sshra.s32 s10, $0x1F;
	s10 =	sshrl.u32 s10, $0x1F;
	v35 =	vmov s21;
	v37 =	vmov s15;
	v42 =	vsel vm14, s22, v34  }
0x358: {  	s0 =	sadd.s32 s17, s0;
	s3 =	sshra.s32 s3, $0xB;
	s16 =	sshra.s32 s13, $0xB;
	v56 =	vmov s10;
	v46 =	vsel vm2, s19, v35;
	v42 =	vsel vm12, s26, v42  }
0x359: {  	s14 =	sshra.s32 s11, $0xB;
	s21 =	sshra.s32 s13, $0x1F;
	s20 =	sshrl.u32 s18, $0x1F;
	v50 =	vsel vm2, s3, v37;
	v51 =	vnsel vm14, $0x0, v56;
	v42 =	vsel vm2, s16, v42  }
0x35a: {  	s24 =	sshra.s32 s12, $0xB;
	s9 =	sshra.s32 s12, $0x1F;
	v47 =	vsel vm2, s20, v36;
	s22 =	sshra.s32 s18, $0xB;
	v50 =	vsel vm5, s14, v50;
	v42 =	vsel vm0, s21, v42  }
0x35b: {  	s10 =	sshrl.u32 s7, $0x1F;
	s18 =	sshrl.u32 s5, $0x1F;
	s5 =	sshra.s32 s5, $0xB;
	v52 =	vsel vm2, s22, v57;
	vm0 =	vcmask $0x1714;
	v42 =	vsel vm5, s24, v42  }
0x35c: {  	s15 =	sshra.s32 s0, $0xB;
	s26 =	sshrl.u32 s11, $0x1F;
	v47 =	vsel vm5, s10, v47;
	v50 =	vsel vm4, s5, v50;
	v42 =	vsel vm0, s9, v42  }
0x35d: {  	s17 =	sshra.s32 s0, $0x1F;
	s7 =	sshra.s32 s7, $0xB;
	s19 =	sshrl.u32 s1, $0x1F;
	v46 =	vsel vm5, s26, v46;
	vm0 =	vcmask $0x1F1C;
	v42 =	vsel vm4, s15, v42  }
0x35e: {  	s20 =	sshra.s32 s8, $0xB;
	s16 =	sshrl.u32 s13, $0x1F;
	v52 =	vsel vm5, s7, v52;
	v47 =	vsel vm4, s19, v47;
	v42 =	vsel vm0, s17, v42  }
0x35f: {  	s22 =	sshra.s32 s8, $0x1F;
	v51 =	vsel vm2, s16, v51;
	s21 =	sshrl.u32 s12, $0x1F;
	vm0 =	vcmask $0x2724;
	v42 =	vsel vm6, s20, v42  }
0x360: {  	s0 =	sshrl.u32 s0, $0x1F;
	s1 =	sshra.s32 s1, $0xB;
	v46 =	vsel vm4, s18, v46;
	v51 =	vsel vm5, s21, v51;
	s24 =	sshra.s32 s6, $0xB;
	v42 =	vsel vm0, s22, v42  }
0x361: {  	s2 =	sadd.s32 s2, s23;
	s5 =	sshra.s32 s6, $0x1F;
	s26 =	sshrl.u32 s8, $0x1F;
	v52 =	vsel vm4, s1, v52;
	v51 =	vsel vm4, s0, v51;
	v42 =	vsel vm7, s24, v42  }
0x362: {  	s7 =	sshrl.u32 s6, $0x1F;
	s8 =	sshra.s32 s2, $0xB;
	v46 =	vcombine.low v47, v46;
	v58 =	vsel vm6, s26, v51;
	v42 =	vsel vm11, s5, v42  }
0x363: {  	s10 =	sshra.s32 s2, $0x1F;
	v50 =	vcombine.low v52, v50;
	s9 =	sshrl.u32 s2, $0x1F;
	v47 =	vsel vm7, s7, v58;
	v42 =	vsel vm8, s8, v42  }
0x364: {  	s13 =	sshra.s32 s4, $0xB;
	s12 =	sshrl.u32 s4, $0x1F;
	v46 =	vperm.xlane v46, v29;
	v47 =	vsel vm8, s9, v47;
	v42 =	vsel vm1, s10, v42  }
0x365: {  	v50 =	vperm.xlane v50, v29;
	v47 =	vsel vm9, s12, v47;
	v59 =	vsel vm9, s13, v42  }
0x366: {  	(v2sf) =	vpush v31, $0x9;
	v47 =	vperm.xlane v47, v30;
	v51 =	vperm.xlane v59, v30  }
0x367: {  	v62 =	vor.u32 $0x2, v32;
	v53 =	vor.u32 $0x3, v32;
	v54 =	vor.u32 $0x1, v32  }
0x368: {  	[tilespmem:$0x1FFD0] =	vst v63;
	v61 =	vsub.f32 v41, v43;
	s11 =	spop (v2sf);
	v46 =	vsel vm13, v47, v46;
	v63 =	vsel vm13, v51, v50  }
0x369: {  	v43 =	vadd.f32 v43, v41;
	v48 =	vsub.f32 v44, v45;
	s14 =	spop (v2sf);
	s17 =	sshra.s32 s11, $0x1F;
	v47 =	vadd.s32 v46, v63  }
0x36a: {  	v35 =	vadd.s32 $0xB, v32;
	v34 =	vadd.s32 $0xA, v32;
	s15 =	spop (v2sf);
	s19 =	smul.u32 $0x68DB8BAD, s17;
	v36 =	vmul.u32 $0xFFFFEC78, v47  }
0x36b: {  	[tilespmem:$0x1FFE0] =	vst v60;
	v41 =	vmovc v27;
	v38 =	vmul.f32 $5.120000000e+02, v61;
	v61 =	vadd.s32 $0x5, v27;
	v27 =	vimm.s32 $0x0;
	s7 =	spop (v2sf);
	s9 =	smulhi.u32 $0x68DB8BAD, s15  }
0x36c: {  	v44 =	vadd.f32 v45, v44;
	[tilespmem:$0x1FFF0] =	vst v61;
	v27 =	vsel vm13, $0xFFFFFFFF, v27;
	s18 =	sshra.s32 s14, $0x1F;
	s21 =	sshra.s32 s7, $0x1F;
	s7 =	smulhi.u32 $0x68DB8BAD, s7;
	v51 =	vadd.s32 v33, v36  }
0x36d: {  	v37 =	vadd.s32 $0x8, v32;
	v45 =	vmul.f32 $5.120000000e+02, v43;
	[tilespmem:$0x1FF90] =	vst v27;
	s6 =	spop (v2sf);
	s12 =	smul.u32 $0x68DB8BAD, s18;
	v52 =	vmul.u32 $0xC, v51  }
0x36e: {  	v27 =	vimm.s32 $0x0;
	v56 =	vld.idx.msk [tilespmem:v62+s25+$0x0], $0xffff;
	(v2sf) =	vpush v31, $0x5;
	vm0 =	vne.s32 v49, $0x0;
	s22 =	sshra.s32 s6, $0x1F;
	s6 =	smulhi.u32 $0x68DB8BAD, s6  }
0x36f: {  	(v2sf) =	vpush v31, $0xE;
	s24 =	smul.u32 $0x68DB8BAD, s21;
	vm11 =	vmand vm3, vm0;
	v59 =	vld.idx.msk [tilespmem:v34+s25+$0x0], $0xffff;
	v60 =	vor.u32 $0x2, v52  }
0x370: {  	s16 =	simm.s32 $0x0;
	s3 =	spop (v2sf);
	s22 =	smul.u32 $0x68DB8BAD, s22;
	vm0 =	vmmov vm15;
	v46 =	vmul.f32 $5.120000000e+02, v48;
	v48 =	vld.idx.msk [tilespmem:v35+s25+$0x0], $0xffff;
	v35 =	vadd.s32 $0xA, v52  }
0x371: {  	v57 =	vadd.s32 $0x9, v32;
	v55 =	vld.idx.msk [tilespmem:v32+s25+$0x0], $0xffff;
	s2 =	simm.s32 $0x8C90;
	(v2sf) =	vpush v31, $0xA;
	s18 =	sshra.s32 s3, $0x1F;
	s3 =	smulhi.u32 $0x68DB8BAD, s3;
	v27 =	vsel vm0, $0xFFFFFFFF, v27  }
0x372: {  	v61 =	vadd.s32 $0x6, v32;
	v53 =	vld.idx.msk [tilespmem:v53+s25+$0x0], $0xffff;
	s26 =	simm.s32 $0x8DA0;
	v58 =	vor.u32 s16, v0;
	s4 =	spop (v2sf);
	(v2sf) =	vpush v31, $0xF;
	s8 =	smulhi.u32 $0x68DB8BAD, s11;
	[tilespmem:$0x1FFA0] =	vst v27  }
0x373: {  	s20 =	sshra.s32 s15, $0x1F;
	s5 =	spop (v2sf);
	s11 =	smulhi.u32 $0x68DB8BAD, s14;
	v50 =	vadd.s32 $0x5, v32;
	v63 =	vadd.s32 $0x7, v32;
	v36 =	vadd.s32 $0x4, v32;
	v32 =	vld [tilespmem:s26+$0x0]  }
0x374: {  	(v2sf) =	vpush v31, $0xB;
	s0 =	spop (v2sf);
	s14 =	smul.u32 $0x68DB8BAD, s20;
	s7 =	sadd.s32 s24, s7;
	v56 =	vmul.f32 v59, v56;
	v62 =	vor.u32 $0x3, v52;
	v59 =	vld.idx.msk [tilespmem:v60+s25+$0x0], $0xffff  }
0x375: {  	v43 =	vmul.u32 $0x6, v58;
	(v2sf) =	vpush v31, $0x6;
	vm0 =	vlt.s32 v33, $0x1;
	s24 =	smul.u32 $0x68DB8BAD, s18;
	s6 =	sadd.s32 s22, s6;
	s1 =	spop (v2sf);
	v35 =	vld.idx.msk [tilespmem:v35+s25+$0x0], $0xffff  }
0x376: {  	s10 =	sshra.s32 s4, $0x1F;
	s17 =	sadd.s32 s19, s8;
	s11 =	sadd.s32 s12, s11;
	v27 =	vsel vm11, $0xFFFFFFFF, v1;
	v54 =	vld.idx.msk [tilespmem:v54+s25+$0x0], $0xffff;
	vm1 =	vne.s32 v51, $0x0;
	v34 =	vadd.s32 $0xB, v52  }
0x377: {  	s20 =	sshra.s32 s11, $0xB;
	s21 =	sshra.s32 s11, $0x1F;
	s11 =	sshrl.u32 s11, $0x1F;
	v49 =	vld.idx.msk [tilespmem:v37+s25+$0x0], $0xffff;
	v42 =	vadd.s32 v27, v39;
	v48 =	vmul.f32 v48, v53;
	vm3 =	vmand vm0, vm1  }
0x378: {  	s13 =	sshra.s32 s5, $0x1F;
	s3 =	sadd.s32 s24, s3;
	s24 =	smulhi.u32 $0x68DB8BAD, s4;
	v57 =	vld.idx.msk [tilespmem:v57+s25+$0x0], $0xffff;
	vm1 =	vlt.u32 v58, $0xC8;
	v58 =	vmov s11;
	vm0 =	vcmask $0xF0C  }
0x379: {  	s8 =	sshra.s32 s0, $0x1F;
	s0 =	smulhi.u32 $0x68DB8BAD, s0;
	s23 =	sshra.s32 s17, $0x1F;
	v48 =	vmul.f32 $1.442695020e+00, v48;
	(v2sf) =	vpush v32, $0xF;
	v53 =	vld.idx.msk [tilespmem:v62+s25+$0x0], $0xffff;
	v62 =	vmul.f32 $1.442695020e+00, v56  }
0x37a: {  	s9 =	sadd.s32 s14, s9;
	s15 =	sshra.s32 s1, $0x1F;
	s1 =	smulhi.u32 $0x68DB8BAD, s1;
	(v2sf) =	vpush v32, $0xB;
	v60 =	vmov s23;
	v35 =	vmul.f32 v35, v59  }
0x37b: {  	s22 =	sshra.s32 s7, $0x1F;
	s19 =	sshra.s32 s9, $0x1F;
	s13 =	smul.u32 $0x68DB8BAD, s13;
	v34 =	vld.idx.msk [tilespmem:v34+s25+$0x0], $0xffff;
	v27 =	vsel vm14, s20, v60;
	(erf) = vpow2.f32 v62;
	v62 =	vadd.s32 $0x8, v52  }
0x37c: {  	v51 =	vmul.f32 v49, v55;
	s23 =	sshra.s32 s9, $0xB;
	s20 =	sshrl.u32 s9, $0x1F;
	s9 =	smul.u32 $0x68DB8BAD, s15;
	v27 =	vsel vm12, s21, v27;
	v35 =	vmul.f32 $1.442695020e+00, v35  }
0x37d: {  	s18 =	sshrl.u32 s7, $0x1F;
	v39 =	vmul.f32 v57, v54;
	v49 =	vld.idx.msk [tilespmem:v63+s25+$0x0], $0xffff;
	s21 =	sshra.s32 s7, $0xB;
	s7 =	smulhi.u32 $0x68DB8BAD, s5;
	v27 =	vsel vm2, s23, v27;
	(erf) = vpow2.f32 v48  }
0x37e: {  	s16 =	sshra.s32 s6, $0xB;
	v57 =	vadd.s32 $0x6, v52;
	v36 =	vld.idx.msk [tilespmem:v36+s25+$0x0], $0xffff;
	s5 =	sshrl.u32 s6, $0x1F;
	s23 =	smul.u32 $0x68DB8BAD, s10;
	v27 =	vsel vm0, s19, v27;
	(erf) = vpow2.f32 v35  }
0x37f: {  	v60 =	vnsel vm14, $0x0, v58;
	v48 =	vld.idx.msk [tilespmem:v61+s25+$0x0], $0xffff;
	s10 =	smul.u32 $0x68DB8BAD, s8;
	s19 =	sshra.s32 s6, $0x1F;
	vm0 =	vcmask $0x1714;
	s13 =	sadd.s32 s13, s7;
	v27 =	vsel vm5, s21, v27  }
0x380: {  	v61 =	vor.u32 $0x1, v52;
	s21 =	sshra.s32 s3, $0xB;
	v34 =	vmul.f32 v34, v53;
	s12 =	sadd.s32 s23, s24;
	v27 =	vsel vm0, s22, v27;
	s22 =	spop (v2sf);
	v53 =	vld.idx.msk [tilespmem:v62+s25+$0x0], $0xffff  }
0x381: {  	v58 =	vadd.s32 $0x7, v52;
	v33 =	vsel vm2, s20, v60;
	s11 =	sshra.s32 s22, $0x1F;
	s15 =	spop (v2sf);
	s22 =	smulhi.u32 $0x68DB8BAD, s22;
	v35 =	vld.idx.msk [tilespmem:v52+s25+$0x0], $0xffff  }
0x382: {  	v55 =	vsel vm5, s18, v33;
	v59 =	vadd.s32 $0x4, v52;
	s10 =	sadd.s32 s10, s0;
	(v2sf) =	vpush v32, $0x6;
	s11 =	smul.u32 $0x68DB8BAD, s11;
	s14 =	spop (v2sf)  }
0x383: {  	v57 =	vld.idx.msk [tilespmem:v57+s25+$0x0], $0xffff;
	vm0 =	vcmask $0x1F1C;
	v34 =	vmul.f32 $1.442695020e+00, v34;
	v27 =	vsel vm4, s16, v27;
	s23 =	sshra.s32 s15, $0x1F;
	s15 =	smulhi.u32 $0x68DB8BAD, s15;
	s24 =	sshra.s32 s14, $0x1F  }
0x384: {  	v37 =	vmul.f32 v51, v48;
	v27 =	vsel vm0, s19, v27;
	s6 =	spop (v2sf);
	s19 =	smul.u32 $0x68DB8BAD, s23;
	s23 =	sshrl.u32 s12, $0x1F  }
0x385: {  	v63 =	vadd.s32 $0x9, v52;
	v54 =	vld.idx.msk [tilespmem:v61+s25+$0x0], $0xffff;
	v61 =	vmul.f32 v39, v49;
	s12 =	sshra.s32 s12, $0xB;
	s14 =	smulhi.u32 $0x68DB8BAD, s14;
	(erf) = vpow2.f32 v34;
	s8 =	spop (v2sf);
	v56 =	vpop (erf)  }
0x386: {  	s16 =	sshra.s32 s6, $0x1F;
	s24 =	smul.u32 $0x68DB8BAD, s24;
	v39 =	vadd.f32 v37, v36;
	v34 =	vld.idx.msk [tilespmem:v58+s25+$0x0], $0xffff;
	v37 =	vsel vm4, s5, v55;
	s5 =	sadd.s32 s9, s1;
	v55 =	vpop (erf);
	v35 =	vmul.f32 v53, v35  }
0x387: {  	v52 =	vadd.s32 $0x5, v52;
	s9 =	sshrl.u32 s10, $0x1F;
	v58 =	vld.idx.msk [tilespmem:v59+s25+$0x0], $0xffff;
	v59 =	vmov s12;
	s12 =	simm.s32 $0x30;
	s7 =	spop (v2sf);
	v36 =	vpop (erf)  }
0x388: {  	s15 =	sadd.s32 s19, s15;
	s19 =	smulhi.u32 $0x68DB8BAD, s6;
	s6 =	spop (v2sf);
	v35 =	vmul.f32 v35, v57;
	v57 =	vmul.f32 v36, v57;
	v36 =	vsel vm3, $0xFFFFFFFF, v1  }
0x389: {  	s0 =	sadd.s32 s11, s22;
	s14 =	sadd.s32 s24, s14;
	v53 =	vmov s23;
	v47 =	vadd.s32 v36, v47;
	v36 =	vor.u32 s12, v0;
	s12 =	spop (v2sf)  }
0x38a: {  	v60 =	vld.idx.msk [tilespmem:v63+s25+$0x0], $0xffff;
	s22 =	sshrl.u32 s14, $0x1F;
	v53 =	vsel vm2, s9, v53;
	s9 =	sshra.s32 s14, $0xB;
	s14 =	smulhi.u32 $0x68DB8BAD, s12  }
0x38b: {  	s4 =	sshra.s32 s3, $0x1F;
	v62 =	vld [tilespmem:s2+$0x0];
	vm0 =	vcmask $0x2724;
	v27 =	vsel vm6, s21, v27;
	s21 =	sshrl.u32 s13, $0x1F;
	s13 =	sshra.s32 s13, $0xB  }
0x38c: {  	s28 =	simm.s32 $0x17880;
	(v2sf) =	vpush v32, $0xE;
	v27 =	vsel vm0, s4, v27;
	v63 =	vmov s13;
	s23 =	sshra.s32 s0, $0xB;
	v52 =	vld.idx.msk [tilespmem:v52+s25+$0x0], $0xffff;
	[dreg:$0xe] =	wrdreg s14  }
0x38d: {  	vm0 =	vcmask $0x2F2C;
	s13 =	sshra.s32 s0, $0x1F;
	v27 =	vsel vm7, s23, v27;
	v35 =	vadd.f32 v35, v58;
	[tilespmem:v41+s28+$0x0] =	vst.idx.msk vm10, v40  }
0x38e: {  	vm11 =	vlt.u32 v36, $0xC8;
	v58 =	vmul.u32 $0x6, v36;
	v36 =	vsel vm0, s13, v27;
	v27 =	vld [tilespmem:$0x1FFB0];
	_ =	sdelay $0x2  }
0x38f: {  	s4 =	sshrl.u32 s5, $0x1F;
	s18 =	sshra.s32 s7, $0x1F  }
0x390: {  	s11 =	smul.u32 $0x68DB8BAD, s18;
	s18 =	sshra.s32 s5, $0xB;
	s5 =	spop (v2sf)  }
0x391: {  	s24 =	smulhi.u32 $0x68DB8BAD, s5;
	_ =	sdelay $0x1  }
0x392: {  	(v2sf) =	vpush v32, $0xA;
	[dreg:$0xc] =	wrdreg s24  }
0x393: {  	[tilespmem:v27+s28+$0x0] =	vst.idx.msk vm10, v62  }
0x394: {  	v27 =	vld [tilespmem:$0x1FFC0];
	_ =	sdelay $0x2  }
0x395: {  	s10 =	sshra.s32 s10, $0xB  }
0x396: {  	v54 =	vmul.f32 v60, v54;
	v60 =	vmov s21;
	s21 =	smulhi.u32 $0x68DB8BAD, s8;
	v40 =	vsel vm2, s10, v59;
	s10 =	spop (v2sf)  }
0x397: {  	(v2sf) =	vpush v32, $0xD;
	s20 =	sshra.s32 s8, $0x1F;
	s8 =	smulhi.u32 $0x68DB8BAD, s10;
	_ =	sdelay $0x1  }
0x398: {  	(v2sf) =	vpush v32, $0x9;
	[dreg:$0xf] =	wrdreg s8  }
0x399: {  	[tilespmem:v27+s28+$0x0] =	vst.idx.msk vm10, v38  }
0x39a: {  	v27 =	vld [tilespmem:$0x1FFD0];
	_ =	sdelay $0x2  }
0x39b: {  	s7 =	smulhi.u32 $0x68DB8BAD, s7  }
0x39c: {  	s13 =	spop (v2sf)  }
0x39d: {  	v60 =	vsel vm2, s4, v60;
	s4 =	sadd.s32 s11, s7;
	s11 =	smulhi.u32 $0x68DB8BAD, s13  }
0x39e: {  	(v2sf) =	vpush v32, $0x5  }
0x39f: {  	v38 =	vld.idx.msk [tilespmem:v50+s25+$0x0], $0xffff;
	[dreg:$0x11] =	wrdreg s11  }
0x3a0: {  	s1 =	smul.u32 $0x68DB8BAD, s20;
	s20 =	sshrl.u32 s15, $0x1F;
	s15 =	sshra.s32 s15, $0xB;
	[tilespmem:v27+s28+$0x0] =	vst.idx.msk vm10, v46  }
0x3a1: {  	(v2sf) =	vpush v32, $0xC;
	v46 =	vsel vm5, s15, v40;
	v40 =	vld [tilespmem:$0x1FFE0];
	_ =	sdelay $0x1  }
0x3a2: {  	s16 =	smul.u32 $0x68DB8BAD, s16;
	(v2sf) =	vpush v32, $0x8;
	s24 =	spop (v2sf)  }
0x3a3: {  	s3 =	sshrl.u32 s3, $0x1F;
	v59 =	vsel vm2, s18, v63;
	s18 =	smulhi.u32 $0x68DB8BAD, s24  }
0x3a4: {  	(v2sf) =	vpush v32, $0x4;
	v54 =	vmul.f32 v54, v34;
	v33 =	vpop (erf);
	s14 =	sadd.s32 s16, s19;
	s16 =	simm.s32 $0x8CB0;
	s8 =	spop (v2sf)  }
0x3a5: {  	v34 =	vmul.f32 v33, v34;
	v50 =	vsel vm5, s20, v53;
	v53 =	vsel vm5, s22, v60;
	s20 =	simm.s32 $0x8DA0;
	s22 =	smulhi.u32 $0x68DB8BAD, s8;
	[dreg:$0x13] =	wrdreg s18  }
0x3a6: {  	(v2sf) =	vpush v32, $0x3;
	v33 =	vadd.s32 $0x1, v47;
	v47 =	vsel vm6, s3, v37;
	v37 =	vld [tilespmem:s16+$0x0];
	[dreg:$0x9] =	wrdreg s20  }
0x3a7: {  	v27 =	vmul.f32 $5.000000000e-01, v34;
	v34 =	vld [tilespmem:s26+$0xFFFFFFF0];
	[dreg:$0x12] =	wrdreg s22  }
0x3a8: {  	(v2sf) =	vpush v32, $0x2;
	[tilespmem:v40+s28+$0x0] =	vst.idx.msk vm10, v45  }
0x3a9: {  	v63 =	vadd.f32 v54, v52;
	v54 =	vsel vm5, s9, v59;
	v59 =	vld [tilespmem:$0x1FFF0];
	_ =	sdelay $0x2  }
0x3aa: {  	s7 =	spop (v2sf)  }
0x3ab: {  	s25 =	smulhi.u32 $0x68DB8BAD, s7  }
0x3ac: {  	(v2sf) =	vpush v32, $0x1;
	v33 =	vcvt.s32.f32 v33;
	v62 =	vor.u32 $0x1, v58  }
0x3ad: {  	v44 =	vmul.f32 $5.120000000e+02, v44;
	v57 =	vmul.f32 $5.000000000e-01, v57;
	s16 =	spop (v2sf);
	[dreg:$0x14] =	wrdreg s25  }
0x3ae: {  	(v2sf) =	vpush v32, $0x0;
	s19 =	sshra.s32 s4, $0xB;
	v41 =	vadd.s32 $0x2, v58;
	s26 =	smulhi.u32 $0x68DB8BAD, s16;
	[tilespmem:v58+s28+$0x0] =	vst.idx.msk vm11, v33  }
0x3af: {  	(v2sf) =	vpush v32, $0x7;
	v52 =	vsel vm8, s19, v36;
	v36 =	vsub.f32 v35, v57;
	s19 =	sshra.s32 s14, $0xB;
	s15 =	sshrl.u32 s14, $0x1F;
	s14 =	spop (v2sf);
	[tilespmem:v59+s28+$0x0] =	vst.idx.msk vm10, v44  }
0x3b0: {  	s21 =	sadd.s32 s1, s21;
	s3 =	smulhi.u32 $0x68DB8BAD, s14;
	v45 =	vadd.s32 $0x3, v58;
	[dreg:$0x16] =	wrdreg s26  }
0x3b1: {  	s1 =	sshrl.u32 s21, $0x1F;
	s30 =	sshra.s32 s21, $0xB;
	v36 =	vmul.f32 $5.120000000e+02, v36;
	v60 =	vsub.f32 v63, v27;
	s21 =	spop (v2sf);
	[tilespmem:v62+s28+$0x0] =	vst.idx.msk vm11, v37  }
0x3b2: {  	v35 =	vadd.f32 v57, v35;
	v57 =	vadd.s32 $0x4, v58;
	s9 =	smulhi.u32 $0x68DB8BAD, s21;
	[dreg:$0x15] =	wrdreg s3  }
0x3b3: {  	s20 =	sshrl.u32 s0, $0x1F;
	s0 =	spop (v2sf);
	v59 =	vmul.f32 $5.120000000e+02, v60;
	[tilespmem:v41+s28+$0x0] =	vst.idx.msk vm11, v36  }
0x3b4: {  	s29 =	sshrl.u32 s4, $0x1F;
	s11 =	smulhi.u32 $0x68DB8BAD, s0;
	v58 =	vadd.s32 $0x5, v58;
	v60 =	vld [tilespmem:s2+$0xFFFFFFF0];
	[dreg:$0x17] =	wrdreg s9  }
0x3b5: {  	v27 =	vadd.f32 v27, v63;
	s31 =	spop (v2sf);
	s26 =	sshra.s32 s4, $0x1F;
	s4 =	sshra.s32 s17, $0xB;
	v62 =	vmul.f32 $5.120000000e+02, v35;
	[tilespmem:v45+s28+$0x0] =	vst.idx.msk vm11, v59  }
0x3b6: {  	s3 =	sshrl.u32 s17, $0x1F;
	s17 =	smulhi.u32 $0x68DB8BAD, s31;
	[dreg:$0xd] =	wrdreg s11  }
0x3b7: {  	v42 =	vadd.s32 $0x1, v42;
	v51 =	vor.u32 $0x1, v43;
	v27 =	vmul.f32 $5.120000000e+02, v27;
	[tilespmem:v57+s28+$0x0] =	vst.idx.msk vm11, v62  }
0x3b8: {  	v40 =	vadd.f32 v61, v38;
	v61 =	vcvt.s32.f32 v42;
	[dreg:$0x18] =	wrdreg s17  }
0x3b9: {  	(v2sf) =	vpush v34, $0x7;
	[tilespmem:v58+s28+$0x0] =	vst.idx.msk vm11, v27  }
0x3ba: {  	s23 =	smulhi.u32 $0x68DB8BAD, s6;
	s18 =	simm.s32 $0x20;
	v63 =	vmul.f32 v56, v48;
	(v2sf) =	vpush v34, $0x0;
	[tilespmem:v43+s28+$0x0] =	vst.idx.msk vm1, v61  }
0x3bb: {  	(v2sf) =	vpush v34, $0x1;
	s25 =	spop (v2sf);
	[dreg:$0xa] =	wrdreg s18  }
0x3bc: {  	vm12 =	vmmov vm2;
	s22 =	simm.s32 $0x8CB0;
	v42 =	vmul.f32 $5.000000000e-01, v63;
	(v2sf) =	vpush v34, $0x2;
	s2 =	smulhi.u32 $0x68DB8BAD, s25;
	s9 =	sshra.s32 s6, $0x1F;
	[tilespmem:v51+s28+$0x0] =	vst.idx.msk vm1, v60  }
0x3bd: {  	v38 =	vadd.s32 $0x5, v43;
	(v2sf) =	vpush v34, $0x3;
	s6 =	spop (v2sf);
	v27 =	vmul.f32 v55, v49;
	[dreg:$0x7] =	wrdreg s22;
	s22 =	simm.s32 $0x8CB0  }
0x3be: {  	(v2sf) =	vpush v34, $0x4;
	vm10 =	vlt.s32 v34, $0x1;
	v35 =	vadd.s32 $0x2, v43;
	s17 =	smulhi.u32 $0x68DB8BAD, s6;
	s18 =	spop (v2sf);
	v33 =	vld [tilespmem:s22+$0xFFFFFFF0];
	s22 =	simm.s32 $0x40  }
0x3bf: {  	v37 =	vadd.s32 $0x4, v43;
	v36 =	vadd.s32 $0x3, v43;
	v41 =	vmul.f32 $5.000000000e-01, v27;
	s28 =	smulhi.u32 $0x68DB8BAD, s18;
	[dreg:$0x8] =	wrdreg s22;
	s22 =	simm.s32 $0x60  }
.LBB2_34:
0x3c0: {  	p1 =	slt.u32 s22, $0xA0;
	s9 =	smul.u32 $0x68DB8BAD, s9;
	s12 =	sshra.s32 s12, $0x1F;
	vm8 =	vcmask $0x2B28  }
0x3c1: {  	[dreg:$0xb] =	wrdreg s22;
	v27 =	vsel vm4, s15, v50;
	s15 =	sshra.s32 s5, $0x1F;
	v44 =	vsel vm8, s20, v47;
	s20 =	smul.u32 $0x68DB8BAD, s12  }
0x3c2: {  	v43 =	vsel vm4, s1, v53;
	s11 =	rddreg [dreg:$0xa];
	s10 =	sshra.s32 s10, $0x1F;
	s1 =	smul.u32 $0x68DB8BAD, s15  }
0x3c3: {  	v45 =	vsel vm4, s19, v46;
	vm13 =	vcmask $0x3734;
	s13 =	sshra.s32 s13, $0x1F;
	s0 =	sshra.s32 s0, $0x1F;
	s19 =	smul.u32 $0x68DB8BAD, s10  }
0x3c4: {  	vm15 =	vcmask $0x3B38;
	s7 =	sshra.s32 s7, $0x1F;
	v50 =	vsel vm13, s26, v52;
	s10 =	sshra.s32 s14, $0x1F;
	s14 =	smul.u32 $0x68DB8BAD, s0  }
0x3c5: {  	s5 =	smov.u32 s11;
	s26 =	sshra.s32 s24, $0x1F;
	v53 =	vsel vm15, s4, v50;
	s4 =	smul.u32 $0x68DB8BAD, s13  }
0x3c6: {  	vm9 =	vcmask $0x3330;
	s11 =	rddreg [dreg:$0x8];
	s15 =	smov.u32 s22;
	s26 =	smul.u32 $0x68DB8BAD, s26  }
0x3c7: {  	s22 =	sshra.s32 s25, $0x1F;
	v51 =	vsel vm9, s29, v44;
	s12 =	smov.u32 s11;
	s29 =	smul.u32 $0x68DB8BAD, s7  }
0x3c8: {  	v49 =	vsel vm4, s30, v54;
	v54 =	vsub.f32 v39, v42;
	s11 =	simm.s32 $0x17880;
	s10 =	smul.u32 $0x68DB8BAD, s10;
	[dreg:$0x19] =	wrdreg s1  }
0x3c9: {  	v55 =	vsub.f32 v40, v41;
	v27 =	vcombine.low v43, v27;
	v43 =	vsel vm15, s3, v51;
	s3 =	sshra.s32 s8, $0x1F;
	s8 =	sshra.s32 s16, $0x1F;
	s16 =	sshra.s32 s21, $0x1F  }
0x3ca: {  	v56 =	vadd.f32 v42, v39;
	v59 =	vadd.f32 v41, v40;
	v60 =	vld [tilespmem:$0x1FF90];
	v57 =	vmul.f32 $5.120000000e+02, v54;
	s21 =	sshra.s32 s31, $0x1F;
	s31 =	smul.u32 $0x68DB8BAD, s22;
	s22 =	rddreg [dreg:$0xf]  }
0x3cb: {  	v52 =	vcombine.low v49, v45;
	v58 =	vmul.f32 $5.120000000e+02, v55;
	s1 =	smul.u32 $0x68DB8BAD, s16;
	s16 =	sshra.s32 s18, $0x1F;
	s18 =	rddreg [dreg:$0xe]  }
0x3cc: {  	v39 =	vmul.f32 $5.120000000e+02, v56;
	v40 =	vmul.f32 $5.120000000e+02, v59;
	s24 =	smul.u32 $0x68DB8BAD, s3;
	[tilespmem:v35+s11+$0x0] =	vst.idx.msk vm1, v57;
	s3 =	sadd.s32 s20, s18;
	s20 =	rddreg [dreg:$0x13]  }
0x3cd: {  	v45 =	vperm.xlane v53, v30;
	v27 =	vperm.xlane v27, v29;
	s30 =	smul.u32 $0x68DB8BAD, s8;
	[tilespmem:v36+s11+$0x0] =	vst.idx.msk vm1, v58;
	s18 =	sadd.s32 s19, s22;
	s22 =	rddreg [dreg:$0x14]  }
0x3ce: {  	v44 =	vperm.xlane v52, v29;
	v43 =	vperm.xlane v43, v30;
	s0 =	smul.u32 $0x68DB8BAD, s16;
	[tilespmem:v37+s11+$0x0] =	vst.idx.msk vm1, v39;
	s20 =	sadd.s32 s26, s20;
	s26 =	rddreg [dreg:$0x16]  }
0x3cf: {  	v51 =	vld [tilespmem:$0x1FFA0];
	vm3 =	vnez.u8 v60;
	[tilespmem:v38+s11+$0x0] =	vst.idx.msk vm1, v40;
	s11 =	sshra.s32 s6, $0x1F;
	s6 =	sadd.s32 s9, s23;
	s23 =	rddreg [dreg:$0x11]  }
0x3d0: {  	s25 =	smul.u32 $0x68DB8BAD, s21;
	v27 =	vsel vm3, v43, v27;
	v41 =	vsel vm3, v45, v44;
	s19 =	sadd.s32 s30, s26;
	s9 =	rddreg [dreg:$0x12]  }
0x3d1: {  	vm2 =	vcmask $0x300;
	v27 =	vadd.s32 v27, v41;
	s26 =	rddreg [dreg:$0x17];
	s0 =	sadd.s32 s0, s28;
	s11 =	smul.u32 $0x68DB8BAD, s11  }
0x3d2: {  	vm7 =	vmmov vm4;
	vm4 =	vcmask $0x704;
	v61 =	vmul.u32 $0xFFFFEC78, v27;
	s16 =	sadd.s32 s4, s23;
	s24 =	sadd.s32 s24, s9;
	s4 =	sadd.s32 s29, s22  }
0x3d3: {  	vm11 =	vcmask $0x1F1C;
	v63 =	vor.u32 s5, v0;
	v52 =	vimm.s32 $0x0;
	s23 =	rddreg [dreg:$0x15];
	s9 =	sadd.s32 s1, s26;
	s22 =	sshra.s32 s0, $0x1F  }
0x3d4: {  	v38 =	vmul.u32 $0x6, v63;
	vm1 =	vnez.u8 v51;
	s10 =	sadd.s32 s10, s23;
	s23 =	sshrl.u32 s19, $0x1F;
	s19 =	sshra.s32 s19, $0xB;
	v35 =	vadd.s32 v31, v61  }
0x3d5: {  	v58 =	vmov s22;
	s1 =	sadd.s32 s11, s17;
	s17 =	rddreg [dreg:$0x18];
	s22 =	sshrl.u32 s10, $0x1F;
	v61 =	vmov s19;
	vm0 =	vne.s32 v35, $0x0  }
0x3d6: {  	v62 =	vmul.u32 $0xC, v35;
	s11 =	sadd.s32 s25, s17;
	s25 =	sshra.s32 s1, $0xB;
	v60 =	vmov s22;
	vm1 =	vmand vm1, vm0  }
0x3d7: {  	vm0 =	vmmov vm10;
	v59 =	vsel vm2, s25, v58;
	vm10 =	vcmask $0xB08  }
0x3d8: {  	[dreg:$0x8] =	wrdreg s15;
	s13 =	spop (v2sf);
	v36 =	vsel vm0, $0xFFFFFFFF, v52;
	v53 =	vor.u32 $0x2, v62;
	v54 =	vor.u32 $0x3, v62  }
0x3d9: {  	[dreg:$0xa] =	wrdreg s12;
	s2 =	sadd.s32 s31, s2;
	s15 =	spop (v2sf);
	v55 =	vadd.s32 $0xA, v62;
	v40 =	vor.u32 $0x1, v62;
	v41 =	vadd.s32 $0x8, v62  }
0x3da: {  	s26 =	simm.s32 $0x8E20;
	s12 =	sshra.s32 s13, $0x1F;
	s7 =	spop (v2sf);
	v56 =	vadd.s32 $0xB, v62;
	v44 =	vadd.s32 $0x6, v62;
	v47 =	vadd.s32 $0x7, v62  }
0x3db: {  	s10 =	sshra.s32 s10, $0xB;
	s8 =	spop (v2sf);
	s25 =	sshra.s32 s1, $0x1F;
	v48 =	vadd.s32 $0x9, v62;
	v49 =	vadd.s32 $0x4, v62;
	v57 =	vsel vm1, $0xFFFFFFFF, v1  }
0x3dc: {  	v31 =	vmovc v34;
	s19 =	sshra.s32 s20, $0xB;
	s22 =	sshra.s32 s2, $0xB;
	s21 =	spop (v2sf);
	vm1 =	vlt.u32 v63, $0xC8;
	v37 =	vsel vm4, s25, v59;
	v63 =	vmov s10  }
0x3dd: {  	s17 =	sshra.s32 s2, $0x1F;
	s2 =	sshrl.u32 s2, $0x1F;
	vm0 =	vcmask $0xB08;
	s5 =	spop (v2sf);
	(v2sf) =	vpush v31, $0xC;
	v27 =	vadd.s32 v57, v27  }
0x3de: {  	s1 =	sshrl.u32 s1, $0x1F;
	s25 =	sshrl.u32 s24, $0x1F;
	s10 =	sshra.s32 s11, $0x1F;
	v37 =	vsel vm12, s22, v37;
	v52 =	vsel vm0, s19, v61;
	(v2sf) =	vpush v31, $0x8  }
0x3df: {  	[tilespmem:$0x1FFA0] =	vst v36;
	s22 =	sshra.s32 s24, $0xB;
	s19 =	sshra.s32 s18, $0xB;
	v36 =	vadd.s32 $0x1, v27;
	v27 =	vmov s23;
	s23 =	sshrl.u32 s20, $0x1F;
	(v2sf) =	vpush v31, $0xD  }
0x3e0: {  	s24 =	sshrl.u32 s18, $0x1F;
	v58 =	vsel vm5, s19, v52;
	s19 =	sshra.s32 s4, $0xB;
	v27 =	vsel vm12, s23, v27;
	s23 =	sshra.s32 s11, $0xB;
	(v2sf) =	vpush v31, $0x9  }
0x3e1: {  	vm0 =	vcmask $0xB08;
	v27 =	vsel vm5, s24, v27;
	s24 =	sshrl.u32 s6, $0x1F;
	s6 =	sshra.s32 s6, $0xB;
	v51 =	vld.idx.msk [tilespmem:v55+s26+$0x0], $0xffff;
	v55 =	vsel vm12, s25, v60;
	s25 =	rddreg [dreg:$0xd]  }
0x3e2: {  	v45 =	vld.idx.msk [tilespmem:v54+s26+$0x0], $0xffff;
	vm12 =	vcmask $0xF0C;
	v54 =	vsel vm0, s22, v63;
	s22 =	sshra.s32 s16, $0xB;
	v27 =	vsel vm7, s24, v27;
	s24 =	sshra.s32 s4, $0x1F;
	s14 =	sadd.s32 s14, s25  }
0x3e3: {  	v50 =	vadd.s32 $0x5, v62;
	v34 =	vld.idx.msk [tilespmem:v62+s26+$0x0], $0xffff;
	v62 =	vmov s1;
	v37 =	vsel vm12, s17, v37;
	s17 =	sshrl.u32 s16, $0x1F;
	s25 =	sshrl.u32 s3, $0x1F;
	s16 =	sshrl.u32 s11, $0x1F  }
0x3e4: {  	v39 =	vld.idx.msk [tilespmem:v40+s26+$0x0], $0xffff;
	vm0 =	vcmask $0x1714;
	v54 =	vsel vm5, s22, v54;
	s3 =	sshra.s32 s3, $0xB;
	s22 =	rddreg [dreg:$0xc];
	s11 =	sshrl.u32 s0, $0x1F;
	v37 =	vsel vm5, s23, v37  }
0x3e5: {  	v40 =	vld.idx.msk [tilespmem:v48+s26+$0x0], $0xffff;
	v42 =	vnsel vm2, $0x0, v62;
	v48 =	vsel vm7, s6, v58;
	s0 =	sshra.s32 s0, $0xB;
	s20 =	sshra.s32 s14, $0xB;
	s23 =	sshra.s32 s14, $0x1F;
	v37 =	vsel vm0, s10, v37  }
0x3e6: {  	v43 =	vld.idx.msk [tilespmem:v53+s26+$0x0], $0xffff;
	v60 =	vsel vm10, s2, v42;
	vm10 =	vcmask $0x2724;
	s18 =	sshrl.u32 s14, $0x1F;
	s14 =	sshra.s32 s15, $0x1F;
	s15 =	smulhi.u32 $0x68DB8BAD, s15;
	v59 =	vsel vm7, s20, v37  }
0x3e7: {  	v57 =	vsel vm5, s17, v55;
	s17 =	sshra.s32 s9, $0x1F;
	s10 =	sshra.s32 s9, $0xB;
	v37 =	vld.idx.msk [tilespmem:v47+s26+$0x0], $0xffff;
	v47 =	vsel vm5, s16, v60;
	s16 =	smul.u32 $0x68DB8BAD, s12;
	v52 =	vsel vm11, s23, v59  }
0x3e8: {  	v46 =	vld.idx.msk [tilespmem:v41+s26+$0x0], $0xffff;
	v63 =	vsel vm7, s3, v54;
	s20 =	sshrl.u32 s9, $0x1F;
	v47 =	vsel vm7, s18, v47;
	s18 =	sshra.s32 s8, $0x1F;
	s8 =	smulhi.u32 $0x68DB8BAD, s8;
	v52 =	vsel vm6, s10, v52  }
0x3e9: {  	v41 =	vld.idx.msk [tilespmem:v44+s26+$0x0], $0xffff;
	v61 =	vsel vm7, s25, v57;
	s25 =	sshrl.u32 s4, $0x1F;
	s23 =	rddreg [dreg:$0x19];
	v47 =	vsel vm6, s20, v47;
	s20 =	smul.u32 $0x68DB8BAD, s14;
	v62 =	vsel vm10, s17, v52  }
0x3ea: {  	vm14 =	vcmask $0x2F2C;
	v44 =	vld.idx.msk [tilespmem:v50+s26+$0x0], $0xffff;
	v48 =	vcombine.low v63, v48;
	s6 =	sadd.s32 s23, s22;
	s23 =	sshra.s32 s5, $0x1F;
	s5 =	smulhi.u32 $0x68DB8BAD, s5;
	v50 =	vsel vm8, s19, v62  }
0x3eb: {  	v27 =	vcombine.low v61, v27;
	s4 =	sshra.s32 s6, $0xB;
	s9 =	sshrl.u32 s6, $0x1F;
	s10 =	sshra.s32 s6, $0x1F;
	v55 =	vsel vm14, s24, v50  }
0x3ec: {  	v42 =	vld.idx.msk [tilespmem:v49+s26+$0x0], $0xffff;
	v48 =	vperm.xlane v48, v29;
	v47 =	vsel vm8, s25, v47;
	s17 =	sshra.s32 s7, $0x1F;
	s7 =	smulhi.u32 $0x68DB8BAD, s7;
	v49 =	vsel vm9, s4, v55;
	s3 =	spop (v2sf)  }
0x3ed: {  	v53 =	vld.idx.msk [tilespmem:v56+s26+$0x0], $0xffff;
	v56 =	vmul.f32 v51, v43;
	s22 =	sshra.s32 s21, $0x1F;
	v47 =	vsel vm9, s9, v47;
	s19 =	smulhi.u32 $0x68DB8BAD, s13;
	v49 =	vsel vm13, s10, v49;
	s4 =	spop (v2sf)  }
0x3ee: {  	v27 =	vperm.xlane v27, v29;
	s13 =	sadd.s32 s20, s15;
	v47 =	vsel vm15, s11, v47;
	s24 =	smul.u32 $0x68DB8BAD, s17;
	v49 =	vsel vm15, s0, v49;
	s2 =	spop (v2sf)  }
0x3ef: {  	s11 =	smul.u32 $0x68DB8BAD, s18;
	s25 =	sshra.s32 s13, $0xB;
	v47 =	vperm.xlane v47, v30;
	v49 =	vperm.xlane v49, v30;
	s0 =	spop (v2sf);
	(v2sf) =	vpush v31, $0x5  }
0x3f0: {  	v34 =	vmul.f32 v46, v34;
	v60 =	vmul.f32 $1.442695020e+00, v56;
	s15 =	sshra.s32 s13, $0x1F;
	s13 =	sshrl.u32 s13, $0x1F;
	s12 =	sadd.s32 s16, s19;
	(v2sf) =	vpush v31, $0xE  }
0x3f1: {  	s17 =	smul.u32 $0x68DB8BAD, s22;
	v62 =	vmov s13;
	[dreg:$0x10] =	wrdreg s12;
	s12 =	sshra.s32 s12, $0x1F;
	v27 =	vsel vm3, v47, v27;
	v57 =	vsel vm3, v49, v48  }
0x3f2: {  	s22 =	smulhi.u32 $0x68DB8BAD, s21;
	v58 =	vmov s12;
	(v2sf) =	vpush v31, $0xA;
	v43 =	vadd.s32 v27, v57  }
0x3f3: {  	s23 =	smul.u32 $0x68DB8BAD, s23;
	s13 =	rddreg [dreg:$0x9];
	v61 =	vsel vm2, s25, v58;
	(v2sf) =	vpush v31, $0xF;
	v59 =	vmul.u32 $0xFFFFEC78, v43  }
0x3f4: {  	s7 =	sadd.s32 s24, s7;
	v63 =	vnsel vm2, $0x0, v62;
	s8 =	sadd.s32 s11, s8;
	s10 =	sadd.s32 s17, s22;
	vm2 =	vcmask $0xB08;
	v49 =	vsel vm4, s15, v61  }
0x3f5: {  	s16 =	sadd.s32 $0x20, s13;
	s9 =	sshra.s32 s3, $0x1F;
	s18 =	sshra.s32 s7, $0xB;
	v27 =	vmul.f32 v53, v45;
	(v2sf) =	vpush v31, $0xB;
	v45 =	vadd.s32 v32, v59  }
0x3f6: {  	s19 =	sshra.s32 s7, $0x1F;
	s24 =	sshra.s32 s8, $0xB;
	s9 =	smul.u32 $0x68DB8BAD, s9;
	v56 =	vsel vm2, s18, v49;
	(v2sf) =	vpush v31, $0x6;
	v47 =	vmul.u32 $0xC, v45  }
0x3f7: {  	s7 =	sshrl.u32 s7, $0x1F;
	s1 =	sshra.s32 s4, $0x1F;
	s4 =	smulhi.u32 $0x68DB8BAD, s4;
	v46 =	vsel vm12, s19, v56;
	vm12 =	vcmask $0xB08;
	v27 =	vmul.f32 $1.442695020e+00, v27  }
0x3f8: {  	(erf) = vpow2.f32 v60;
	s11 =	sshra.s32 s10, $0xB;
	s20 =	sshra.s32 s0, $0x1F;
	s0 =	smulhi.u32 $0x68DB8BAD, s0;
	v50 =	vsel vm12, s7, v63;
	v57 =	vor.u32 $0x2, v47  }
0x3f9: {  	s17 =	sshra.s32 s10, $0x1F;
	s18 =	smul.u32 $0x68DB8BAD, s1;
	s7 =	sshrl.u32 s8, $0x1F;
	(erf) = vpow2.f32 v27;
	v27 =	vsel vm5, s24, v46;
	v46 =	vld [tilespmem:s16+$0x0];
	v58 =	vor.u32 $0x3, v47  }
0x3fa: {  	[dreg:$0x9] =	wrdreg s16;
	s10 =	sshrl.u32 s10, $0x1F;
	v63 =	vsel vm5, s7, v50;
	s7 =	smul.u32 $0x68DB8BAD, s20;
	v59 =	vadd.s32 $0xA, v47  }
0x3fb: {  	s25 =	sshra.s32 s8, $0x1F;
	s6 =	sshra.s32 s2, $0x1F;
	s24 =	smulhi.u32 $0x68DB8BAD, s2;
	v61 =	vadd.s32 $0xB, v47  }
0x3fc: {  	v35 =	vor.u32 $0x1, v38;
	v60 =	vmul.f32 v34, v41;
	v34 =	vld [tilespmem:s16+$0xFFFFFFF0];
	s1 =	sadd.s32 s23, s5;
	s23 =	simm.s32 $0x17880;
	v27 =	vsel vm0, s25, v27;
	s25 =	smulhi.u32 $0x68DB8BAD, s3  }
0x3fd: {  	v36 =	vcvt.s32.f32 v36;
	s8 =	sshra.s32 s1, $0xB;
	s15 =	sadd.s32 s18, s4;
	s3 =	smul.u32 $0x68DB8BAD, s6;
	v48 =	vld.idx.msk [tilespmem:v57+s26+$0x0], $0xffff  }
0x3fe: {  	v39 =	vmul.f32 v40, v39;
	s14 =	sshra.s32 s15, $0xB;
	v27 =	vsel vm7, s11, v27;
	s11 =	sshra.s32 s1, $0x1F;
	v49 =	vld.idx.msk [tilespmem:v58+s26+$0x0], $0xffff;
	s19 =	spop (v2sf);
	(v2sf) =	vpush v46, $0xF  }
0x3ff: {  	v27 =	vsel vm11, s17, v27;
	s12 =	sadd.s32 s9, s25;
	s3 =	sadd.s32 s3, s24;
	v54 =	vld.idx.msk [tilespmem:v59+s26+$0x0], $0xffff;
	s21 =	spop (v2sf);
	(v2sf) =	vpush v46, $0xB  }
0x400: {  	v62 =	vmul.f32 v39, v37;
	[tilespmem:v38+s23+$0x0] =	vst.idx.msk vm1, v36;
	s24 =	sadd.s32 s7, s0;
	v27 =	vsel vm6, s8, v27;
	v55 =	vld.idx.msk [tilespmem:v61+s26+$0x0], $0xffff;
	s20 =	sshra.s32 s19, $0x1F;
	s17 =	smulhi.u32 $0x68DB8BAD, s19  }
0x401: {  	[tilespmem:v35+s23+$0x0] =	vst.idx.msk vm1, v33;
	v56 =	vpop (erf);
	s23 =	sshrl.u32 s3, $0x1F;
	v27 =	vsel vm10, s11, v27;
	s11 =	smul.u32 $0x68DB8BAD, s20;
	s8 =	spop (v2sf);
	(v2sf) =	vpush v46, $0x6  }
0x402: {  	v40 =	vadd.f32 v62, v44;
	v57 =	vpop (erf);
	s22 =	sshra.s32 s21, $0x1F;
	s9 =	smulhi.u32 $0x68DB8BAD, s21;
	s2 =	spop (v2sf);
	(v2sf) =	vpush v46, $0xE  }
0x403: {  	v44 =	vsel vm7, s10, v63;
	v33 =	vmul.f32 v57, v37;
	v57 =	vmov s14;
	s14 =	rddreg [dreg:$0xa];
	s25 =	sshra.s32 s8, $0x1F;
	s10 =	smul.u32 $0x68DB8BAD, s22  }
0x404: {  	v59 =	vadd.s32 $0x8, v47;
	s20 =	sshrl.u32 s15, $0x1F;
	v48 =	vmul.f32 v54, v48;
	s4 =	spop (v2sf);
	(v2sf) =	vpush v46, $0xA;
	s13 =	smul.u32 $0x68DB8BAD, s25  }
0x405: {  	s21 =	sshra.s32 s12, $0xB;
	v49 =	vmul.f32 v55, v49;
	s25 =	smulhi.u32 $0x68DB8BAD, s8;
	s5 =	spop (v2sf);
	(v2sf) =	vpush v46, $0xD  }
0x406: {  	v39 =	vadd.f32 v60, v42;
	v51 =	vadd.s32 $0x9, v47;
	s22 =	sshrl.u32 s12, $0x1F;
	s0 =	sadd.s32 s11, s17;
	s17 =	smulhi.u32 $0x68DB8BAD, s2;
	v48 =	vmul.f32 $1.442695020e+00, v48  }
0x407: {  	v58 =	vor.u32 $0x1, v47;
	s16 =	sshra.s32 s2, $0x1F;
	s11 =	sshrl.u32 s24, $0x1F;
	s2 =	sshrl.u32 s1, $0x1F;
	v49 =	vmul.f32 $1.442695020e+00, v49;
	(v2sf) =	vpush v46, $0x9  }
0x408: {  	v41 =	vmul.f32 v56, v41;
	v52 =	vadd.s32 $0x6, v47;
	v53 =	vld.idx.msk [tilespmem:v47+s26+$0x0], $0xffff;
	s18 =	sshra.s32 s4, $0x1F;
	s8 =	smul.u32 $0x68DB8BAD, s16;
	s16 =	sshra.s32 s24, $0xB;
	(erf) = vpow2.f32 v48  }
0x409: {  	v60 =	vadd.s32 $0x7, v47;
	v50 =	vld.idx.msk [tilespmem:v59+s26+$0x0], $0xffff;
	s19 =	sshra.s32 s5, $0x1F;
	s6 =	smul.u32 $0x68DB8BAD, s18;
	s13 =	sadd.s32 s13, s25;
	(v2sf) =	vpush v46, $0x5;
	(erf) = vpow2.f32 v49  }
0x40a: {  	v42 =	vmul.f32 $5.000000000e-01, v41;
	v61 =	vadd.s32 $0x4, v47;
	s18 =	sshra.s32 s0, $0xB;
	s25 =	smulhi.u32 $0x68DB8BAD, s4;
	s24 =	sshrl.u32 s13, $0x1F  }
0x40b: {  	v47 =	vadd.s32 $0x5, v47;
	v51 =	vld.idx.msk [tilespmem:v51+s26+$0x0], $0xffff;
	v41 =	vmul.f32 $5.000000000e-01, v33;
	s7 =	smul.u32 $0x68DB8BAD, s19;
	s19 =	sshra.s32 s13, $0xB;
	(v2sf) =	vpush v46, $0xC;
	[dreg:$0x1a] =	wrdreg s24  }
0x40c: {  	v33 =	vld.idx.msk [tilespmem:v58+s26+$0x0], $0xffff;
	v62 =	vmov s22;
	s1 =	smulhi.u32 $0x68DB8BAD, s5;
	v27 =	vsel vm8, s18, v27;
	s18 =	sadd.s32 $0x10, s14;
	[dreg:$0x1b] =	wrdreg s19;
	(v2sf) =	vpush v46, $0x8  }
0x40d: {  	v52 =	vld.idx.msk [tilespmem:v52+s26+$0x0], $0xffff;
	v49 =	vsel vm12, s23, v62;
	v58 =	vor.u32 s18, v0;
	s23 =	sadd.s32 s8, s17;
	s18 =	rddreg [dreg:$0x7];
	s28 =	spop (v2sf)  }
0x40e: {  	v63 =	vmov s20;
	v54 =	vld.idx.msk [tilespmem:v60+s26+$0x0], $0xffff;
	v57 =	vsel vm12, s16, v57;
	v60 =	vmul.f32 v50, v53;
	s16 =	sshrl.u32 s23, $0x1F;
	s20 =	smulhi.u32 $0x68DB8BAD, s28;
	s12 =	spop (v2sf)  }
0x40f: {  	s15 =	sshra.s32 s3, $0xB;
	v56 =	vmov s21;
	(v2sf) =	vpush v46, $0x4;
	[dreg:$0x1d] =	wrdreg s16;
	s22 =	smulhi.u32 $0x68DB8BAD, s12  }
0x410: {  	v47 =	vld.idx.msk [tilespmem:v47+s26+$0x0], $0xffff;
	v56 =	vsel vm12, s15, v56;
	(v2sf) =	vpush v46, $0x3;
	s15 =	spop (v2sf);
	[dreg:$0x1c] =	wrdreg s20  }
0x411: {  	s9 =	sadd.s32 s10, s9;
	v48 =	vld.idx.msk [tilespmem:v61+s26+$0x0], $0xffff;
	v61 =	vmul.f32 v51, v33;
	v51 =	vpop (erf);
	s24 =	smulhi.u32 $0x68DB8BAD, s15;
	s10 =	spop (v2sf)  }
0x412: {  	vm6 =	vne.s32 v45, $0x0;
	v45 =	vmul.f32 v60, v52;
	(v2sf) =	vpush v46, $0x2;
	v60 =	vpop (erf);
	[dreg:$0xe] =	wrdreg s22;
	s26 =	smulhi.u32 $0x68DB8BAD, s10  }
0x413: {  	v55 =	vsel vm12, s11, v63;
	v63 =	vmul.f32 v61, v54;
	v50 =	vmul.f32 v60, v54;
	s13 =	spop (v2sf);
	[dreg:$0xc] =	wrdreg s24  }
0x414: {  	vm0 =	vlt.s32 v32, $0x1;
	s14 =	smulhi.u32 $0x68DB8BAD, s13;
	s24 =	spop (v2sf)  }
0x415: {  	v47 =	vadd.f32 v63, v47;
	(v2sf) =	vpush v46, $0x1;
	v50 =	vmul.f32 $5.000000000e-01, v50;
	[dreg:$0xf] =	wrdreg s26;
	s17 =	smulhi.u32 $0x68DB8BAD, s24  }
0x416: {  	vm0 =	vmand vm0, vm6;
	vm6 =	vcmask $0x2320;
	(v2sf) =	vpush v46, $0x0;
	s8 =	spop (v2sf);
	[dreg:$0x11] =	wrdreg s14  }
0x417: {  	s5 =	sadd.s32 s7, s1;
	s19 =	smulhi.u32 $0x68DB8BAD, s8;
	v54 =	vsub.f32 v47, v50;
	v61 =	vadd.f32 v50, v47;
	v47 =	vsel vm6, s2, v44;
	s2 =	rddreg [dreg:$0x1a]  }
0x418: {  	(v2sf) =	vpush v46, $0x7;
	s14 =	sadd.s32 $0x20, s18;
	s7 =	spop (v2sf);
	[dreg:$0x13] =	wrdreg s17  }
0x419: {  	s21 =	sshra.s32 s0, $0x1F;
	v33 =	vmul.f32 v51, v52;
	s20 =	smulhi.u32 $0x68DB8BAD, s7;
	[dreg:$0x7] =	wrdreg s14  }
0x41a: {  	v32 =	vmovc v46;
	s3 =	sshrl.u32 s9, $0x1F;
	v27 =	vsel vm14, s21, v27;
	v59 =	vmul.u32 $0x6, v58;
	vm11 =	vlt.u32 v58, $0xC8;
	v46 =	vld [tilespmem:s14+$0x0];
	s16 =	spop (v2sf);
	[dreg:$0x12] =	wrdreg s19  }
0x41b: {  	s4 =	sshra.s32 s9, $0xB;
	v62 =	vsel vm0, $0xFFFFFFFF, v1;
	v45 =	vadd.f32 v45, v48;
	v48 =	vmul.f32 $5.000000000e-01, v33;
	v33 =	vld [tilespmem:s14+$0xFFFFFFF0];
	s21 =	smulhi.u32 $0x68DB8BAD, s16;
	s14 =	spop (v2sf)  }
0x41c: {  	s25 =	sadd.s32 s6, s25;
	v43 =	vadd.s32 v62, v43;
	v53 =	vor.u32 $0x1, v59;
	[dreg:$0x14] =	wrdreg s20;
	s22 =	smulhi.u32 $0x68DB8BAD, s14  }
0x41d: {  	s9 =	simm.s32 $0x17880;
	s1 =	sshrl.u32 s25, $0x1F;
	v43 =	vadd.s32 $0x1, v43;
	[dreg:$0x16] =	wrdreg s21  }
0x41e: {  	v43 =	vcvt.s32.f32 v43;
	s19 =	sshra.s32 s23, $0xB;
	s21 =	spop (v2sf);
	[dreg:$0x15] =	wrdreg s22  }
0x41f: {  	s20 =	sshrl.u32 s0, $0x1F;
	s23 =	smulhi.u32 $0x68DB8BAD, s21;
	s0 =	spop (v2sf)  }
0x420: {  	s30 =	sshra.s32 s25, $0xB;
	v58 =	vadd.s32 $0x2, v59;
	[tilespmem:v59+s9+$0x0] =	vst.idx.msk vm11, v43;
	s22 =	rddreg [dreg:$0x10];
	s25 =	smulhi.u32 $0x68DB8BAD, s0  }
0x421: {  	v52 =	vadd.s32 $0x3, v59;
	v51 =	vsub.f32 v45, v48;
	s31 =	spop (v2sf);
	[tilespmem:v53+s9+$0x0] =	vst.idx.msk vm11, v46;
	v53 =	vsel vm5, s2, v55;
	s2 =	rddreg [dreg:$0xb]  }
0x422: {  	v60 =	vadd.s32 $0x4, v59;
	v50 =	vsel vm5, s3, v49;
	s3 =	sshrl.u32 s22, $0x1F;
	v46 =	vsel vm5, s4, v56;
	s4 =	sshra.s32 s22, $0xB;
	[dreg:$0x17] =	wrdreg s23  }
0x423: {  	v45 =	vadd.f32 v48, v45;
	v51 =	vmul.f32 $5.120000000e+02, v51;
	v43 =	vadd.s32 $0x5, v59;
	s26 =	smulhi.u32 $0x68DB8BAD, s31;
	s22 =	sadd.s32 $0x20, s2;
	s2 =	rddreg [dreg:$0x1b]  }
0x424: {  	s11 =	sshra.s32 s5, $0xB;
	(v2sf) =	vpush v34, $0x7;
	v59 =	vmul.f32 $5.120000000e+02, v54;
	[dreg:$0xd] =	wrdreg s25;
	s25 =	spop (v2sf)  }
.Ltmp22:
0x425: {  	vm4 =	vmmov vm7;
	s29 =	sshrl.u32 s5, $0x1F;
	v62 =	vmul.f32 $5.120000000e+02, v45;
	(v2sf) =	vpush v34, $0x0;
	[tilespmem:v58+s9+$0x0] =	vst.idx.msk vm11, v51;
	[dreg:$0x18] =	wrdreg s26;
	(pc) =	sbr.rel @p1 .LBB2_34-.Ltmp22, $4  }
0x426: {  	v36 =	vadd.s32 $0x3, v38;
	v63 =	vmul.f32 $5.120000000e+02, v61;
	(v2sf) =	vpush v34, $0x1;
	[tilespmem:v52+s9+$0x0] =	vst.idx.msk vm11, v59;
	s26 =	sshra.s32 s5, $0x1F;
	s5 =	smulhi.u32 $0x68DB8BAD, s25;
	s6 =	spop (v2sf)  }
0x427: {  	v35 =	vadd.s32 $0x2, v38;
	vm10 =	vlt.s32 v34, $0x1;
	s23 =	simm.s32 $0x17880;
	(v2sf) =	vpush v34, $0x2;
	[tilespmem:v60+s9+$0x0] =	vst.idx.msk vm11, v62;
	s17 =	smulhi.u32 $0x68DB8BAD, s6;
	s18 =	spop (v2sf)  }
0x428: {  	v37 =	vadd.s32 $0x4, v38;
	v38 =	vadd.s32 $0x5, v38;
	(v2sf) =	vpush v34, $0x3;
	s9 =	sshra.s32 s28, $0x1F;
	[tilespmem:v43+s23+$0x0] =	vst.idx.msk vm11, v63;
	s23 =	rddreg [dreg:$0x1c];
	s28 =	smulhi.u32 $0x68DB8BAD, s18  }
0x429: {  	v54 =	vsel vm5, s2, v57;
	v52 =	vsel vm9, s11, v27;
	(v2sf) =	vpush v34, $0x4;
	s2 =	smov.u32 s5;
	s5 =	smov.u32 s15;
	s15 =	rddreg [dreg:$0x1d]  }
0x42a: {  	s9 =	smul.u32 $0x68DB8BAD, s9;
	s11 =	sshra.s32 s12, $0x1F  }
0x42b: {  	s24 =	sshra.s32 s24, $0x1F;
	s22 =	rddreg [dreg:$0xe];
	s8 =	sshra.s32 s8, $0x1F  }
0x42c: {  	s7 =	sshra.s32 s7, $0x1F;
	s14 =	sshra.s32 s14, $0x1F;
	s11 =	smul.u32 $0x68DB8BAD, s11  }
0x42d: {  	s18 =	sshra.s32 s18, $0x1F;
	s24 =	smul.u32 $0x68DB8BAD, s24;
	s12 =	sadd.s32 s9, s23  }
0x42e: {  	s23 =	sshra.s32 s10, $0x1F;
	s10 =	sadd.s32 s11, s22;
	s22 =	rddreg [dreg:$0x13]  }
0x42f: {  	s9 =	smul.u32 $0x68DB8BAD, s23;
	s23 =	sshra.s32 s13, $0x1F;
	s24 =	sadd.s32 s24, s22  }
0x430: {  	s11 =	smul.u32 $0x68DB8BAD, s23;
	s23 =	sshra.s32 s16, $0x1F;
	s22 =	rddreg [dreg:$0xf]  }
0x431: {  	s16 =	sadd.s32 s9, s22;
	s9 =	smul.u32 $0x68DB8BAD, s23;
	s23 =	rddreg [dreg:$0x11]  }
0x432: {  	s6 =	sshra.s32 s6, $0x1F;
	s8 =	smul.u32 $0x68DB8BAD, s8;
	s22 =	rddreg [dreg:$0x16]  }
0x433: {  	s5 =	sshra.s32 s5, $0x1F;
	s13 =	sadd.s32 s11, s23;
	s23 =	rddreg [dreg:$0x12]  }
0x434: {  	s7 =	smul.u32 $0x68DB8BAD, s7;
	s9 =	sadd.s32 s9, s22;
	s11 =	sadd.s32 s8, s23  }
0x435: {  	s8 =	smul.u32 $0x68DB8BAD, s14;
	s22 =	sshra.s32 s21, $0x1F;
	s23 =	rddreg [dreg:$0x14]  }
0x436: {  	s7 =	sadd.s32 s7, s23;
	s14 =	smul.u32 $0x68DB8BAD, s22;
	s22 =	rddreg [dreg:$0x15]  }
0x437: {  	s23 =	smul.u32 $0x68DB8BAD, s18;
	s21 =	sadd.s32 s8, s22;
	s22 =	rddreg [dreg:$0x17]  }
0x438: {  	s18 =	sadd.s32 s14, s22;
	s14 =	sshra.s32 s31, $0x1F;
	s22 =	smul.u32 $0x68DB8BAD, s6  }
0x439: {  	vm7 =	vcmask $0x3734;
	s6 =	sadd.s32 s23, s28;
	s23 =	sshra.s32 s25, $0x1F;
	s14 =	smul.u32 $0x68DB8BAD, s14  }
0x43a: {  	s0 =	sshra.s32 s0, $0x1F;
	v27 =	vsel vm4, s15, v50;
	(v2sf) =	vpush v34, $0xC;
	v57 =	vsel vm7, s26, v52;
	s26 =	sshrl.u32 s24, $0x1F;
	s8 =	smul.u32 $0x68DB8BAD, s23  }
0x43b: {  	v43 =	vsel vm4, s1, v53;
	vm13 =	vcmask $0x2B28;
	v45 =	vsel vm4, s19, v46;
	s25 =	rddreg [dreg:$0x18];
	s23 =	smul.u32 $0x68DB8BAD, s0;
	s0 =	sshrl.u32 s9, $0x1F  }
0x43c: {  	v56 =	vsel vm4, s30, v54;
	vm8 =	vcmask $0x3330;
	vm9 =	vcmask $0x3B38;
	s9 =	sshra.s32 s9, $0xB;
	s22 =	sadd.s32 s22, s17;
	s17 =	smul.u32 $0x68DB8BAD, s5  }
0x43d: {  	vm14 =	vcmask $0x300;
	vm0 =	vcmask $0x704;
	v51 =	vmov s9;
	s9 =	sshrl.u32 s12, $0x1F;
	s12 =	sshra.s32 s12, $0xB;
	s14 =	sadd.s32 s14, s25  }
0x43e: {  	vm11 =	vcmask $0x1714;
	v44 =	vsel vm13, s20, v47;
	(v2sf) =	vpush v34, $0x8;
	s15 =	sadd.s32 s8, s2;
	s8 =	spop (v2sf);
	s2 =	sshra.s32 s22, $0xB  }
0x43f: {  	v27 =	vcombine.low v43, v27;
	v45 =	vcombine.low v56, v45;
	v44 =	vsel vm8, s29, v44;
	s19 =	sshra.s32 s22, $0x1F;
	s20 =	sshrl.u32 s22, $0x1F;
	s22 =	sshra.s32 s6, $0x1F  }
0x440: {  	(v2sf) =	vpush v34, $0xD;
	v47 =	vsel vm9, s4, v57;
	v44 =	vsel vm9, s3, v44;
	s25 =	sshrl.u32 s21, $0x1F;
	s21 =	sshra.s32 s21, $0xB;
	s1 =	spop (v2sf)  }
0x441: {  	v49 =	vmov s0;
	v48 =	vmov s22;
	s22 =	sshra.s32 s24, $0xB;
	s4 =	sshra.s32 s8, $0x1F;
	v59 =	vmov s20;
	s20 =	sshra.s32 s15, $0xB  }
0x442: {  	(v2sf) =	vpush v34, $0x9;
	v49 =	vsel vm12, s26, v49;
	v58 =	vmov s25;
	s24 =	sshrl.u32 s11, $0x1F;
	s25 =	sshra.s32 s15, $0x1F;
	s26 =	sshra.s32 s14, $0xB  }
0x443: {  	v47 =	vperm.xlane v47, v30;
	v27 =	vperm.xlane v27, v29;
	v60 =	vmov s21;
	s21 =	rddreg [dreg:$0xd];
	s15 =	sshrl.u32 s15, $0x1F;
	s5 =	spop (v2sf)  }
0x444: {  	v45 =	vperm.xlane v45, v29;
	s8 =	smulhi.u32 $0x68DB8BAD, s8;
	v48 =	vsel vm14, s2, v48;
	v50 =	vsel vm12, s24, v58;
	s24 =	sshra.s32 s14, $0x1F;
	s3 =	spop (v2sf)  }
0x445: {  	v44 =	vperm.xlane v44, v30;
	v51 =	vsel vm12, s22, v51;
	s14 =	sshrl.u32 s14, $0x1F;
	s22 =	sshra.s32 s18, $0xB;
	v58 =	vld [tilespmem:$0x1FF90];
	v48 =	vsel vm0, s19, v48;
	s2 =	spop (v2sf)  }
0x446: {  	v56 =	vnsel vm14, $0x0, v59;
	vm0 =	vcmask $0xF0C;
	v48 =	vsel vm12, s20, v48;
	s20 =	sshra.s32 s11, $0xB;
	s11 =	sadd.s32 s23, s21;
	s23 =	sshrl.u32 s16, $0x1F  }
0x447: {  	s16 =	sshra.s32 s16, $0xB;
	s21 =	sshrl.u32 s10, $0x1F;
	v48 =	vsel vm0, s25, v48;
	v61 =	vsel vm12, s20, v60;
	s25 =	sshrl.u32 s13, $0x1F;
	v62 =	vsel vm5, s23, v49  }
0x448: {  	s10 =	sshra.s32 s10, $0xB;
	s0 =	spop (v2sf);
	s13 =	sshra.s32 s13, $0xB;
	v51 =	vsel vm5, s16, v51;
	v48 =	vsel vm5, s26, v48;
	v63 =	vsel vm5, s25, v50  }
0x449: {  	s19 =	sshra.s32 s11, $0x1F;
	s26 =	sshra.s32 s11, $0xB;
	v50 =	vsel vm12, s15, v56;
	s11 =	sshrl.u32 s11, $0x1F;
	v59 =	vsel vm4, s9, v62;
	v48 =	vsel vm11, s24, v48  }
0x44a: {  	s15 =	sshra.s32 s5, $0x1F;
	s5 =	smulhi.u32 $0x68DB8BAD, s5;
	vm15 =	vnez.u8 v58;
	v62 =	vsel vm5, s14, v50;
	v48 =	vsel vm4, s26, v48;
	s26 =	rddreg [dreg:$0xc]  }
0x44b: {  	v57 =	vsel vm5, s13, v61;
	v43 =	vsel vm15, v47, v45;
	v47 =	vsel vm4, s11, v62;
	s11 =	sshra.s32 s1, $0x1F;
	s16 =	sadd.s32 s17, s26;
	s26 =	smul.u32 $0x68DB8BAD, s4  }
0x44c: {  	s23 =	sshra.s32 s18, $0x1F;
	s25 =	sshrl.u32 s18, $0x1F;
	v53 =	vsel vm4, s10, v57;
	s10 =	smul.u32 $0x68DB8BAD, s11  }
0x44d: {  	vm3 =	vcmask $0x1F1C;
	(v2sf) =	vpush v34, $0x5;
	s18 =	sshra.s32 s7, $0x1F;
	s24 =	sshra.s32 s7, $0xB;
	v27 =	vsel vm15, v44, v27;
	s11 =	smul.u32 $0x68DB8BAD, s15  }
0x44e: {  	v43 =	vadd.s32 v27, v43;
	v27 =	vsel vm3, s19, v48;
	s19 =	sshrl.u32 s7, $0x1F;
	v54 =	vsel vm6, s25, v47;
	s25 =	sshra.s32 s0, $0x1F;
	s0 =	smulhi.u32 $0x68DB8BAD, s0  }
0x44f: {  	vm2 =	vmmov vm12;
	(v2sf) =	vpush v34, $0xE;
	s7 =	spop (v2sf);
	v27 =	vsel vm6, s22, v27;
	s22 =	sshra.s32 s3, $0x1F;
	s3 =	smulhi.u32 $0x68DB8BAD, s3  }
0x450: {  	v61 =	vsel vm4, s21, v63;
	v63 =	vsel vm4, s12, v51;
	s12 =	sshrl.u32 s6, $0x1F;
	v46 =	vsel vm13, s19, v54;
	s19 =	sshra.s32 s7, $0x1F;
	s7 =	smulhi.u32 $0x68DB8BAD, s7  }
0x451: {  	vm0 =	vcmask $0x2724;
	vm12 =	vcmask $0x2F2C;
	s14 =	sshra.s32 s6, $0xB;
	v58 =	vsub.f32 v39, v42;
	s20 =	sshra.s32 s16, $0xB;
	s13 =	smul.u32 $0x68DB8BAD, s22  }
0x452: {  	v50 =	vsub.f32 v40, v41;
	v44 =	vcombine.low v61, v59;
	s21 =	sshrl.u32 s16, $0x1F;
	v27 =	vsel vm0, s23, v27;
	s23 =	sshra.s32 s2, $0x1F;
	s2 =	smulhi.u32 $0x68DB8BAD, s2  }
0x453: {  	v55 =	vcombine.low v53, v63;
	v61 =	vadd.f32 v42, v39;
	s16 =	sshra.s32 s16, $0x1F;
	s9 =	spop (v2sf);
	v27 =	vsel vm13, s24, v27;
	s24 =	smulhi.u32 $0x68DB8BAD, s1  }
0x454: {  	v63 =	vadd.f32 v41, v40;
	v60 =	vmul.u32 $0xFFFFEC78, v43;
	(v2sf) =	vpush v34, $0xA;
	s4 =	spop (v2sf);
	s5 =	sadd.s32 s11, s5;
	s15 =	smul.u32 $0x68DB8BAD, s23  }
0x455: {  	v39 =	vmul.f32 $5.120000000e+02, v58;
	v44 =	vperm.xlane v44, v29;
	v46 =	vsel vm8, s21, v46;
	s6 =	spop (v2sf);
	s1 =	sadd.s32 s26, s8;
	s23 =	smul.u32 $0x68DB8BAD, s25  }
0x456: {  	(v2sf) =	vpush v34, $0xF;
	s8 =	sshra.s32 s9, $0x1F;
	v49 =	vadd.s32 v31, v60;
	s22 =	sshra.s32 s5, $0xB;
	s9 =	smulhi.u32 $0x68DB8BAD, s9;
	v27 =	vsel vm12, s18, v27  }
0x457: {  	(v2sf) =	vpush v34, $0xB;
	s26 =	sshra.s32 s1, $0x1F;
	v47 =	vmul.u32 $0xC, v49;
	s3 =	sadd.s32 s13, s3;
	s8 =	smul.u32 $0x68DB8BAD, s8;
	v27 =	vsel vm8, s20, v27  }
0x458: {  	v46 =	vsel vm9, s12, v46;
	(v2sf) =	vpush v34, $0x6;
	s10 =	sadd.s32 s10, s24;
	s20 =	sshra.s32 s5, $0x1F;
	s24 =	sshra.s32 s6, $0x1F;
	v27 =	vsel vm7, s16, v27  }
0x459: {  	v46 =	vperm.xlane v46, v30;
	s21 =	sshra.s32 s3, $0xB;
	s2 =	sadd.s32 s15, s2;
	s25 =	sshra.s32 s3, $0x1F;
	v56 =	vor.u32 $0x2, v47;
	v27 =	vsel vm9, s14, v27  }
0x45a: {  	v48 =	vperm.xlane v55, v29;
	s0 =	sadd.s32 s23, s0;
	s6 =	smulhi.u32 $0x68DB8BAD, s6;
	s16 =	sshra.s32 s10, $0xB;
	v59 =	vor.u32 $0x3, v47;
	v27 =	vperm.xlane v27, v30  }
0x45b: {  	v42 =	vmul.f32 $5.120000000e+02, v63;
	s17 =	sshra.s32 s10, $0x1F;
	s10 =	sshrl.u32 s10, $0x1F;
	v31 =	vsel vm15, v46, v44;
	v52 =	vadd.s32 $0xA, v47;
	s18 =	smul.u32 $0x68DB8BAD, s24  }
0x45c: {  	s23 =	rddreg [dreg:$0xa];
	v60 =	vadd.s32 $0xB, v47;
	s14 =	sshra.s32 s4, $0x1F;
	v44 =	vmov s10;
	s4 =	smulhi.u32 $0x68DB8BAD, s4;
	v27 =	vsel vm15, v27, v48  }
0x45d: {  	s5 =	sshrl.u32 s5, $0x1F;
	s14 =	smul.u32 $0x68DB8BAD, s14;
	v48 =	vor.u32 s23, v0;
	s23 =	simm.s32 $0x8E20;
	v31 =	vadd.s32 v31, v27;
	v27 =	vmov s26  }
0x45e: {  	vm0 =	vcmask $0x704;
	s3 =	sshrl.u32 s3, $0x1F;
	s15 =	sshrl.u32 s2, $0x1F;
	v41 =	vnsel vm14, $0x0, v44;
	s6 =	sadd.s32 s18, s6;
	v62 =	vld.idx.msk [tilespmem:v56+s23+$0x0], $0xffff;
	v27 =	vsel vm14, s16, v27  }
0x45f: {  	v44 =	vmul.f32 $5.120000000e+02, v50;
	s4 =	sadd.s32 s14, s4;
	s26 =	smul.u32 $0x68DB8BAD, s19;
	s19 =	sshra.s32 s2, $0xB;
	v51 =	vld.idx.msk [tilespmem:v59+s23+$0x0], $0xffff;
	v57 =	vmul.u32 $0xFFFFEC78, v31;
	v27 =	vsel vm0, s17, v27  }
0x460: {  	v52 =	vld.idx.msk [tilespmem:v52+s23+$0x0], $0xffff;
	v59 =	vsel vm2, s5, v41;
	s5 =	sadd.s32 s8, s9;
	s16 =	sshra.s32 s2, $0x1F;
	vm0 =	vcmask $0xF0C;
	v27 =	vsel vm2, s22, v27;
	s22 =	spop (v2sf)  }
0x461: {  	v53 =	vld.idx.msk [tilespmem:v60+s23+$0x0], $0xffff;
	v41 =	vmul.f32 $5.120000000e+02, v61;
	s2 =	sshra.s32 s0, $0x1F;
	v46 =	vadd.s32 v32, v57;
	v27 =	vsel vm0, s20, v27;
	s24 =	sshra.s32 s22, $0x1F;
	s9 =	smulhi.u32 $0x68DB8BAD, s22  }
0x462: {  	v40 =	vmul.u32 $0x6, v48;
	s17 =	sshra.s32 s0, $0xB;
	v45 =	vmul.u32 $0xC, v46;
	s12 =	spop (v2sf);
	v27 =	vsel vm5, s21, v27;
	s20 =	smul.u32 $0x68DB8BAD, s24  }
0x463: {  	v61 =	vld [tilespmem:$0x1FFA0];
	v60 =	vsel vm5, s3, v59;
	v59 =	vadd.s32 $0x7, v47;
	s11 =	spop (v2sf);
	v27 =	vsel vm11, s25, v27;
	s25 =	sshra.s32 s12, $0x1F;
	s12 =	smulhi.u32 $0x68DB8BAD, s12  }
0x464: {  	s7 =	sadd.s32 s26, s7;
	vm0 =	vne.s32 v49, $0x0;
	v49 =	vsel vm4, s15, v60;
	v55 =	vor.u32 $0x2, v45;
	s26 =	sshra.s32 s11, $0x1F;
	s11 =	smulhi.u32 $0x68DB8BAD, s11  }
0x465: {  	s0 =	sshrl.u32 s0, $0x1F;
	v60 =	vadd.s32 $0x9, v47;
	v52 =	vmul.f32 v52, v62;
	v56 =	vor.u32 $0x3, v45;
	s21 =	spop (v2sf);
	s10 =	smul.u32 $0x68DB8BAD, s25  }
0x466: {  	v51 =	vmul.f32 v53, v51;
	v49 =	vsel vm6, s0, v49;
	v57 =	vadd.s32 $0xA, v45;
	s8 =	spop (v2sf);
	s22 =	sshra.s32 s21, $0x1F;
	s13 =	smul.u32 $0x68DB8BAD, s26  }
0x467: {  	v58 =	vadd.s32 $0xB, v45;
	v27 =	vsel vm4, s19, v27;
	s26 =	sshrl.u32 s7, $0x1F;
	s19 =	sshrl.u32 s5, $0x1F;
	v52 =	vmul.f32 $1.442695020e+00, v52;
	s5 =	sshra.s32 s5, $0xB  }
0x468: {  	v51 =	vmul.f32 $1.442695020e+00, v51;
	s9 =	sadd.s32 s20, s9;
	v27 =	vsel vm3, s16, v27;
	s16 =	spop (v2sf);
	vm3 =	vnez.u8 v61;
	s3 =	smul.u32 $0x68DB8BAD, s22  }
0x469: {  	s24 =	sshra.s32 s8, $0x1F;
	s22 =	sshrl.u32 s4, $0x1F;
	v61 =	vadd.s32 $0x4, v47;
	s8 =	smulhi.u32 $0x68DB8BAD, s8;
	v62 =	vmov s5;
	v27 =	vsel vm6, s17, v27;
	v50 =	vld.idx.msk [tilespmem:v55+s23+$0x0], $0xffff  }
0x46a: {  	s25 =	sshra.s32 s16, $0x1F;
	vm11 =	vmand vm3, vm0;
	vm3 =	vmmov vm10;
	s15 =	smul.u32 $0x68DB8BAD, s24;
	vm0 =	vcmask $0x2724;
	s24 =	sshrl.u32 s6, $0x1F;
	v55 =	vld.idx.msk [tilespmem:v56+s23+$0x0], $0xffff  }
0x46b: {  	(erf) = vpow2.f32 v52;
	v52 =	vadd.s32 $0x5, v47;
	s6 =	sshra.s32 s6, $0xB;
	s10 =	sadd.s32 s10, s12;
	v27 =	vsel vm0, s2, v27;
	s17 =	smul.u32 $0x68DB8BAD, s25;
	v54 =	vld.idx.msk [tilespmem:v57+s23+$0x0], $0xffff  }
0x46c: {  	s11 =	sadd.s32 s13, s11;
	(erf) = vpow2.f32 v51;
	v51 =	vmov s26;
	s25 =	sshra.s32 s9, $0xB;
	s26 =	smulhi.u32 $0x68DB8BAD, s21;
	v62 =	vsel vm2, s6, v62;
	v53 =	vld.idx.msk [tilespmem:v58+s23+$0x0], $0xffff  }
0x46d: {  	s12 =	sshrl.u32 s10, $0x1F;
	v56 =	vor.u32 $0x1, v47;
	v27 =	vsel vm13, s25, v27;
	v51 =	vsel vm2, s22, v51;
	s25 =	sshra.s32 s11, $0xB;
	s8 =	sadd.s32 s15, s8  }
0x46e: {  	v57 =	vadd.s32 $0x8, v47;
	s3 =	sadd.s32 s3, s26;
	v51 =	vsel vm5, s12, v51;
	s12 =	sshrl.u32 s9, $0x1F;
	v62 =	vsel vm5, s25, v62;
	s0 =	sshra.s32 s8, $0xB  }
0x46f: {  	s21 =	smulhi.u32 $0x68DB8BAD, s16;
	v58 =	vadd.s32 $0x6, v47;
	s22 =	sshra.s32 s10, $0xB;
	s10 =	sshrl.u32 s3, $0x1F;
	v49 =	vsel vm13, s12, v49;
	v62 =	vsel vm4, s0, v62  }
0x470: {  	s7 =	sshra.s32 s7, $0xB;
	s4 =	sshra.s32 s4, $0xB;
	v51 =	vsel vm4, s10, v51;
	v50 =	vmul.f32 v54, v50;
	v54 =	vmov s19  }
0x471: {  	s13 =	sshrl.u32 s11, $0x1F;
	s26 =	sadd.s32 s17, s21;
	v53 =	vmul.f32 v53, v55;
	v55 =	vmov s7;
	v54 =	vsel vm2, s24, v54;
	s24 =	sshra.s32 s9, $0x1F  }
0x472: {  	s11 =	sshrl.u32 s8, $0x1F;
	s7 =	sshra.s32 s26, $0xB;
	v55 =	vsel vm2, s4, v55;
	v27 =	vsel vm12, s24, v27;
	v54 =	vsel vm5, s13, v54  }
0x473: {  	s3 =	sshra.s32 s3, $0xB;
	v55 =	vsel vm5, s22, v55;
	s13 =	sshrl.u32 s26, $0x1F;
	v27 =	vsel vm8, s7, v27;
	v54 =	vsel vm4, s11, v54  }
0x474: {  	s14 =	sshrl.u32 s1, $0x1F;
	v63 =	vld.idx.msk [tilespmem:v47+s23+$0x0], $0xffff;
	s2 =	sshra.s32 s26, $0x1F;
	v55 =	vsel vm4, s3, v55;
	v49 =	vsel vm8, s13, v49;
	v51 =	vcombine.low v54, v51  }
0x475: {  	s15 =	sshra.s32 s1, $0xB;
	v61 =	vld.idx.msk [tilespmem:v61+s23+$0x0], $0xffff;
	v27 =	vsel vm7, s2, v27;
	v47 =	vcombine.low v62, v55;
	v49 =	vsel vm9, s14, v49  }
0x476: {  	v58 =	vld.idx.msk [tilespmem:v58+s23+$0x0], $0xffff;
	v27 =	vsel vm9, s15, v27;
	v49 =	vperm.xlane v49, v30;
	v51 =	vperm.xlane v51, v29  }
0x477: {  	vm6 =	vne.s32 v46, $0x0;
	v55 =	vld.idx.msk [tilespmem:v57+s23+$0x0], $0xffff;
	v27 =	vperm.xlane v27, v30;
	v47 =	vperm.xlane v47, v29  }
0x478: {  	vm10 =	vlt.u32 v48, $0xC8;
	v50 =	vmul.f32 $1.442695020e+00, v50;
	v57 =	vld.idx.msk [tilespmem:v60+s23+$0x0], $0xffff;
	v60 =	vor.u32 $0x1, v45  }
0x479: {  	v49 =	vsel vm15, v49, v51;
	v51 =	vld.idx.msk [tilespmem:v59+s23+$0x0], $0xffff;
	v59 =	vadd.s32 $0x8, v45;
	v27 =	vsel vm15, v27, v47  }
0x47a: {  	v53 =	vmul.f32 $1.442695020e+00, v53;
	v54 =	vld.idx.msk [tilespmem:v56+s23+$0x0], $0xffff;
	v62 =	vadd.s32 $0x9, v45;
	v47 =	vadd.s32 v49, v27  }
0x47b: {  	vm0 =	vlt.s32 v32, $0x1;
	(erf) = vpow2.f32 v50;
	v27 =	vld.idx.msk [tilespmem:v52+s23+$0x0], $0xffff;
	v50 =	vmul.u32 $0xFFFFEC78, v47  }
0x47c: {  	v32 =	vadd.s32 $0x7, v45;
	v56 =	vsel vm11, $0xFFFFFFFF, v1;
	(erf) = vpow2.f32 v53;
	v52 =	vld.idx.msk [tilespmem:v45+s23+$0x0], $0xffff  }
0x47d: {  	v49 =	vadd.s32 $0x6, v45;
	v46 =	vld.idx.msk [tilespmem:v60+s23+$0x0], $0xffff;
	v60 =	vmul.f32 v55, v63;
	v34 =	vadd.s32 v34, v50  }
0x47e: {  	v43 =	vadd.s32 v56, v43;
	v50 =	vadd.s32 $0x4, v45;
	v53 =	vld.idx.msk [tilespmem:v59+s23+$0x0], $0xffff;
	v55 =	vmul.u32 $0xC, v34  }
0x47f: {  	v43 =	vadd.s32 $0x1, v43;
	v54 =	vmul.f32 v57, v54;
	v56 =	vld.idx.msk [tilespmem:v62+s23+$0x0], $0xffff;
	v45 =	vadd.s32 $0x5, v45  }
0x480: {  	vm11 =	vmand vm0, vm6;
	v43 =	vcvt.s32.f32 v43;
	v59 =	vor.u32 $0x2, v55  }
0x481: {  	s18 =	rddreg [dreg:$0x7];
	v32 =	vld.idx.msk [tilespmem:v32+s23+$0x0], $0xffff;
	s24 =	simm.s32 $0x17880;
	v48 =	vmul.f32 v60, v58;
	v60 =	vpop (erf);
	v54 =	vmul.f32 v54, v51;
	v62 =	vor.u32 $0x3, v55  }
0x482: {  	s16 =	rddreg [dreg:$0x8];
	[tilespmem:v35+s24+$0x0] =	vst.idx.msk vm1, v39;
	v57 =	vor.u32 $0x1, v40;
	v49 =	vld.idx.msk [tilespmem:v49+s23+$0x0], $0xffff;
	v58 =	vmul.f32 v60, v58;
	v60 =	vadd.s32 $0xA, v55  }
0x483: {  	v48 =	vadd.f32 v48, v61;
	v61 =	vpop (erf);
	v50 =	vld.idx.msk [tilespmem:v50+s23+$0x0], $0xffff;
	v52 =	vmul.f32 v53, v52;
	v53 =	vadd.s32 $0xB, v55  }
0x484: {  	s17 =	sadd.s32 $0x10, s16;
	vm0 =	vne.s32 v34, $0x0;
	v46 =	vmul.f32 v56, v46;
	v51 =	vmul.f32 v61, v51;
	v61 =	vpop (erf);
	v45 =	vld.idx.msk [tilespmem:v45+s23+$0x0], $0xffff  }
0x485: {  	[tilespmem:v36+s24+$0x0] =	vst.idx.msk vm1, v44;
	v34 =	vor.u32 s17, v0;
	v56 =	vadd.s32 $0x2, v40;
	v27 =	vadd.f32 v54, v27;
	v54 =	vpop (erf);
	v59 =	vld.idx.msk [tilespmem:v59+s23+$0x0], $0xffff  }
0x486: {  	vm3 =	vmand vm3, vm0;
	v46 =	vmul.f32 v46, v32;
	v32 =	vmul.f32 v54, v32;
	v54 =	vld.idx.msk [tilespmem:v62+s23+$0x0], $0xffff  }
0x487: {  	[tilespmem:v37+s24+$0x0] =	vst.idx.msk vm1, v41;
	v39 =	vadd.s32 $0x8, v55;
	v44 =	vadd.s32 $0x9, v55;
	v41 =	vadd.s32 $0x6, v55;
	v60 =	vld.idx.msk [tilespmem:v60+s23+$0x0], $0xffff  }
0x488: {  	[tilespmem:v38+s24+$0x0] =	vst.idx.msk vm1, v42;
	v42 =	vadd.s32 $0x7, v55;
	v58 =	vmul.f32 $5.000000000e-01, v58;
	v51 =	vmul.f32 $5.000000000e-01, v51;
	v53 =	vld.idx.msk [tilespmem:v53+s23+$0x0], $0xffff  }
0x489: {  	v52 =	vmul.f32 v52, v49;
	v49 =	vmul.f32 v61, v49;
	v61 =	vadd.s32 $0x3, v40  }
0x48a: {  	v62 =	vsel vm11, $0xFFFFFFFF, v1;
	vm11 =	vlt.u32 v34, $0xC8;
	v34 =	vmul.u32 $0x6, v34  }
0x48b: {  	v32 =	vmul.f32 $5.000000000e-01, v32;
	v31 =	vadd.s32 v62, v31;
	v62 =	vadd.s32 $0x4, v40  }
0x48c: {  	v50 =	vadd.f32 v52, v50;
	v52 =	vor.u32 $0x1, v34;
	v59 =	vmul.f32 v60, v59  }
0x48d: {  	v45 =	vadd.f32 v46, v45;
	v46 =	vadd.s32 $0x2, v34;
	v53 =	vmul.f32 v53, v54  }
0x48e: {  	s0 =	sadd.s32 $0x20, s18;
	v49 =	vmul.f32 $5.000000000e-01, v49;
	v31 =	vadd.s32 $0x1, v31;
	v59 =	vmul.f32 $1.442695020e+00, v59  }
0x48f: {  	v35 =	vld [tilespmem:s0+$0x0];
	v36 =	vadd.s32 $0x3, v34;
	v54 =	vor.u32 $0x1, v55;
	v53 =	vmul.f32 $1.442695020e+00, v53  }
0x490: {  	v39 =	vld.idx.msk [tilespmem:v39+s23+$0x0], $0xffff;
	v31 =	vcvt.s32.f32 v31;
	v37 =	vsub.f32 v45, v32;
	(erf) = vpow2.f32 v59  }
0x491: {  	v44 =	vld.idx.msk [tilespmem:v44+s23+$0x0], $0xffff;
	v38 =	vadd.f32 v49, v50;
	v60 =	vsub.f32 v50, v49;
	(erf) = vpow2.f32 v53  }
0x492: {  	v41 =	vld.idx.msk [tilespmem:v41+s23+$0x0], $0xffff;
	v32 =	vadd.f32 v32, v45;
	v50 =	vadd.s32 $0x4, v34;
	[tilespmem:v34+s24+$0x0] =	vst.idx.msk vm11, v31;
	v31 =	vadd.s32 $0x4, v55  }
0x493: {  	v45 =	vadd.s32 $0x5, v40;
	v49 =	vld.idx.msk [tilespmem:v55+s23+$0x0], $0xffff;
	v63 =	vmul.f32 $5.120000000e+02, v60;
	v59 =	vadd.s32 $0x5, v55  }
0x494: {  	v34 =	vadd.s32 $0x5, v34;
	v37 =	vmul.f32 $5.120000000e+02, v37;
	[tilespmem:v52+s24+$0x0] =	vst.idx.msk vm11, v35;
	v60 =	vsub.f32 v48, v58;
	v54 =	vld.idx.msk [tilespmem:v54+s23+$0x0], $0xffff  }
0x495: {  	v38 =	vmul.f32 $5.120000000e+02, v38;
	v48 =	vadd.f32 v58, v48;
	[tilespmem:v46+s24+$0x0] =	vst.idx.msk vm11, v63;
	v63 =	vsub.f32 v27, v51  }
0x496: {  	v32 =	vmul.f32 $5.120000000e+02, v32;
	v27 =	vadd.f32 v51, v27;
	v51 =	vor.u32 s16, v0;
	[tilespmem:v36+s24+$0x0] =	vst.idx.msk vm11, v37;
	v37 =	vld.idx.msk [tilespmem:v42+s23+$0x0], $0xffff  }
0x497: {  	v55 =	vsel vm3, $0xFFFFFFFF, v1;
	v36 =	vmul.f32 $5.120000000e+02, v60;
	[tilespmem:v50+s24+$0x0] =	vst.idx.msk vm11, v38;
	v38 =	vmul.f32 $5.120000000e+02, v63;
	v31 =	vld.idx.msk [tilespmem:v31+s23+$0x0], $0xffff  }
0x498: {  	[tilespmem:v40+s24+$0x0] =	vst.idx.msk vm10, v43;
	vm1 =	vlt.u32 v51, $0xC8;
	v50 =	vmul.f32 $5.120000000e+02, v48;
	v53 =	vmul.f32 v39, v49;
	v52 =	vld.idx.msk [tilespmem:v59+s23+$0x0], $0xffff  }
0x499: {  	v27 =	vmul.f32 $5.120000000e+02, v27;
	[tilespmem:v34+s24+$0x0] =	vst.idx.msk vm11, v32;
	v32 =	vmul.u32 $0x6, v51;
	v58 =	vmul.f32 v44, v54;
	v59 =	vpop (erf)  }
0x49a: {  	v39 =	vadd.s32 v55, v47;
	v35 =	vmul.f32 v53, v41;
	v41 =	vmul.f32 v59, v41;
	v60 =	vpop (erf)  }
0x49b: {  	[tilespmem:v57+s24+$0x0] =	vst.idx.msk vm10, v33;
	v47 =	vadd.s32 $0x1, v39;
	v40 =	vmul.f32 v58, v37;
	v37 =	vmul.f32 v60, v37  }
0x49c: {  	v46 =	vld [tilespmem:s0+$0xFFFFFFF0];
	[tilespmem:v56+s24+$0x0] =	vst.idx.msk vm10, v36;
	v63 =	vor.u32 $0x1, v32;
	v31 =	vadd.f32 v35, v31;
	v48 =	vmul.f32 $5.000000000e-01, v41  }
0x49d: {  	[tilespmem:v61+s24+$0x0] =	vst.idx.msk vm10, v38;
	v49 =	vadd.s32 $0x2, v32;
	v34 =	vadd.f32 v40, v52;
	v37 =	vmul.f32 $5.000000000e-01, v37  }
0x49e: {  	[tilespmem:v62+s24+$0x0] =	vst.idx.msk vm10, v50;
	v36 =	vcvt.s32.f32 v47;
	v50 =	vadd.s32 $0x3, v32;
	v51 =	vsub.f32 v31, v48  }
0x49f: {  	[tilespmem:v45+s24+$0x0] =	vst.idx.msk vm10, v27;
	v27 =	vadd.s32 $0x4, v32;
	v52 =	vsub.f32 v34, v37  }
0x4a0: {  	[tilespmem:v32+s24+$0x0] =	vst.idx.msk vm1, v36;
	v32 =	vadd.s32 $0x5, v32;
	v31 =	vadd.f32 v48, v31;
	v53 =	vmul.f32 $5.120000000e+02, v51  }
0x4a1: {  	[tilespmem:v63+s24+$0x0] =	vst.idx.msk vm1, v46;
	v34 =	vadd.f32 v37, v34;
	v54 =	vmul.f32 $5.120000000e+02, v52  }
0x4a2: {  	v31 =	vmul.f32 $5.120000000e+02, v31;
	[tilespmem:v49+s24+$0x0] =	vst.idx.msk vm1, v53  }
0x4a3: {  	v34 =	vmul.f32 $5.120000000e+02, v34;
	[tilespmem:v50+s24+$0x0] =	vst.idx.msk vm1, v54  }
0x4a4: {  	[tilespmem:v27+s24+$0x0] =	vst.idx.msk vm1, v31  }
0x4a5: {  	[tilespmem:v32+s24+$0x0] =	vst.idx.msk vm1, v34  }
0x4a6: {  	v31 =	vld [tilespmem:$0x8E10];
	_ =	sdelay $0x4  }
0x4a7: {  	(v2sf) =	vpush v31, $0xD;
	_ =	sdelay $0x1  }
0x4a8: {  	(v2sf) =	vpush v31, $0xC;
	_ =	sdelay $0x1  }
0x4a9: {  	(v2sf) =	vpush v31, $0xE;
	_ =	sdelay $0x1  }
0x4aa: {  	(v2sf) =	vpush v31, $0xF;
	_ =	sdelay $0x1  }
0x4ab: {  	(v2sf) =	vpush v31, $0x9;
	_ =	sdelay $0x1  }
0x4ac: {  	(v2sf) =	vpush v31, $0x8;
	_ =	sdelay $0x1  }
0x4ad: {  	(v2sf) =	vpush v31, $0xA;
	_ =	sdelay $0x1  }
0x4ae: {  	(v2sf) =	vpush v31, $0xB  }
0x4af: {  	s19 =	spop (v2sf)  }
0x4b0: {  	(v2sf) =	vpush v31, $0x0;
	s20 =	smulhi.u32 $0x68DB8BAD, s19;
	s0 =	sshra.s32 s19, $0x1F  }
0x4b1: {  	s6 =	spop (v2sf);
	s0 =	smul.u32 $0x68DB8BAD, s0  }
0x4b2: {  	(v2sf) =	vpush v31, $0x1;
	s3 =	smulhi.u32 $0x68DB8BAD, s6;
	s2 =	sshra.s32 s6, $0x1F  }
0x4b3: {  	s7 =	spop (v2sf);
	s2 =	smul.u32 $0x68DB8BAD, s2  }
0x4b4: {  	(v2sf) =	vpush v31, $0x2;
	s6 =	smulhi.u32 $0x68DB8BAD, s7;
	s4 =	sshra.s32 s7, $0x1F  }
0x4b5: {  	s8 =	spop (v2sf);
	s4 =	smul.u32 $0x68DB8BAD, s4  }
0x4b6: {  	(v2sf) =	vpush v31, $0x3;
	s7 =	smulhi.u32 $0x68DB8BAD, s8;
	s5 =	sshra.s32 s8, $0x1F  }
0x4b7: {  	(v2sf) =	vpush v31, $0x4;
	s9 =	spop (v2sf);
	s8 =	smul.u32 $0x68DB8BAD, s5  }
0x4b8: {  	(v2sf) =	vpush v31, $0x5;
	s10 =	smulhi.u32 $0x68DB8BAD, s9;
	s5 =	sshra.s32 s9, $0x1F  }
0x4b9: {  	(v2sf) =	vpush v31, $0x6;
	s12 =	spop (v2sf);
	s11 =	smul.u32 $0x68DB8BAD, s5  }
0x4ba: {  	(v2sf) =	vpush v31, $0x7;
	s13 =	smulhi.u32 $0x68DB8BAD, s12;
	s5 =	sshra.s32 s12, $0x1F  }
0x4bb: {  	s21 =	spop (v2sf);
	s22 =	smul.u32 $0x68DB8BAD, s5  }
0x4bc: {  	s14 =	smulhi.u32 $0x68DB8BAD, s21;
	s25 =	sshra.s32 s21, $0x1F  }
0x4bd: {  	s26 =	spop (v2sf);
	s15 =	smul.u32 $0x68DB8BAD, s25  }
0x4be: {  	s1 =	sadd.s32 s0, s20;
	s16 =	smulhi.u32 $0x68DB8BAD, s26;
	s12 =	sshra.s32 s26, $0x1F  }
0x4bf: {  	s19 =	sshrl.u32 s1, $0x1F;
	s17 =	spop (v2sf);
	s12 =	smul.u32 $0x68DB8BAD, s12  }
0x4c0: {  	s5 =	sadd.s32 s2, s3;
	s20 =	smulhi.u32 $0x68DB8BAD, s17;
	s25 =	sshra.s32 s17, $0x1F  }
0x4c1: {  	s2 =	sadd.s32 s4, s6;
	s18 =	spop (v2sf);
	s26 =	smul.u32 $0x68DB8BAD, s25  }
0x4c2: {  	s0 =	sadd.s32 s8, s7;
	s21 =	smulhi.u32 $0x68DB8BAD, s18;
	s6 =	sshra.s32 s18, $0x1F  }
0x4c3: {  	s3 =	sadd.s32 s11, s10;
	s7 =	smul.u32 $0x68DB8BAD, s6;
	s8 =	spop (v2sf)  }
0x4c4: {  	s6 =	sadd.s32 s12, s16;
	s9 =	smulhi.u32 $0x68DB8BAD, s8;
	s4 =	sshra.s32 s8, $0x1F  }
0x4c5: {  	s8 =	sadd.s32 s22, s13;
	s13 =	spop (v2sf);
	s10 =	smul.u32 $0x68DB8BAD, s4  }
0x4c6: {  	s11 =	smulhi.u32 $0x68DB8BAD, s13;
	s17 =	sshra.s32 s13, $0x1F;
	s22 =	spop (v2sf)  }
0x4c7: {  	s4 =	sadd.s32 s15, s14;
	s14 =	smul.u32 $0x68DB8BAD, s17;
	s15 =	spop (v2sf)  }
0x4c8: {  	s17 =	smulhi.u32 $0x68DB8BAD, s22;
	s13 =	sshra.s32 s22, $0x1F;
	s22 =	spop (v2sf)  }
0x4c9: {  	s16 =	sadd.s32 s26, s20;
	s12 =	smul.u32 $0x68DB8BAD, s13;
	s25 =	spop (v2sf)  }
0x4ca: {  	s20 =	sshrl.u32 s5, $0x1F;
	s26 =	smulhi.u32 $0x68DB8BAD, s25;
	s13 =	sshra.s32 s25, $0x1F  }
0x4cb: {  	s1 =	sshra.s32 s1, $0xB;
	s21 =	sadd.s32 s7, s21;
	v55 =	vmov s20;
	s25 =	smul.u32 $0x68DB8BAD, s13  }
0x4cc: {  	s18 =	sshrl.u32 s3, $0x1F;
	s5 =	sshra.s32 s5, $0xB;
	v32 =	vsel vm2, s19, v55;
	s19 =	sshra.s32 s21, $0x1F  }
0x4cd: {  	s20 =	sshrl.u32 s8, $0x1F;
	s9 =	sadd.s32 s10, s9;
	s7 =	sadd.s32 s25, s26  }
0x4ce: {  	vm6 =	vcmask $0x2320;
	s10 =	sshrl.u32 s0, $0x1F;
	s11 =	sadd.s32 s14, s11;
	s26 =	sshra.s32 s7, $0x1F  }
0x4cf: {  	vm0 =	vcmask $0xF0C;
	v58 =	vmov s5;
	s14 =	smulhi.u32 $0x68DB8BAD, s15;
	s15 =	sshra.s32 s15, $0x1F;
	s25 =	sshra.s32 s16, $0xB;
	v27 =	vmov s26  }
0x4d0: {  	vm1 =	vcmask $0x704;
	v35 =	vsel vm2, s1, v58;
	s15 =	smul.u32 $0x68DB8BAD, s15;
	s26 =	sshrl.u32 s16, $0x1F;
	s16 =	sshra.s32 s16, $0x1F;
	v27 =	vsel vm14, s25, v27  }
0x4d1: {  	v57 =	vmov s20;
	s12 =	sadd.s32 s12, s17;
	s13 =	sshrl.u32 s2, $0x1F;
	v56 =	vmov s26;
	s26 =	sshra.s32 s21, $0xB;
	v27 =	vsel vm1, s16, v27  }
0x4d2: {  	s17 =	sshra.s32 s22, $0x1F;
	s14 =	sadd.s32 s15, s14;
	v32 =	vsel vm5, s13, v32;
	s25 =	sshrl.u32 s21, $0x1F;
	v33 =	vnsel vm14, $0x0, v56;
	v27 =	vsel vm2, s26, v27  }
0x4d3: {  	s13 =	smulhi.u32 $0x68DB8BAD, s22;
	v32 =	vsel vm4, s10, v32;
	s10 =	sshra.s32 s8, $0xB;
	v33 =	vsel vm2, s25, v33;
	s25 =	sshra.s32 s9, $0xB;
	v27 =	vsel vm0, s19, v27  }
0x4d4: {  	s15 =	sshra.s32 s3, $0xB;
	v59 =	vmov s10;
	s21 =	sshrl.u32 s9, $0x1F;
	s9 =	sshra.s32 s9, $0x1F;
	vm0 =	vcmask $0x1714;
	v27 =	vsel vm5, s25, v27  }
0x4d5: {  	v34 =	vsel vm2, s18, v57;
	s20 =	sshra.s32 s11, $0xB;
	s22 =	smul.u32 $0x68DB8BAD, s17;
	v36 =	vsel vm2, s15, v59;
	v27 =	vsel vm0, s9, v27  }
0x4d6: {  	s17 =	sshrl.u32 s11, $0x1F;
	s11 =	sshra.s32 s11, $0x1F;
	s26 =	sshrl.u32 s4, $0x1F;
	v33 =	vsel vm5, s21, v33;
	vm0 =	vcmask $0x1F1C;
	v27 =	vsel vm4, s20, v27  }
0x4d7: {  	v34 =	vsel vm5, s26, v34;
	s21 =	sshrl.u32 s6, $0x1F;
	s26 =	sshra.s32 s12, $0xB;
	v33 =	vsel vm4, s17, v33;
	v27 =	vsel vm0, s11, v27  }
0x4d8: {  	s19 =	sshrl.u32 s12, $0x1F;
	v34 =	vsel vm4, s21, v34;
	s17 =	sshra.s32 s4, $0xB;
	s11 =	sshra.s32 s12, $0x1F;
	vm0 =	vcmask $0x2724;
	v27 =	vsel vm6, s26, v27  }
0x4d9: {  	s13 =	sadd.s32 s22, s13;
	s22 =	sshrl.u32 s14, $0x1F;
	s16 =	sshra.s32 s14, $0xB;
	v33 =	vsel vm6, s19, v33;
	v36 =	vsel vm5, s17, v36;
	v27 =	vsel vm0, s11, v27  }
0x4da: {  	s18 =	sshra.s32 s14, $0x1F;
	s19 =	sshra.s32 s6, $0xB;
	v32 =	vcombine.low v34, v32;
	v33 =	vsel vm13, s22, v33;
	s12 =	sshra.s32 s2, $0xB;
	v27 =	vsel vm13, s16, v27  }
0x4db: {  	s0 =	sshra.s32 s0, $0xB;
	s25 =	sshrl.u32 s13, $0x1F;
	s20 =	sshra.s32 s13, $0xB;
	v36 =	vsel vm4, s19, v36;
	v35 =	vsel vm5, s12, v35;
	v27 =	vsel vm12, s18, v27  }
0x4dc: {  	s21 =	sshrl.u32 s7, $0x1F;
	s22 =	sshra.s32 s13, $0x1F;
	v33 =	vsel vm8, s25, v33;
	v35 =	vsel vm4, s0, v35;
	v27 =	vsel vm8, s20, v27  }
0x4dd: {  	s25 =	sshra.s32 s7, $0xB;
	v33 =	vsel vm9, s21, v33;
	v60 =	vcombine.low v36, v35;
	v27 =	vsel vm7, s22, v27  }
0x4de: {  	v32 =	vperm.xlane v32, v29;
	v33 =	vperm.xlane v33, v30;
	v27 =	vsel vm9, s25, v27  }
0x4df: {  	v34 =	vperm.xlane v60, v29;
	v27 =	vperm.xlane v27, v30;
	_ =	sdelay $0x1  }
0x4e0: {  	v30 =	vsel vm15, v33, v32;
	v27 =	vsel vm15, v27, v34  }
0x4e1: {  	v27 =	vadd.s32 v30, v27  }
0x4e2: {  	v30 =	vmul.u32 $0xFFFFEC78, v27;
	_ =	sdelay $0x1  }
0x4e3: {  	v30 =	vadd.s32 v31, v30  }
0x4e4: {  	v61 =	vmul.u32 $0xC, v30;
	_ =	sdelay $0x1  }
0x4e5: {  	v62 =	vor.u32 $0x2, v61  }
0x4e6: {  	v63 =	vor.u32 $0x3, v61  }
0x4e7: {  	v40 =	vadd.s32 $0xA, v61  }
0x4e8: {  	v41 =	vadd.s32 $0xB, v61;
	_ =	sdelay $0x1  }
0x4e9: {  	v33 =	vld.idx.msk [tilespmem:v62+s23+$0x0], $0xffff  }
0x4ea: {  	v34 =	vld.idx.msk [tilespmem:v63+s23+$0x0], $0xffff  }
0x4eb: {  	v35 =	vld.idx.msk [tilespmem:v40+s23+$0x0], $0xffff  }
0x4ec: {  	v36 =	vld.idx.msk [tilespmem:v41+s23+$0x0], $0xffff;
	_ =	sdelay $0x3  }
0x4ed: {  	v33 =	vmul.f32 v35, v33  }
0x4ee: {  	v42 =	vor.u32 $0x1, v61;
	v34 =	vmul.f32 v36, v34  }
0x4ef: {  	v43 =	vadd.s32 $0x8, v61;
	v33 =	vmul.f32 $1.442695020e+00, v33  }
0x4f0: {  	v44 =	vadd.s32 $0x9, v61;
	v34 =	vmul.f32 $1.442695020e+00, v34  }
0x4f1: {  	v45 =	vadd.s32 $0x6, v61;
	(erf) = vpow2.f32 v33  }
0x4f2: {  	v47 =	vadd.s32 $0x7, v61;
	v46 =	vld.idx.msk [tilespmem:v61+s23+$0x0], $0xffff;
	(erf) = vpow2.f32 v34  }
0x4f3: {  	v49 =	vadd.s32 $0x4, v61;
	v48 =	vld.idx.msk [tilespmem:v42+s23+$0x0], $0xffff  }
0x4f4: {  	v32 =	vadd.s32 $0x5, v61;
	v36 =	vld.idx.msk [tilespmem:v43+s23+$0x0], $0xffff  }
0x4f5: {  	v37 =	vld.idx.msk [tilespmem:v44+s23+$0x0], $0xffff  }
0x4f6: {  	v38 =	vld.idx.msk [tilespmem:v45+s23+$0x0], $0xffff  }
0x4f7: {  	v52 =	vmul.u32 $0x6, v0;
	vm1 =	vne.s32 v30, $0x0;
	v30 =	vld.idx.msk [tilespmem:v47+s23+$0x0], $0xffff  }
0x4f8: {  	vm0 =	vlt.s32 v31, $0x1;
	v31 =	vld.idx.msk [tilespmem:v49+s23+$0x0], $0xffff  }
0x4f9: {  	v54 =	vor.u32 $0x480, v52;
	v32 =	vld.idx.msk [tilespmem:v32+s23+$0x0], $0xffff;
	v33 =	vmul.f32 v36, v46  }
0x4fa: {  	v58 =	vadd.s32 $0x482, v52;
	v57 =	vor.u32 $0x481, v52;
	v34 =	vmul.f32 v37, v48;
	v51 =	vpop (erf)  }
0x4fb: {  	vm0 =	vmand vm0, vm1;
	v33 =	vmul.f32 v33, v38;
	v35 =	vmul.f32 v51, v38;
	v53 =	vpop (erf)  }
0x4fc: {  	v50 =	vsel vm0, $0xFFFFFFFF, v1;
	v34 =	vmul.f32 v34, v30;
	v30 =	vmul.f32 v53, v30  }
0x4fd: {  	v55 =	vld [tilespmem:$0x8D40];
	v27 =	vadd.s32 v50, v27;
	v31 =	vadd.f32 v33, v31;
	v56 =	vmul.f32 $5.000000000e-01, v35  }
0x4fe: {  	v27 =	vadd.s32 $0x1, v27;
	v32 =	vadd.f32 v34, v32;
	v30 =	vmul.f32 $5.000000000e-01, v30  }
0x4ff: {  	v60 =	vadd.s32 $0x483, v52;
	v27 =	vcvt.s32.f32 v27;
	v59 =	vsub.f32 v31, v56  }
0x500: {  	v62 =	vadd.s32 $0x484, v52;
	v61 =	vsub.f32 v32, v30  }
0x501: {  	[tilespmem:v54+s24+$0x0] =	vst.idx.msk $0xff, v27;
	v27 =	vadd.s32 $0x485, v52;
	v31 =	vadd.f32 v56, v31;
	v39 =	vmul.f32 $5.120000000e+02, v59  }
0x502: {  	[tilespmem:v57+s24+$0x0] =	vst.idx.msk $0xff, v55;
	v30 =	vadd.f32 v30, v32;
	v63 =	vmul.f32 $5.120000000e+02, v61  }
0x503: {  	v31 =	vmul.f32 $5.120000000e+02, v31;
	[tilespmem:v58+s24+$0x0] =	vst.idx.msk $0xff, v39  }
0x504: {  	s26 =	sld [smem:$0x7F7];
	v30 =	vmul.f32 $5.120000000e+02, v30;
	[tilespmem:v60+s24+$0x0] =	vst.idx.msk $0xff, v63  }
0x505: {  	[tilespmem:v62+s24+$0x0] =	vst.idx.msk $0xff, v31  }
0x506: {  	s18 =	simm.s32 $0x0;
	[tilespmem:v27+s24+$0x0] =	vst.idx.msk $0xff, v30  }
0x507: {  	[hbm4b:s26+s18] =	stream.linear.scatter [tilespmem:s24], [sflag:$0x2], $0x4B0, $0x38;
	[tilespmem:$0x18EE8] =	vst v63  }
0x508: {  	s24 =	simm.s32 $0x2  }
0x509: {  	_ =	swait.ge [sflag:s24], $0x4B0  }
0x50a: {  	s17 =	rddreg [dreg:$0x1e]  }
0x50b: {  	s19 =	rddreg [dreg:$0x1f]  }
0x50c: {  	s20 =	sld [smem:$0x7F8]  }
0x50d: {  	s13 =	sld [smem:$0x7F9]  }
.Ltmp23:
0x50e: {  	s21 =	sld [smem:$0x7FA];
	(pc) =	sbr.rel .LBB2_36-.Ltmp23, $4  }
0x50f: {  	s30 =	simm.s32 $0x8300;
	s29 =	simm.s32 $0x81C0;
	s22 =	sld [smem:$0x7FB]  }
0x510: {  	s28 =	simm.s32 $0x17D30;
	s31 =	simm.s32 $0x8440;
	s7 =	sld [smem:$0x7DF]  }
0x511: {  	s25 =	simm.s32 $0x61C0;
	[sflag:s24] =	ssyncset.done $0x0;
	s12 =	sld [smem:$0x7FD]  }
0x512: {  	vm2 =	vmmov vm8;
	vm5 =	vmmov vm13;
	s26 =	simm.s32 $0x71C0;
	s23 =	sld [smem:$0x7FC];
	[sflag:s24] =	ssyncadd.s32 $0xFFFFFB50  }
.LBB2_37:
0x513: {  	_ =	sfence.sel $0x180000  }
0x514: {  	[bflag:$0x0] =	sbarrier.arrive $0xFFFF  }
0x515: {  	_ =	strace $0x90000047  }
0x516: {  	s0 =	stileid.u32;
	[bflag:$0x2] =	sbarrier.arrive $0xFFFF  }
0x517: {  	p0 =	sne.s32 s0, $0x0;
	s0 =	rddreg [dreg:$0x6]  }
0x518: {  	s0 =	sadd.s32 @!p0 $0x100000, s0  }
0x519: {  	[sflag:s0] =	ssyncadd.tile.s32 @!p0 $0x1;
	_ =	shalt  }
.Lfunc_end2:
_tile_overlayer_lowered:
.L_overlay_start_2:
0x51a: {  	(tag) =	ssettag $0x2  }
0x51b: {  	s0 =	rddreg [dreg:$0x0];
	s2 =	stileid.u32  }
0x51c: {  	s1 =	rddreg [dreg:$0x1];
	p0 =	sne.s32 s2, $0x0  }
0x51d: {  	s3 =	rddreg [dreg:$0x2];
	[bflag:$0x3] =	sbarrier.arrive $0xFFFF;
	s2 =	simm.s32 @!p0 $0x1C02  }
0x51e: {  	[timem:s3], [sflag:s2] =	dma.local @!p0 [hbm:s0], s1  }
0x51f: {  	s0 =	simm.s32 @!p0 $0x2  }
0x520: {  	_ =	swait.ge @!p0 [sflag:s0], s1  }
0x521: {  	s1 =	ssub.s32 @!p0 $0x0, s1;
	[sflag:s0] =	ssyncset.done @!p0 $0x0  }
0x522: {  	[sflag:s0] =	ssyncadd.s32 @!p0 s1  }
0x523: {  	[bflag:$0x3] =	sbarrier.arrive $0xFFFF  }
0x524: {  	_ =	shalt  }

</sc_bundles>
